<compile_context>
chip_gen: v7x
topology: tpu7x:2x2x1
jax: 0.10.2.dev20260603
libtpu: 0.0.44.dev20260713+nightly
codegen_flags: <defaults>
</compile_context>

<pallas_src>
import jax
import jax.numpy as jnp
from jax import lax
from jax.experimental import pallas as pl
from jax.experimental.pallas import tpu as pltpu
from jax.experimental.pallas import tpu_sc as plsc

_NC = 2
_NS = 16
_W = 80



def _dot_t(x, w):
    return lax.dot_general(x, w, (((1,), (1,)), ((), ())),
                           preferred_element_type=jnp.float32)


def _mm_split_body(x_ref, wl_ref, wr_ref, b_ref, ol_ref, or_ref):
    x = x_ref[...]
    ol_ref[...] = _dot_t(x, wl_ref[...])
    or_ref[...] = _dot_t(x, wr_ref[...]) + b_ref[...]


def _mm_split(x, wl, wr, b2d, grid=1):
    n = x.shape[0]
    d = x.shape[1]
    k = wl.shape[0]
    bn = n // grid
    return pl.pallas_call(
        _mm_split_body,
        grid=(grid,),
        in_specs=[pl.BlockSpec((bn, d), lambda i: (i, 0)),
                  pl.BlockSpec(wl.shape, lambda i: (0, 0)),
                  pl.BlockSpec(wr.shape, lambda i: (0, 0)),
                  pl.BlockSpec(b2d.shape, lambda i: (0, 0))],
        out_specs=[pl.BlockSpec((bn, k), lambda i: (i, 0)),
                   pl.BlockSpec((bn, k), lambda i: (i, 0))],
        out_shape=[jax.ShapeDtypeStruct((n, k), jnp.float32),
                   jax.ShapeDtypeStruct((n, k), jnp.float32)],
    )(x, wl, wr, b2d)


def _layer2_body(aggs_ref, wl_ref, wr_ref, b_ref, o_ref):
    c = wl_ref.shape[0]
    h = jnp.maximum(aggs_ref[0] + aggs_ref[1], 0.0)
    o_ref[:, :c] = _dot_t(h, wl_ref[...])
    o_ref[:, c:] = _dot_t(h, wr_ref[...]) + b_ref[...]


def _layer2(aggs, wl, wr, b2d, grid=1):
    n = aggs.shape[1]
    hd = aggs.shape[2]
    c = wl.shape[0]
    bn = n // grid
    return pl.pallas_call(
        _layer2_body,
        grid=(grid,),
        in_specs=[pl.BlockSpec((2, bn, hd), lambda i: (0, i, 0)),
                  pl.BlockSpec(wl.shape, lambda i: (0, 0)),
                  pl.BlockSpec(wr.shape, lambda i: (0, 0)),
                  pl.BlockSpec(b2d.shape, lambda i: (0, 0))],
        out_specs=pl.BlockSpec((bn, 2 * c), lambda i: (i, 0)),
        out_shape=jax.ShapeDtypeStruct((n, 2 * c), jnp.float32),
    )(aggs, wl, wr, b2d)


def _combine_body(aggs_ref, o_ref):
    o_ref[...] = aggs_ref[0] + aggs_ref[1]


def _combine(aggs2w):
    return pl.pallas_call(
        _combine_body,
        out_shape=jax.ShapeDtypeStruct(aggs2w.shape[1:], jnp.float32),
    )(aggs2w)



def _seg_sum_sc(feat, ei, init, init_col, nb, g, w=_W):
    f = feat.shape[1]
    n = init.shape[0]
    e = ei.shape[1]
    nw = _NC * _NS
    epw = e // nw
    cpw = epw // w
    rpt = n // _NS

    mesh = plsc.VectorSubcoreMesh(
        core_axis_name="c", subcore_axis_name="s",
        num_cores=_NC, num_subcores=_NS)

    def body(feat_hbm, ei_hbm, init_hbm, out_hbm,
             acc, sidx, didx, rbufs, gsems, ssems):
        c = lax.axis_index("c")
        s = lax.axis_index("s")
        wid = s * _NC + c
        r0 = s * rpt
        e0 = pl.multiple_of(wid * epw, 8)

        pltpu.async_copy(ei_hbm.at[0, pl.ds(e0, epw)], sidx, gsems[0])
        pltpu.async_copy(ei_hbm.at[1, pl.ds(e0, epw)], didx, gsems[1])

        @pl.when(c == 0)
        def _():
            pltpu.sync_copy(
                init_hbm.at[pl.ds(r0, rpt), pl.ds(init_col, f)],
                acc.at[pl.ds(r0, rpt)])

        @pl.when(c == 1)
        def _():
            zv = jnp.zeros((16,), jnp.float32)

            def zb(r, carry):
                for q in range(f // 16):
                    rbufs[0][r, pl.ds(q * 16, 16)] = zv
                return carry

            lax.fori_loop(0, w, zb, 0)
            nfull = rpt // w
            for t in range(nfull):
                pltpu.sync_copy(rbufs[0], acc.at[pl.ds(r0 + t * w, w)])
            rem = rpt - nfull * w
            if rem:
                pltpu.sync_copy(rbufs[0].at[pl.ds(0, rem)],
                                acc.at[pl.ds(r0 + nfull * w, rem)])

        pltpu.make_async_copy(ei_hbm.at[0, pl.ds(e0, epw)], sidx,
                              gsems[0]).wait()
        pltpu.make_async_copy(ei_hbm.at[1, pl.ds(e0, epw)], didx,
                              gsems[1]).wait()

        def cidx(k):
            return pl.multiple_of(k * w, 8)

        def gather(k, b):
            pltpu.async_copy(feat_hbm.at[sidx.at[pl.ds(cidx(k), w)]],
                             rbufs[b], gsems[b])

        def gwait(b):
            pltpu.make_async_copy(feat_hbm.at[sidx.at[pl.ds(0, w)]],
                                  rbufs[b], gsems[b]).wait()

        def scat(k, b):
            pltpu.async_copy(rbufs[b], acc.at[didx.at[pl.ds(cidx(k), w)]],
                             ssems[b], add=True)

        def swait(b):
            pltpu.make_async_copy(rbufs[b], acc.at[didx.at[pl.ds(0, w)]],
                                  ssems[b]).wait()

        for k in range(g):
            gather(k, k % nb)
        plsc.subcore_barrier()

        def chunk_step(k, b):
            gwait(b)
            scat(k, b)
            b2 = (b + g) % nb

            @pl.when(k + g < cpw)
            def _():
                @pl.when(k >= nb - g)
                def _():
                    swait(b2)

                gather(k + g, b2)

        def loop_body(i, carry):
            for b in range(nb):
                chunk_step(i * nb + b, b)
            return carry

        nloop = cpw // nb
        lax.fori_loop(0, nloop, loop_body, 0)
        for k in range(nloop * nb, cpw):
            chunk_step(k, k % nb)
        for b in range(nb):
            swait(b)

        plsc.subcore_barrier()
        pltpu.sync_copy(acc.at[pl.ds(r0, rpt)], out_hbm.at[c, pl.ds(r0, rpt)])

    kern = pl.kernel(
        body,
        out_type=jax.ShapeDtypeStruct((_NC, n, f), jnp.float32),
        mesh=mesh,
        scratch_types=[
            pltpu.VMEM_SHARED((n, f), jnp.float32),
            pltpu.VMEM((epw,), jnp.int32),
            pltpu.VMEM((epw,), jnp.int32),
            [pltpu.VMEM((w, f), jnp.float32) for _ in range(nb)],
            [pltpu.SemaphoreType.DMA for _ in range(nb)],
            [pltpu.SemaphoreType.DMA for _ in range(nb)],
        ],
        compiler_params=pltpu.CompilerParams(use_tc_tiling_on_sc=False),
    )
    return kern(feat, ei, init)



def kernel(x, edge_index, W1l, b1, W1r, W2l, b2, W2r):
    n, d = x.shape
    h = W1l.shape[0]
    c = W2l.shape[0]

    xl, xr = _mm_split(x, W1l, W1r, b1[None, :])

    aggs1 = _seg_sum_sc(xl, edge_index, xr, 0, nb=6, g=5, w=40)

    y2 = _layer2(aggs1, W2l, W2r, b2[None, :])

    aggs2 = _seg_sum_sc(y2[:, :c], edge_index, y2, c, nb=6, g=5, w=_W)

    out_p = _combine(aggs2.reshape(2, n // 2, 2 * c))
    return out_p.reshape(n, c)

# --- scband reference (transcript-rebuilt; emitter-appended) ---
"""Pipeline reference for scband-sage-4672924418645 (READ-ONLY COPY).

The authoritative reference and input builder live on the scoring server;
editing this copy changes nothing except your own understanding.
"""

import jax, jax.numpy as jnp
import numpy as np

N = 10000
E = 320000
D = 128
H = 128
C = 64


def setup_inputs(seed: int = 0) -> dict:
    key = jax.random.key(seed)
    ks = jax.random.split(key, 8)
    x = jax.random.normal(ks[0], (N, D), dtype=jnp.float32)
    edge_index = jax.random.randint(ks[1], (2, E), 0, N, dtype=jnp.int32)
    # SAGEConv(in=D, out=H, aggr='add'): lin_l (with bias) applied to aggregated
    # neighbor features, lin_r (no bias) applied to root features.
    W1l = jax.random.normal(ks[2], (H, D), dtype=jnp.float32) * 0.05
    b1 = jnp.zeros((H,), dtype=jnp.float32)
    W1r = jax.random.normal(ks[3], (H, D), dtype=jnp.float32) * 0.05
    W2l = jax.random.normal(ks[4], (C, H), dtype=jnp.float32) * 0.05
    b2 = jnp.zeros((C,), dtype=jnp.float32)
    W2r = jax.random.normal(ks[5], (C, H), dtype=jnp.float32) * 0.05
    return {"x": x, "edge_index": edge_index, "W1l": W1l, "b1": b1,
            "W1r": W1r, "W2l": W2l, "b2": b2, "W2r": W2r}


def _sage_conv(x, src, dst, Wl, bl, Wr, num_nodes):
    # message: x_j = x[src]; aggregate: scatter-add onto dst; update: lin_l(agg)+lin_r(x)
    agg = jax.ops.segment_sum(x[src], dst, num_segments=num_nodes)
    return agg @ Wl.T + bl + x @ Wr.T


def reference(x, edge_index, W1l, b1, W1r, W2l, b2, W2r):
    src = edge_index[0]
    dst = edge_index[1]
    h = _sage_conv(x, src, dst, W1l, b1, W1r, N)
    h = jax.nn.relu(h)
    # F.dropout with training=False is identity (eval mode)
    out = _sage_conv(h, src, dst, W2l, b2, W2r, N)
    return out

if __name__ == "__main__":
    import jax
    _d = setup_inputs()
    print(jax.jit(kernel)(*tuple(_d.values())))

</pallas_src>

<mosaic_0001>
#map = affine_map<(d0, d1) -> (0, 0)>
#map1 = affine_map<(d0, d1) -> (0, 0, 0)>
module attributes {stable_mosaic.version = 14 : i64} {
  func.func @body(%arg0: i32, %arg1: i32, %arg2: memref<10000x64xf32, #tpu.memory_space<hbm>>, %arg3: memref<2x320000xi32, #tpu.memory_space<hbm>>, %arg4: memref<10000x128xf32, #tpu.memory_space<hbm>>, %arg5: memref<2x10000x64xf32, #tpu.memory_space<hbm>>, %arg6: memref<10000x64xf32, #tpu.memory_space<vmem_shared>>, %arg7: memref<10000xi32, #tpu.memory_space<vmem>>, %arg8: memref<10000xi32, #tpu.memory_space<vmem>>, %arg9: memref<80x64xf32, #tpu.memory_space<vmem>>, %arg10: memref<80x64xf32, #tpu.memory_space<vmem>>, %arg11: memref<80x64xf32, #tpu.memory_space<vmem>>, %arg12: memref<80x64xf32, #tpu.memory_space<vmem>>, %arg13: memref<80x64xf32, #tpu.memory_space<vmem>>, %arg14: memref<80x64xf32, #tpu.memory_space<vmem>>, %arg15: memref<!tpu.dma_semaphore, #tpu.memory_space<semaphore_mem>>, %arg16: memref<!tpu.dma_semaphore, #tpu.memory_space<semaphore_mem>>, %arg17: memref<!tpu.dma_semaphore, #tpu.memory_space<semaphore_mem>>, %arg18: memref<!tpu.dma_semaphore, #tpu.memory_space<semaphore_mem>>, %arg19: memref<!tpu.dma_semaphore, #tpu.memory_space<semaphore_mem>>, %arg20: memref<!tpu.dma_semaphore, #tpu.memory_space<semaphore_mem>>, %arg21: memref<!tpu.dma_semaphore, #tpu.memory_space<semaphore_mem>>, %arg22: memref<!tpu.dma_semaphore, #tpu.memory_space<semaphore_mem>>, %arg23: memref<!tpu.dma_semaphore, #tpu.memory_space<semaphore_mem>>, %arg24: memref<!tpu.dma_semaphore, #tpu.memory_space<semaphore_mem>>, %arg25: memref<!tpu.dma_semaphore, #tpu.memory_space<semaphore_mem>>, %arg26: memref<!tpu.dma_semaphore, #tpu.memory_space<semaphore_mem>>) attributes {dimension_semantics = [#tpu.dimension_semantics<core_parallel>, #tpu.dimension_semantics<subcore_parallel>], iteration_bounds = array<i64: 2, 16>, scalar_prefetch = 0 : i64, scratch_operands = 21 : i64, tpu.core_type = #tpu.core_type<sc_vector_subcore>, window_params = [{transform_indices = #map}, {transform_indices = #map}, {transform_indices = #map}, {transform_indices = #map1}]} {
    %mul3A = arith.constant 2 : i32
    %mul3A_0 = arith.muli %arg1, %mul3A : i32
    %add3A = arith.addi %mul3A_0, %arg0 : i32
    %mul3A_1 = arith.constant 625 : i32
    %mul3A_2 = arith.muli %arg1, %mul3A_1 : i32
    %mul3A_3 = arith.constant 10000 : i32
    %mul3A_4 = arith.muli %add3A, %mul3A_3 : i32
    %multiple_of3A = tpu.assume_multiple %mul3A_4, 8 : i32
    %dma_start3A = arith.constant 0 : i32
    %dma_start3A_5 = tpu.memref_slice %arg3[%dma_start3A, %multiple_of3A] : memref<2x320000xi32, #tpu.memory_space<hbm>> -> memref<1x10000xi32, #tpu.memory_space<hbm>>
    %dma_start3A_6 = tpu.memref_squeeze %dma_start3A_5 : memref<1x10000xi32, #tpu.memory_space<hbm>> -> memref<10000xi32, #tpu.memory_space<hbm>>
    %dma_start3A_7 = tpu.memref_slice %arg3[%dma_start3A, %multiple_of3A] : memref<2x320000xi32, #tpu.memory_space<hbm>> -> memref<1x10000xi32, #tpu.memory_space<hbm>>
    %dma_start3A_8 = tpu.memref_squeeze %dma_start3A_7 : memref<1x10000xi32, #tpu.memory_space<hbm>> -> memref<10000xi32, #tpu.memory_space<hbm>>
    tpu.enqueue_dma source(%dma_start3A_8 : memref<10000xi32, #tpu.memory_space<hbm>>) target(%arg7 : memref<10000xi32, #tpu.memory_space<vmem>>) target_semaphore(%arg15 : memref<!tpu.dma_semaphore, #tpu.memory_space<semaphore_mem>>)
    %dma_start3A_9 = arith.constant 1 : i32
    %dma_start3A_10 = tpu.memref_slice %arg3[%dma_start3A_9, %multiple_of3A] : memref<2x320000xi32, #tpu.memory_space<hbm>> -> memref<1x10000xi32, #tpu.memory_space<hbm>>
    %dma_start3A_11 = tpu.memref_squeeze %dma_start3A_10 : memref<1x10000xi32, #tpu.memory_space<hbm>> -> memref<10000xi32, #tpu.memory_space<hbm>>
    %dma_start3A_12 = tpu.memref_slice %arg3[%dma_start3A_9, %multiple_of3A] : memref<2x320000xi32, #tpu.memory_space<hbm>> -> memref<1x10000xi32, #tpu.memory_space<hbm>>
    %dma_start3A_13 = tpu.memref_squeeze %dma_start3A_12 : memref<1x10000xi32, #tpu.memory_space<hbm>> -> memref<10000xi32, #tpu.memory_space<hbm>>
    tpu.enqueue_dma source(%dma_start3A_13 : memref<10000xi32, #tpu.memory_space<hbm>>) target(%arg8 : memref<10000xi32, #tpu.memory_space<vmem>>) target_semaphore(%arg16 : memref<!tpu.dma_semaphore, #tpu.memory_space<semaphore_mem>>)
    %eq3A = arith.constant 0 : i32
    %eq3A_14 = arith.cmpi eq, %arg0, %eq3A : i32
    %convert_element_type3A = arith.extui %eq3A_14 : i1 to i32
    %cond3A = arith.constant 0 : i32
    %cond3A_15 = arith.cmpi ne, %convert_element_type3A, %cond3A : i32
    scf.if %cond3A_15 {
      "tpu.region"() ({
        %run_scoped3A = tpu.sem_alloc : memref<!tpu.dma_semaphore, #tpu.memory_space<semaphore_mem>>
        %dma_start3A_151 = arith.constant 0 : i32
        %dma_start3A_152 = tpu.memref_slice %arg6[%mul3A_2, %dma_start3A_151] : memref<10000x64xf32, #tpu.memory_space<vmem_shared>> -> memref<625x64xf32, #tpu.memory_space<vmem_shared>>
        %dma_start3A_153 = arith.constant 64 : i32
        %dma_start3A_154 = tpu.memref_slice %arg4[%mul3A_2, %dma_start3A_153] : memref<10000x128xf32, #tpu.memory_space<hbm>> -> memref<625x64xf32, #tpu.memory_space<hbm>>
        tpu.enqueue_dma source(%dma_start3A_154 : memref<625x64xf32, #tpu.memory_space<hbm>>) target(%dma_start3A_152 : memref<625x64xf32, #tpu.memory_space<vmem_shared>>) target_semaphore(%run_scoped3A : memref<!tpu.dma_semaphore, #tpu.memory_space<semaphore_mem>>)
        %dma_wait3A_155 = arith.constant 0 : i32
        %dma_wait3A_156 = tpu.memref_slice %arg6[%mul3A_2, %dma_wait3A_155] : memref<10000x64xf32, #tpu.memory_space<vmem_shared>> -> memref<625x64xf32, #tpu.memory_space<vmem_shared>>
        %dma_wait3A_157 = arith.constant 64 : i32
        %dma_wait3A_158 = tpu.memref_slice %arg4[%mul3A_2, %dma_wait3A_157] : memref<10000x128xf32, #tpu.memory_space<hbm>> -> memref<625x64xf32, #tpu.memory_space<hbm>>
        tpu.wait_dma2 semaphore(%run_scoped3A : memref<!tpu.dma_semaphore, #tpu.memory_space<semaphore_mem>>) src(%dma_wait3A_158 : memref<625x64xf32, #tpu.memory_space<hbm>>) dst(%dma_wait3A_156 : memref<625x64xf32, #tpu.memory_space<vmem_shared>>)
        tpu.yield
      }) : () -> ()
    } else {
    }
    %eq3A_16 = arith.constant 1 : i32
    %eq3A_17 = arith.cmpi eq, %arg0, %eq3A_16 : i32
    %convert_element_type3A_18 = arith.extui %eq3A_17 : i1 to i32
    %cond3A_19 = arith.constant 0 : i32
    %cond3A_20 = arith.cmpi ne, %convert_element_type3A_18, %cond3A_19 : i32
    scf.if %cond3A_20 {
      %broadcast_in_dim3A = arith.constant 0.000000e+00 : f32
      %broadcast_in_dim3A_151 = vector.broadcast %broadcast_in_dim3A : f32 to vector<16xf32>
      %scan3A_152 = arith.constant 0 : i32
      %scan3A_153 = arith.constant 0 : i32
      %scan3A_154 = arith.constant 80 : i32
      %scan3A_155 = arith.addi %scan3A_153, %scan3A_154 : i32
      %scan3A_156 = arith.constant 1 : i32
      scf.for %scan3A_174 = %scan3A_153 to %scan3A_155 step %scan3A_156  : i32 {
        %swap3A = arith.index_cast %scan3A_174 : i32 to index
        %swap3A_175 = arith.constant 0 : index
        %swap3A_176 = tpu.vector_load %arg9[%swap3A, %swap3A_175] {strides = array<i32>} : memref<80x64xf32, #tpu.memory_space<vmem>>, vector<1x16xf32>,
        %swap3A_177 = vector.shape_cast %swap3A_176 : vector<1x16xf32> to vector<16xf32>
        %swap3A_178 = vector.shape_cast %broadcast_in_dim3A_151 : vector<16xf32> to vector<1x16xf32>
        tpu.vector_store %arg9[%swap3A, %swap3A_175], %swap3A_178 {strides = array<i32>} : memref<80x64xf32, #tpu.memory_space<vmem>>, vector<1x16xf32>,
        %swap3A_179 = arith.index_cast %scan3A_174 : i32 to index
        %swap3A_180 = arith.constant 16 : index
        %swap3A_181 = tpu.vector_load %arg9[%swap3A_179, %swap3A_180] {strides = array<i32>} : memref<80x64xf32, #tpu.memory_space<vmem>>, vector<1x16xf32>,
        %swap3A_182 = vector.shape_cast %swap3A_181 : vector<1x16xf32> to vector<16xf32>
        %swap3A_183 = vector.shape_cast %broadcast_in_dim3A_151 : vector<16xf32> to vector<1x16xf32>
        tpu.vector_store %arg9[%swap3A_179, %swap3A_180], %swap3A_183 {strides = array<i32>} : memref<80x64xf32, #tpu.memory_space<vmem>>, vector<1x16xf32>,
        %swap3A_184 = arith.index_cast %scan3A_174 : i32 to index
        %swap3A_185 = arith.constant 32 : index
        %swap3A_186 = tpu.vector_load %arg9[%swap3A_184, %swap3A_185] {strides = array<i32>} : memref<80x64xf32, #tpu.memory_space<vmem>>, vector<1x16xf32>,
        %swap3A_187 = vector.shape_cast %swap3A_186 : vector<1x16xf32> to vector<16xf32>
        %swap3A_188 = vector.shape_cast %broadcast_in_dim3A_151 : vector<16xf32> to vector<1x16xf32>
        tpu.vector_store %arg9[%swap3A_184, %swap3A_185], %swap3A_188 {strides = array<i32>} : memref<80x64xf32, #tpu.memory_space<vmem>>, vector<1x16xf32>,
        %swap3A_189 = arith.index_cast %scan3A_174 : i32 to index
        %swap3A_190 = arith.constant 48 : index
        %swap3A_191 = tpu.vector_load %arg9[%swap3A_189, %swap3A_190] {strides = array<i32>} : memref<80x64xf32, #tpu.memory_space<vmem>>, vector<1x16xf32>,
        %swap3A_192 = vector.shape_cast %swap3A_191 : vector<1x16xf32> to vector<16xf32>
        %swap3A_193 = vector.shape_cast %broadcast_in_dim3A_151 : vector<16xf32> to vector<1x16xf32>
        tpu.vector_store %arg9[%swap3A_189, %swap3A_190], %swap3A_193 {strides = array<i32>} : memref<80x64xf32, #tpu.memory_space<vmem>>, vector<1x16xf32>,
      }
      %scan3A_157 = arith.constant 80 : i32
      %add3A_158 = arith.constant 0 : i32
      %add3A_159 = arith.addi %mul3A_2, %add3A_158 : i32
      "tpu.region"() ({
        %run_scoped3A = tpu.sem_alloc : memref<!tpu.dma_semaphore, #tpu.memory_space<semaphore_mem>>
        %dma_start3A_174 = arith.constant 0 : i32
        %dma_start3A_175 = tpu.memref_slice %arg6[%add3A_159, %dma_start3A_174] : memref<10000x64xf32, #tpu.memory_space<vmem_shared>> -> memref<80x64xf32, #tpu.memory_space<vmem_shared>>
        %dma_start3A_176 = arith.constant 0 : i32
        %dma_start3A_177 = tpu.memref_slice %arg6[%add3A_159, %dma_start3A_176] : memref<10000x64xf32, #tpu.memory_space<vmem_shared>> -> memref<80x64xf32, #tpu.memory_space<vmem_shared>>
        tpu.enqueue_dma source(%arg9 : memref<80x64xf32, #tpu.memory_space<vmem>>) target(%dma_start3A_177 : memref<80x64xf32, #tpu.memory_space<vmem_shared>>) target_semaphore(%run_scoped3A : memref<!tpu.dma_semaphore, #tpu.memory_space<semaphore_mem>>)
        %dma_wait3A_178 = arith.constant 0 : i32
        %dma_wait3A_179 = tpu.memref_slice %arg6[%add3A_159, %dma_wait3A_178] : memref<10000x64xf32, #tpu.memory_space<vmem_shared>> -> memref<80x64xf32, #tpu.memory_space<vmem_shared>>
        %dma_wait3A_180 = arith.constant 0 : i32
        %dma_wait3A_181 = tpu.memref_slice %arg6[%add3A_159, %dma_wait3A_180] : memref<10000x64xf32, #tpu.memory_space<vmem_shared>> -> memref<80x64xf32, #tpu.memory_space<vmem_shared>>
        tpu.wait_dma2 semaphore(%run_scoped3A : memref<!tpu.dma_semaphore, #tpu.memory_space<semaphore_mem>>) src(%arg9 : memref<80x64xf32, #tpu.memory_space<vmem>>) dst(%dma_wait3A_181 : memref<80x64xf32, #tpu.memory_space<vmem_shared>>)
        tpu.yield
      }) : () -> ()
      %add3A_160 = arith.constant 80 : i32
      %add3A_161 = arith.addi %mul3A_2, %add3A_160 : i32
      "tpu.region"() ({
        %run_scoped3A = tpu.sem_alloc : memref<!tpu.dma_semaphore, #tpu.memory_space<semaphore_mem>>
        %dma_start3A_174 = arith.constant 0 : i32
        %dma_start3A_175 = tpu.memref_slice %arg6[%add3A_161, %dma_start3A_174] : memref<10000x64xf32, #tpu.memory_space<vmem_shared>> -> memref<80x64xf32, #tpu.memory_space<vmem_shared>>
        %dma_start3A_176 = arith.constant 0 : i32
        %dma_start3A_177 = tpu.memref_slice %arg6[%add3A_161, %dma_start3A_176] : memref<10000x64xf32, #tpu.memory_space<vmem_shared>> -> memref<80x64xf32, #tpu.memory_space<vmem_shared>>
        tpu.enqueue_dma source(%arg9 : memref<80x64xf32, #tpu.memory_space<vmem>>) target(%dma_start3A_177 : memref<80x64xf32, #tpu.memory_space<vmem_shared>>) target_semaphore(%run_scoped3A : memref<!tpu.dma_semaphore, #tpu.memory_space<semaphore_mem>>)
        %dma_wait3A_178 = arith.constant 0 : i32
        %dma_wait3A_179 = tpu.memref_slice %arg6[%add3A_161, %dma_wait3A_178] : memref<10000x64xf32, #tpu.memory_space<vmem_shared>> -> memref<80x64xf32, #tpu.memory_space<vmem_shared>>
        %dma_wait3A_180 = arith.constant 0 : i32
        %dma_wait3A_181 = tpu.memref_slice %arg6[%add3A_161, %dma_wait3A_180] : memref<10000x64xf32, #tpu.memory_space<vmem_shared>> -> memref<80x64xf32, #tpu.memory_space<vmem_shared>>
        tpu.wait_dma2 semaphore(%run_scoped3A : memref<!tpu.dma_semaphore, #tpu.memory_space<semaphore_mem>>) src(%arg9 : memref<80x64xf32, #tpu.memory_space<vmem>>) dst(%dma_wait3A_181 : memref<80x64xf32, #tpu.memory_space<vmem_shared>>)
        tpu.yield
      }) : () -> ()
      %add3A_162 = arith.constant 160 : i32
      %add3A_163 = arith.addi %mul3A_2, %add3A_162 : i32
      "tpu.region"() ({
        %run_scoped3A = tpu.sem_alloc : memref<!tpu.dma_semaphore, #tpu.memory_space<semaphore_mem>>
        %dma_start3A_174 = arith.constant 0 : i32
        %dma_start3A_175 = tpu.memref_slice %arg6[%add3A_163, %dma_start3A_174] : memref<10000x64xf32, #tpu.memory_space<vmem_shared>> -> memref<80x64xf32, #tpu.memory_space<vmem_shared>>
        %dma_start3A_176 = arith.constant 0 : i32
        %dma_start3A_177 = tpu.memref_slice %arg6[%add3A_163, %dma_start3A_176] : memref<10000x64xf32, #tpu.memory_space<vmem_shared>> -> memref<80x64xf32, #tpu.memory_space<vmem_shared>>
        tpu.enqueue_dma source(%arg9 : memref<80x64xf32, #tpu.memory_space<vmem>>) target(%dma_start3A_177 : memref<80x64xf32, #tpu.memory_space<vmem_shared>>) target_semaphore(%run_scoped3A : memref<!tpu.dma_semaphore, #tpu.memory_space<semaphore_mem>>)
        %dma_wait3A_178 = arith.constant 0 : i32
        %dma_wait3A_179 = tpu.memref_slice %arg6[%add3A_163, %dma_wait3A_178] : memref<10000x64xf32, #tpu.memory_space<vmem_shared>> -> memref<80x64xf32, #tpu.memory_space<vmem_shared>>
        %dma_wait3A_180 = arith.constant 0 : i32
        %dma_wait3A_181 = tpu.memref_slice %arg6[%add3A_163, %dma_wait3A_180] : memref<10000x64xf32, #tpu.memory_space<vmem_shared>> -> memref<80x64xf32, #tpu.memory_space<vmem_shared>>
        tpu.wait_dma2 semaphore(%run_scoped3A : memref<!tpu.dma_semaphore, #tpu.memory_space<semaphore_mem>>) src(%arg9 : memref<80x64xf32, #tpu.memory_space<vmem>>) dst(%dma_wait3A_181 : memref<80x64xf32, #tpu.memory_space<vmem_shared>>)
        tpu.yield
      }) : () -> ()
      %add3A_164 = arith.constant 240 : i32
      %add3A_165 = arith.addi %mul3A_2, %add3A_164 : i32
      "tpu.region"() ({
        %run_scoped3A = tpu.sem_alloc : memref<!tpu.dma_semaphore, #tpu.memory_space<semaphore_mem>>
        %dma_start3A_174 = arith.constant 0 : i32
        %dma_start3A_175 = tpu.memref_slice %arg6[%add3A_165, %dma_start3A_174] : memref<10000x64xf32, #tpu.memory_space<vmem_shared>> -> memref<80x64xf32, #tpu.memory_space<vmem_shared>>
        %dma_start3A_176 = arith.constant 0 : i32
        %dma_start3A_177 = tpu.memref_slice %arg6[%add3A_165, %dma_start3A_176] : memref<10000x64xf32, #tpu.memory_space<vmem_shared>> -> memref<80x64xf32, #tpu.memory_space<vmem_shared>>
        tpu.enqueue_dma source(%arg9 : memref<80x64xf32, #tpu.memory_space<vmem>>) target(%dma_start3A_177 : memref<80x64xf32, #tpu.memory_space<vmem_shared>>) target_semaphore(%run_scoped3A : memref<!tpu.dma_semaphore, #tpu.memory_space<semaphore_mem>>)
        %dma_wait3A_178 = arith.constant 0 : i32
        %dma_wait3A_179 = tpu.memref_slice %arg6[%add3A_165, %dma_wait3A_178] : memref<10000x64xf32, #tpu.memory_space<vmem_shared>> -> memref<80x64xf32, #tpu.memory_space<vmem_shared>>
        %dma_wait3A_180 = arith.constant 0 : i32
        %dma_wait3A_181 = tpu.memref_slice %arg6[%add3A_165, %dma_wait3A_180] : memref<10000x64xf32, #tpu.memory_space<vmem_shared>> -> memref<80x64xf32, #tpu.memory_space<vmem_shared>>
        tpu.wait_dma2 semaphore(%run_scoped3A : memref<!tpu.dma_semaphore, #tpu.memory_space<semaphore_mem>>) src(%arg9 : memref<80x64xf32, #tpu.memory_space<vmem>>) dst(%dma_wait3A_181 : memref<80x64xf32, #tpu.memory_space<vmem_shared>>)
        tpu.yield
      }) : () -> ()
      %add3A_166 = arith.constant 320 : i32
      %add3A_167 = arith.addi %mul3A_2, %add3A_166 : i32
      "tpu.region"() ({
        %run_scoped3A = tpu.sem_alloc : memref<!tpu.dma_semaphore, #tpu.memory_space<semaphore_mem>>
        %dma_start3A_174 = arith.constant 0 : i32
        %dma_start3A_175 = tpu.memref_slice %arg6[%add3A_167, %dma_start3A_174] : memref<10000x64xf32, #tpu.memory_space<vmem_shared>> -> memref<80x64xf32, #tpu.memory_space<vmem_shared>>
        %dma_start3A_176 = arith.constant 0 : i32
        %dma_start3A_177 = tpu.memref_slice %arg6[%add3A_167, %dma_start3A_176] : memref<10000x64xf32, #tpu.memory_space<vmem_shared>> -> memref<80x64xf32, #tpu.memory_space<vmem_shared>>
        tpu.enqueue_dma source(%arg9 : memref<80x64xf32, #tpu.memory_space<vmem>>) target(%dma_start3A_177 : memref<80x64xf32, #tpu.memory_space<vmem_shared>>) target_semaphore(%run_scoped3A : memref<!tpu.dma_semaphore, #tpu.memory_space<semaphore_mem>>)
        %dma_wait3A_178 = arith.constant 0 : i32
        %dma_wait3A_179 = tpu.memref_slice %arg6[%add3A_167, %dma_wait3A_178] : memref<10000x64xf32, #tpu.memory_space<vmem_shared>> -> memref<80x64xf32, #tpu.memory_space<vmem_shared>>
        %dma_wait3A_180 = arith.constant 0 : i32
        %dma_wait3A_181 = tpu.memref_slice %arg6[%add3A_167, %dma_wait3A_180] : memref<10000x64xf32, #tpu.memory_space<vmem_shared>> -> memref<80x64xf32, #tpu.memory_space<vmem_shared>>
        tpu.wait_dma2 semaphore(%run_scoped3A : memref<!tpu.dma_semaphore, #tpu.memory_space<semaphore_mem>>) src(%arg9 : memref<80x64xf32, #tpu.memory_space<vmem>>) dst(%dma_wait3A_181 : memref<80x64xf32, #tpu.memory_space<vmem_shared>>)
        tpu.yield
      }) : () -> ()
      %add3A_168 = arith.constant 400 : i32
      %add3A_169 = arith.addi %mul3A_2, %add3A_168 : i32
      "tpu.region"() ({
        %run_scoped3A = tpu.sem_alloc : memref<!tpu.dma_semaphore, #tpu.memory_space<semaphore_mem>>
        %dma_start3A_174 = arith.constant 0 : i32
        %dma_start3A_175 = tpu.memref_slice %arg6[%add3A_169, %dma_start3A_174] : memref<10000x64xf32, #tpu.memory_space<vmem_shared>> -> memref<80x64xf32, #tpu.memory_space<vmem_shared>>
        %dma_start3A_176 = arith.constant 0 : i32
        %dma_start3A_177 = tpu.memref_slice %arg6[%add3A_169, %dma_start3A_176] : memref<10000x64xf32, #tpu.memory_space<vmem_shared>> -> memref<80x64xf32, #tpu.memory_space<vmem_shared>>
        tpu.enqueue_dma source(%arg9 : memref<80x64xf32, #tpu.memory_space<vmem>>) target(%dma_start3A_177 : memref<80x64xf32, #tpu.memory_space<vmem_shared>>) target_semaphore(%run_scoped3A : memref<!tpu.dma_semaphore, #tpu.memory_space<semaphore_mem>>)
        %dma_wait3A_178 = arith.constant 0 : i32
        %dma_wait3A_179 = tpu.memref_slice %arg6[%add3A_169, %dma_wait3A_178] : memref<10000x64xf32, #tpu.memory_space<vmem_shared>> -> memref<80x64xf32, #tpu.memory_space<vmem_shared>>
        %dma_wait3A_180 = arith.constant 0 : i32
        %dma_wait3A_181 = tpu.memref_slice %arg6[%add3A_169, %dma_wait3A_180] : memref<10000x64xf32, #tpu.memory_space<vmem_shared>> -> memref<80x64xf32, #tpu.memory_space<vmem_shared>>
        tpu.wait_dma2 semaphore(%run_scoped3A : memref<!tpu.dma_semaphore, #tpu.memory_space<semaphore_mem>>) src(%arg9 : memref<80x64xf32, #tpu.memory_space<vmem>>) dst(%dma_wait3A_181 : memref<80x64xf32, #tpu.memory_space<vmem_shared>>)
        tpu.yield
      }) : () -> ()
      %add3A_170 = arith.constant 480 : i32
      %add3A_171 = arith.addi %mul3A_2, %add3A_170 : i32
      "tpu.region"() ({
        %run_scoped3A = tpu.sem_alloc : memref<!tpu.dma_semaphore, #tpu.memory_space<semaphore_mem>>
        %dma_start3A_174 = arith.constant 0 : i32
        %dma_start3A_175 = tpu.memref_slice %arg6[%add3A_171, %dma_start3A_174] : memref<10000x64xf32, #tpu.memory_space<vmem_shared>> -> memref<80x64xf32, #tpu.memory_space<vmem_shared>>
        %dma_start3A_176 = arith.constant 0 : i32
        %dma_start3A_177 = tpu.memref_slice %arg6[%add3A_171, %dma_start3A_176] : memref<10000x64xf32, #tpu.memory_space<vmem_shared>> -> memref<80x64xf32, #tpu.memory_space<vmem_shared>>
        tpu.enqueue_dma source(%arg9 : memref<80x64xf32, #tpu.memory_space<vmem>>) target(%dma_start3A_177 : memref<80x64xf32, #tpu.memory_space<vmem_shared>>) target_semaphore(%run_scoped3A : memref<!tpu.dma_semaphore, #tpu.memory_space<semaphore_mem>>)
        %dma_wait3A_178 = arith.constant 0 : i32
        %dma_wait3A_179 = tpu.memref_slice %arg6[%add3A_171, %dma_wait3A_178] : memref<10000x64xf32, #tpu.memory_space<vmem_shared>> -> memref<80x64xf32, #tpu.memory_space<vmem_shared>>
        %dma_wait3A_180 = arith.constant 0 : i32
        %dma_wait3A_181 = tpu.memref_slice %arg6[%add3A_171, %dma_wait3A_180] : memref<10000x64xf32, #tpu.memory_space<vmem_shared>> -> memref<80x64xf32, #tpu.memory_space<vmem_shared>>
        tpu.wait_dma2 semaphore(%run_scoped3A : memref<!tpu.dma_semaphore, #tpu.memory_space<semaphore_mem>>) src(%arg9 : memref<80x64xf32, #tpu.memory_space<vmem>>) dst(%dma_wait3A_181 : memref<80x64xf32, #tpu.memory_space<vmem_shared>>)
        tpu.yield
      }) : () -> ()
      %add3A_172 = arith.constant 560 : i32
      %add3A_173 = arith.addi %mul3A_2, %add3A_172 : i32
      "tpu.region"() ({
        %run_scoped3A = tpu.sem_alloc : memref<!tpu.dma_semaphore, #tpu.memory_space<semaphore_mem>>
        %dma_start3A_174 = arith.constant 0 : i32
        %dma_start3A_175 = arith.constant 0 : i32
        %dma_start3A_176 = tpu.memref_slice %arg9[%dma_start3A_174, %dma_start3A_175] : memref<80x64xf32, #tpu.memory_space<vmem>> -> memref<65x64xf32, #tpu.memory_space<vmem>>
        %dma_start3A_177 = arith.constant 0 : i32
        %dma_start3A_178 = tpu.memref_slice %arg6[%add3A_173, %dma_start3A_177] : memref<10000x64xf32, #tpu.memory_space<vmem_shared>> -> memref<65x64xf32, #tpu.memory_space<vmem_shared>>
        %dma_start3A_179 = arith.constant 0 : i32
        %dma_start3A_180 = tpu.memref_slice %arg6[%add3A_173, %dma_start3A_179] : memref<10000x64xf32, #tpu.memory_space<vmem_shared>> -> memref<65x64xf32, #tpu.memory_space<vmem_shared>>
        %dma_start3A_181 = arith.constant 0 : i32
        %dma_start3A_182 = arith.constant 0 : i32
        %dma_start3A_183 = tpu.memref_slice %arg9[%dma_start3A_181, %dma_start3A_182] : memref<80x64xf32, #tpu.memory_space<vmem>> -> memref<65x64xf32, #tpu.memory_space<vmem>>
        tpu.enqueue_dma source(%dma_start3A_183 : memref<65x64xf32, #tpu.memory_space<vmem>>) target(%dma_start3A_180 : memref<65x64xf32, #tpu.memory_space<vmem_shared>>) target_semaphore(%run_scoped3A : memref<!tpu.dma_semaphore, #tpu.memory_space<semaphore_mem>>)
        %dma_wait3A_184 = arith.constant 0 : i32
        %dma_wait3A_185 = arith.constant 0 : i32
        %dma_wait3A_186 = tpu.memref_slice %arg9[%dma_wait3A_184, %dma_wait3A_185] : memref<80x64xf32, #tpu.memory_space<vmem>> -> memref<65x64xf32, #tpu.memory_space<vmem>>
        %dma_wait3A_187 = arith.constant 0 : i32
        %dma_wait3A_188 = tpu.memref_slice %arg6[%add3A_173, %dma_wait3A_187] : memref<10000x64xf32, #tpu.memory_space<vmem_shared>> -> memref<65x64xf32, #tpu.memory_space<vmem_shared>>
        %dma_wait3A_189 = arith.constant 0 : i32
        %dma_wait3A_190 = tpu.memref_slice %arg6[%add3A_173, %dma_wait3A_189] : memref<10000x64xf32, #tpu.memory_space<vmem_shared>> -> memref<65x64xf32, #tpu.memory_space<vmem_shared>>
        %dma_wait3A_191 = arith.constant 0 : i32
        %dma_wait3A_192 = arith.constant 0 : i32
        %dma_wait3A_193 = tpu.memref_slice %arg9[%dma_wait3A_191, %dma_wait3A_192] : memref<80x64xf32, #tpu.memory_space<vmem>> -> memref<65x64xf32, #tpu.memory_space<vmem>>
        tpu.wait_dma2 semaphore(%run_scoped3A : memref<!tpu.dma_semaphore, #tpu.memory_space<semaphore_mem>>) src(%dma_wait3A_193 : memref<65x64xf32, #tpu.memory_space<vmem>>) dst(%dma_wait3A_190 : memref<65x64xf32, #tpu.memory_space<vmem_shared>>)
        tpu.yield
      }) : () -> ()
    } else {
    }
    %dma_wait3A = arith.constant 0 : i32
    %dma_wait3A_21 = tpu.memref_slice %arg3[%dma_wait3A, %multiple_of3A] : memref<2x320000xi32, #tpu.memory_space<hbm>> -> memref<1x10000xi32, #tpu.memory_space<hbm>>
    %dma_wait3A_22 = tpu.memref_squeeze %dma_wait3A_21 : memref<1x10000xi32, #tpu.memory_space<hbm>> -> memref<10000xi32, #tpu.memory_space<hbm>>
    %dma_wait3A_23 = tpu.memref_slice %arg3[%dma_wait3A, %multiple_of3A] : memref<2x320000xi32, #tpu.memory_space<hbm>> -> memref<1x10000xi32, #tpu.memory_space<hbm>>
    %dma_wait3A_24 = tpu.memref_squeeze %dma_wait3A_23 : memref<1x10000xi32, #tpu.memory_space<hbm>> -> memref<10000xi32, #tpu.memory_space<hbm>>
    tpu.wait_dma2 semaphore(%arg15 : memref<!tpu.dma_semaphore, #tpu.memory_space<semaphore_mem>>) src(%dma_wait3A_24 : memref<10000xi32, #tpu.memory_space<hbm>>) dst(%arg7 : memref<10000xi32, #tpu.memory_space<vmem>>)
    %dma_wait3A_25 = arith.constant 1 : i32
    %dma_wait3A_26 = tpu.memref_slice %arg3[%dma_wait3A_25, %multiple_of3A] : memref<2x320000xi32, #tpu.memory_space<hbm>> -> memref<1x10000xi32, #tpu.memory_space<hbm>>
    %dma_wait3A_27 = tpu.memref_squeeze %dma_wait3A_26 : memref<1x10000xi32, #tpu.memory_space<hbm>> -> memref<10000xi32, #tpu.memory_space<hbm>>
    %dma_wait3A_28 = tpu.memref_slice %arg3[%dma_wait3A_25, %multiple_of3A] : memref<2x320000xi32, #tpu.memory_space<hbm>> -> memref<1x10000xi32, #tpu.memory_space<hbm>>
    %dma_wait3A_29 = tpu.memref_squeeze %dma_wait3A_28 : memref<1x10000xi32, #tpu.memory_space<hbm>> -> memref<10000xi32, #tpu.memory_space<hbm>>
    tpu.wait_dma2 semaphore(%arg16 : memref<!tpu.dma_semaphore, #tpu.memory_space<semaphore_mem>>) src(%dma_wait3A_29 : memref<10000xi32, #tpu.memory_space<hbm>>) dst(%arg8 : memref<10000xi32, #tpu.memory_space<vmem>>)
    %multiple_of3A_30 = arith.constant 0 : i32
    %multiple_of3A_31 = tpu.assume_multiple %multiple_of3A_30, 8 : i32
    %dma_start3A_32 = tpu.memref_slice %arg7[%multiple_of3A_31] : memref<10000xi32, #tpu.memory_space<vmem>> -> memref<80xi32, #tpu.memory_space<vmem>>
    %dma_start3A_33 = arith.constant 0 : i32
    %dma_start3A_34 = arith.constant 0 : i32
    %dma_start3A_35 = tpu.memref_slice %arg2[%dma_start3A_33, %dma_start3A_34] : memref<10000x64xf32, #tpu.memory_space<hbm>> -> memref<10000x64xf32, #tpu.memory_space<hbm>>
    tpu.enqueue_indirect_dma source(%dma_start3A_35 : memref<10000x64xf32, #tpu.memory_space<hbm>>) target(%arg9 : memref<80x64xf32, #tpu.memory_space<vmem>>) offsets(%dma_start3A_32 : memref<80xi32, #tpu.memory_space<vmem>>) semaphore(%arg15 : memref<!tpu.dma_semaphore, #tpu.memory_space<semaphore_mem>>)
    %multiple_of3A_36 = arith.constant 80 : i32
    %multiple_of3A_37 = tpu.assume_multiple %multiple_of3A_36, 8 : i32
    %dma_start3A_38 = tpu.memref_slice %arg7[%multiple_of3A_37] : memref<10000xi32, #tpu.memory_space<vmem>> -> memref<80xi32, #tpu.memory_space<vmem>>
    %dma_start3A_39 = arith.constant 0 : i32
    %dma_start3A_40 = arith.constant 0 : i32
    %dma_start3A_41 = tpu.memref_slice %arg2[%dma_start3A_39, %dma_start3A_40] : memref<10000x64xf32, #tpu.memory_space<hbm>> -> memref<10000x64xf32, #tpu.memory_space<hbm>>
    tpu.enqueue_indirect_dma source(%dma_start3A_41 : memref<10000x64xf32, #tpu.memory_space<hbm>>) target(%arg10 : memref<80x64xf32, #tpu.memory_space<vmem>>) offsets(%dma_start3A_38 : memref<80xi32, #tpu.memory_space<vmem>>) semaphore(%arg16 : memref<!tpu.dma_semaphore, #tpu.memory_space<semaphore_mem>>)
    %multiple_of3A_42 = arith.constant 160 : i32
    %multiple_of3A_43 = tpu.assume_multiple %multiple_of3A_42, 8 : i32
    %dma_start3A_44 = tpu.memref_slice %arg7[%multiple_of3A_43] : memref<10000xi32, #tpu.memory_space<vmem>> -> memref<80xi32, #tpu.memory_space<vmem>>
    %dma_start3A_45 = arith.constant 0 : i32
    %dma_start3A_46 = arith.constant 0 : i32
    %dma_start3A_47 = tpu.memref_slice %arg2[%dma_start3A_45, %dma_start3A_46] : memref<10000x64xf32, #tpu.memory_space<hbm>> -> memref<10000x64xf32, #tpu.memory_space<hbm>>
    tpu.enqueue_indirect_dma source(%dma_start3A_47 : memref<10000x64xf32, #tpu.memory_space<hbm>>) target(%arg11 : memref<80x64xf32, #tpu.memory_space<vmem>>) offsets(%dma_start3A_44 : memref<80xi32, #tpu.memory_space<vmem>>) semaphore(%arg17 : memref<!tpu.dma_semaphore, #tpu.memory_space<semaphore_mem>>)
    %multiple_of3A_48 = arith.constant 240 : i32
    %multiple_of3A_49 = tpu.assume_multiple %multiple_of3A_48, 8 : i32
    %dma_start3A_50 = tpu.memref_slice %arg7[%multiple_of3A_49] : memref<10000xi32, #tpu.memory_space<vmem>> -> memref<80xi32, #tpu.memory_space<vmem>>
    %dma_start3A_51 = arith.constant 0 : i32
    %dma_start3A_52 = arith.constant 0 : i32
    %dma_start3A_53 = tpu.memref_slice %arg2[%dma_start3A_51, %dma_start3A_52] : memref<10000x64xf32, #tpu.memory_space<hbm>> -> memref<10000x64xf32, #tpu.memory_space<hbm>>
    tpu.enqueue_indirect_dma source(%dma_start3A_53 : memref<10000x64xf32, #tpu.memory_space<hbm>>) target(%arg12 : memref<80x64xf32, #tpu.memory_space<vmem>>) offsets(%dma_start3A_50 : memref<80xi32, #tpu.memory_space<vmem>>) semaphore(%arg18 : memref<!tpu.dma_semaphore, #tpu.memory_space<semaphore_mem>>)
    %multiple_of3A_54 = arith.constant 320 : i32
    %multiple_of3A_55 = tpu.assume_multiple %multiple_of3A_54, 8 : i32
    %dma_start3A_56 = tpu.memref_slice %arg7[%multiple_of3A_55] : memref<10000xi32, #tpu.memory_space<vmem>> -> memref<80xi32, #tpu.memory_space<vmem>>
    %dma_start3A_57 = arith.constant 0 : i32
    %dma_start3A_58 = arith.constant 0 : i32
    %dma_start3A_59 = tpu.memref_slice %arg2[%dma_start3A_57, %dma_start3A_58] : memref<10000x64xf32, #tpu.memory_space<hbm>> -> memref<10000x64xf32, #tpu.memory_space<hbm>>
    tpu.enqueue_indirect_dma source(%dma_start3A_59 : memref<10000x64xf32, #tpu.memory_space<hbm>>) target(%arg13 : memref<80x64xf32, #tpu.memory_space<vmem>>) offsets(%dma_start3A_56 : memref<80xi32, #tpu.memory_space<vmem>>) semaphore(%arg19 : memref<!tpu.dma_semaphore, #tpu.memory_space<semaphore_mem>>)
    %barrier3A = arith.constant 0 : index
    tpu.barrier barrier_id(%barrier3A)
    %scan3A = arith.constant 0 : i32
    %scan3A_60 = arith.constant 0 : i32
    %scan3A_61 = arith.constant 20 : i32
    %scan3A_62 = arith.addi %scan3A_60, %scan3A_61 : i32
    %scan3A_63 = arith.constant 1 : i32
    scf.for %scan3A_151 = %scan3A_60 to %scan3A_62 step %scan3A_63  : i32 {
      %mul3A_152 = arith.constant 6 : i32
      %mul3A_153 = arith.muli %scan3A_151, %mul3A_152 : i32
      %add3A_154 = arith.constant 0 : i32
      %add3A_155 = arith.addi %mul3A_153, %add3A_154 : i32
      %dma_wait3A_156 = arith.constant 0 : i32
      %dma_wait3A_157 = tpu.memref_slice %arg7[%dma_wait3A_156] : memref<10000xi32, #tpu.memory_space<vmem>> -> memref<80xi32, #tpu.memory_space<vmem>>
      %dma_wait3A_158 = arith.constant 0 : i32
      %dma_wait3A_159 = arith.constant 0 : i32
      %dma_wait3A_160 = tpu.memref_slice %arg2[%dma_wait3A_158, %dma_wait3A_159] : memref<10000x64xf32, #tpu.memory_space<hbm>> -> memref<10000x64xf32, #tpu.memory_space<hbm>>
      tpu.wait_indirect_dma semaphore(%arg15 : memref<!tpu.dma_semaphore, #tpu.memory_space<semaphore_mem>>) src(%dma_wait3A_160 : memref<10000x64xf32, #tpu.memory_space<hbm>>) dst(%arg9 : memref<80x64xf32, #tpu.memory_space<vmem>>)
      %mul3A_161 = arith.constant 80 : i32
      %mul3A_162 = arith.muli %add3A_155, %mul3A_161 : i32
      %multiple_of3A_163 = tpu.assume_multiple %mul3A_162, 8 : i32
      %dma_start3A_164 = tpu.memref_slice %arg8[%multiple_of3A_163] : memref<10000xi32, #tpu.memory_space<vmem>> -> memref<80xi32, #tpu.memory_space<vmem>>
      %dma_start3A_165 = arith.constant 0 : i32
      %dma_start3A_166 = arith.constant 0 : i32
      %dma_start3A_167 = tpu.memref_slice %arg6[%dma_start3A_165, %dma_start3A_166] : memref<10000x64xf32, #tpu.memory_space<vmem_shared>> -> memref<10000x64xf32, #tpu.memory_space<vmem_shared>>
      tpu.enqueue_indirect_dma source(%arg9 : memref<80x64xf32, #tpu.memory_space<vmem>>) target(%dma_start3A_167 : memref<10000x64xf32, #tpu.memory_space<vmem_shared>>) offsets(%dma_start3A_164 : memref<80xi32, #tpu.memory_space<vmem>>) semaphore(%arg21 : memref<!tpu.dma_semaphore, #tpu.memory_space<semaphore_mem>>) {add = true}
      %add3A_168 = arith.constant 5 : i32
      %add3A_169 = arith.addi %add3A_155, %add3A_168 : i32
      %lt3A = arith.constant 125 : i32
      %lt3A_170 = arith.cmpi slt, %add3A_169, %lt3A : i32
      %convert_element_type3A_171 = arith.extui %lt3A_170 : i1 to i32
      %cond3A_172 = arith.constant 0 : i32
      %cond3A_173 = arith.cmpi ne, %convert_element_type3A_171, %cond3A_172 : i32
      scf.if %cond3A_173 {
        %ge3A = arith.constant 1 : i32
        %ge3A_289 = arith.cmpi sge, %add3A_155, %ge3A : i32
        %convert_element_type3A_290 = arith.extui %ge3A_289 : i1 to i32
        %cond3A_291 = arith.constant 0 : i32
        %cond3A_292 = arith.cmpi ne, %convert_element_type3A_290, %cond3A_291 : i32
        scf.if %cond3A_292 {
          %dma_wait3A_302 = arith.constant 0 : i32
          %dma_wait3A_303 = tpu.memref_slice %arg8[%dma_wait3A_302] : memref<10000xi32, #tpu.memory_space<vmem>> -> memref<80xi32, #tpu.memory_space<vmem>>
          %dma_wait3A_304 = arith.constant 0 : i32
          %dma_wait3A_305 = arith.constant 0 : i32
          %dma_wait3A_306 = tpu.memref_slice %arg6[%dma_wait3A_304, %dma_wait3A_305] : memref<10000x64xf32, #tpu.memory_space<vmem_shared>> -> memref<10000x64xf32, #tpu.memory_space<vmem_shared>>
          tpu.wait_indirect_dma semaphore(%arg26 : memref<!tpu.dma_semaphore, #tpu.memory_space<semaphore_mem>>) src(%arg14 : memref<80x64xf32, #tpu.memory_space<vmem>>) dst(%dma_wait3A_306 : memref<10000x64xf32, #tpu.memory_space<vmem_shared>>)
        } else {
        }
        %add3A_293 = arith.constant 5 : i32
        %add3A_294 = arith.addi %add3A_155, %add3A_293 : i32
        %mul3A_295 = arith.constant 80 : i32
        %mul3A_296 = arith.muli %add3A_294, %mul3A_295 : i32
        %multiple_of3A_297 = tpu.assume_multiple %mul3A_296, 8 : i32
        %dma_start3A_298 = tpu.memref_slice %arg7[%multiple_of3A_297] : memref<10000xi32, #tpu.memory_space<vmem>> -> memref<80xi32, #tpu.memory_space<vmem>>
        %dma_start3A_299 = arith.constant 0 : i32
        %dma_start3A_300 = arith.constant 0 : i32
        %dma_start3A_301 = tpu.memref_slice %arg2[%dma_start3A_299, %dma_start3A_300] : memref<10000x64xf32, #tpu.memory_space<hbm>> -> memref<10000x64xf32, #tpu.memory_space<hbm>>
        tpu.enqueue_indirect_dma source(%dma_start3A_301 : memref<10000x64xf32, #tpu.memory_space<hbm>>) target(%arg14 : memref<80x64xf32, #tpu.memory_space<vmem>>) offsets(%dma_start3A_298 : memref<80xi32, #tpu.memory_space<vmem>>) semaphore(%arg20 : memref<!tpu.dma_semaphore, #tpu.memory_space<semaphore_mem>>)
      } else {
      }
      %mul3A_174 = arith.constant 6 : i32
      %mul3A_175 = arith.muli %scan3A_151, %mul3A_174 : i32
      %add3A_176 = arith.constant 1 : i32
      %add3A_177 = arith.addi %mul3A_175, %add3A_176 : i32
      %dma_wait3A_178 = arith.constant 0 : i32
      %dma_wait3A_179 = tpu.memref_slice %arg7[%dma_wait3A_178] : memref<10000xi32, #tpu.memory_space<vmem>> -> memref<80xi32, #tpu.memory_space<vmem>>
      %dma_wait3A_180 = arith.constant 0 : i32
      %dma_wait3A_181 = arith.constant 0 : i32
      %dma_wait3A_182 = tpu.memref_slice %arg2[%dma_wait3A_180, %dma_wait3A_181] : memref<10000x64xf32, #tpu.memory_space<hbm>> -> memref<10000x64xf32, #tpu.memory_space<hbm>>
      tpu.wait_indirect_dma semaphore(%arg16 : memref<!tpu.dma_semaphore, #tpu.memory_space<semaphore_mem>>) src(%dma_wait3A_182 : memref<10000x64xf32, #tpu.memory_space<hbm>>) dst(%arg10 : memref<80x64xf32, #tpu.memory_space<vmem>>)
      %mul3A_183 = arith.constant 80 : i32
      %mul3A_184 = arith.muli %add3A_177, %mul3A_183 : i32
      %multiple_of3A_185 = tpu.assume_multiple %mul3A_184, 8 : i32
      %dma_start3A_186 = tpu.memref_slice %arg8[%multiple_of3A_185] : memref<10000xi32, #tpu.memory_space<vmem>> -> memref<80xi32, #tpu.memory_space<vmem>>
      %dma_start3A_187 = arith.constant 0 : i32
      %dma_start3A_188 = arith.constant 0 : i32
      %dma_start3A_189 = tpu.memref_slice %arg6[%dma_start3A_187, %dma_start3A_188] : memref<10000x64xf32, #tpu.memory_space<vmem_shared>> -> memref<10000x64xf32, #tpu.memory_space<vmem_shared>>
      tpu.enqueue_indirect_dma source(%arg10 : memref<80x64xf32, #tpu.memory_space<vmem>>) target(%dma_start3A_189 : memref<10000x64xf32, #tpu.memory_space<vmem_shared>>) offsets(%dma_start3A_186 : memref<80xi32, #tpu.memory_space<vmem>>) semaphore(%arg22 : memref<!tpu.dma_semaphore, #tpu.memory_space<semaphore_mem>>) {add = true}
      %add3A_190 = arith.constant 5 : i32
      %add3A_191 = arith.addi %add3A_177, %add3A_190 : i32
      %lt3A_192 = arith.constant 125 : i32
      %lt3A_193 = arith.cmpi slt, %add3A_191, %lt3A_192 : i32
      %convert_element_type3A_194 = arith.extui %lt3A_193 : i1 to i32
      %cond3A_195 = arith.constant 0 : i32
      %cond3A_196 = arith.cmpi ne, %convert_element_type3A_194, %cond3A_195 : i32
      scf.if %cond3A_196 {
        %ge3A = arith.constant 1 : i32
        %ge3A_289 = arith.cmpi sge, %add3A_177, %ge3A : i32
        %convert_element_type3A_290 = arith.extui %ge3A_289 : i1 to i32
        %cond3A_291 = arith.constant 0 : i32
        %cond3A_292 = arith.cmpi ne, %convert_element_type3A_290, %cond3A_291 : i32
        scf.if %cond3A_292 {
          %dma_wait3A_302 = arith.constant 0 : i32
          %dma_wait3A_303 = tpu.memref_slice %arg8[%dma_wait3A_302] : memref<10000xi32, #tpu.memory_space<vmem>> -> memref<80xi32, #tpu.memory_space<vmem>>
          %dma_wait3A_304 = arith.constant 0 : i32
          %dma_wait3A_305 = arith.constant 0 : i32
          %dma_wait3A_306 = tpu.memref_slice %arg6[%dma_wait3A_304, %dma_wait3A_305] : memref<10000x64xf32, #tpu.memory_space<vmem_shared>> -> memref<10000x64xf32, #tpu.memory_space<vmem_shared>>
          tpu.wait_indirect_dma semaphore(%arg21 : memref<!tpu.dma_semaphore, #tpu.memory_space<semaphore_mem>>) src(%arg9 : memref<80x64xf32, #tpu.memory_space<vmem>>) dst(%dma_wait3A_306 : memref<10000x64xf32, #tpu.memory_space<vmem_shared>>)
        } else {
        }
        %add3A_293 = arith.constant 5 : i32
        %add3A_294 = arith.addi %add3A_177, %add3A_293 : i32
        %mul3A_295 = arith.constant 80 : i32
        %mul3A_296 = arith.muli %add3A_294, %mul3A_295 : i32
        %multiple_of3A_297 = tpu.assume_multiple %mul3A_296, 8 : i32
        %dma_start3A_298 = tpu.memref_slice %arg7[%multiple_of3A_297] : memref<10000xi32, #tpu.memory_space<vmem>> -> memref<80xi32, #tpu.memory_space<vmem>>
        %dma_start3A_299 = arith.constant 0 : i32
        %dma_start3A_300 = arith.constant 0 : i32
        %dma_start3A_301 = tpu.memref_slice %arg2[%dma_start3A_299, %dma_start3A_300] : memref<10000x64xf32, #tpu.memory_space<hbm>> -> memref<10000x64xf32, #tpu.memory_space<hbm>>
        tpu.enqueue_indirect_dma source(%dma_start3A_301 : memref<10000x64xf32, #tpu.memory_space<hbm>>) target(%arg9 : memref<80x64xf32, #tpu.memory_space<vmem>>) offsets(%dma_start3A_298 : memref<80xi32, #tpu.memory_space<vmem>>) semaphore(%arg15 : memref<!tpu.dma_semaphore, #tpu.memory_space<semaphore_mem>>)
      } else {
      }
      %mul3A_197 = arith.constant 6 : i32
      %mul3A_198 = arith.muli %scan3A_151, %mul3A_197 : i32
      %add3A_199 = arith.constant 2 : i32
      %add3A_200 = arith.addi %mul3A_198, %add3A_199 : i32
      %dma_wait3A_201 = arith.constant 0 : i32
      %dma_wait3A_202 = tpu.memref_slice %arg7[%dma_wait3A_201] : memref<10000xi32, #tpu.memory_space<vmem>> -> memref<80xi32, #tpu.memory_space<vmem>>
      %dma_wait3A_203 = arith.constant 0 : i32
      %dma_wait3A_204 = arith.constant 0 : i32
      %dma_wait3A_205 = tpu.memref_slice %arg2[%dma_wait3A_203, %dma_wait3A_204] : memref<10000x64xf32, #tpu.memory_space<hbm>> -> memref<10000x64xf32, #tpu.memory_space<hbm>>
      tpu.wait_indirect_dma semaphore(%arg17 : memref<!tpu.dma_semaphore, #tpu.memory_space<semaphore_mem>>) src(%dma_wait3A_205 : memref<10000x64xf32, #tpu.memory_space<hbm>>) dst(%arg11 : memref<80x64xf32, #tpu.memory_space<vmem>>)
      %mul3A_206 = arith.constant 80 : i32
      %mul3A_207 = arith.muli %add3A_200, %mul3A_206 : i32
      %multiple_of3A_208 = tpu.assume_multiple %mul3A_207, 8 : i32
      %dma_start3A_209 = tpu.memref_slice %arg8[%multiple_of3A_208] : memref<10000xi32, #tpu.memory_space<vmem>> -> memref<80xi32, #tpu.memory_space<vmem>>
      %dma_start3A_210 = arith.constant 0 : i32
      %dma_start3A_211 = arith.constant 0 : i32
      %dma_start3A_212 = tpu.memref_slice %arg6[%dma_start3A_210, %dma_start3A_211] : memref<10000x64xf32, #tpu.memory_space<vmem_shared>> -> memref<10000x64xf32, #tpu.memory_space<vmem_shared>>
      tpu.enqueue_indirect_dma source(%arg11 : memref<80x64xf32, #tpu.memory_space<vmem>>) target(%dma_start3A_212 : memref<10000x64xf32, #tpu.memory_space<vmem_shared>>) offsets(%dma_start3A_209 : memref<80xi32, #tpu.memory_space<vmem>>) semaphore(%arg23 : memref<!tpu.dma_semaphore, #tpu.memory_space<semaphore_mem>>) {add = true}
      %add3A_213 = arith.constant 5 : i32
      %add3A_214 = arith.addi %add3A_200, %add3A_213 : i32
      %lt3A_215 = arith.constant 125 : i32
      %lt3A_216 = arith.cmpi slt, %add3A_214, %lt3A_215 : i32
      %convert_element_type3A_217 = arith.extui %lt3A_216 : i1 to i32
      %cond3A_218 = arith.constant 0 : i32
      %cond3A_219 = arith.cmpi ne, %convert_element_type3A_217, %cond3A_218 : i32
      scf.if %cond3A_219 {
        %ge3A = arith.constant 1 : i32
        %ge3A_289 = arith.cmpi sge, %add3A_200, %ge3A : i32
        %convert_element_type3A_290 = arith.extui %ge3A_289 : i1 to i32
        %cond3A_291 = arith.constant 0 : i32
        %cond3A_292 = arith.cmpi ne, %convert_element_type3A_290, %cond3A_291 : i32
        scf.if %cond3A_292 {
          %dma_wait3A_302 = arith.constant 0 : i32
          %dma_wait3A_303 = tpu.memref_slice %arg8[%dma_wait3A_302] : memref<10000xi32, #tpu.memory_space<vmem>> -> memref<80xi32, #tpu.memory_space<vmem>>
          %dma_wait3A_304 = arith.constant 0 : i32
          %dma_wait3A_305 = arith.constant 0 : i32
          %dma_wait3A_306 = tpu.memref_slice %arg6[%dma_wait3A_304, %dma_wait3A_305] : memref<10000x64xf32, #tpu.memory_space<vmem_shared>> -> memref<10000x64xf32, #tpu.memory_space<vmem_shared>>
          tpu.wait_indirect_dma semaphore(%arg22 : memref<!tpu.dma_semaphore, #tpu.memory_space<semaphore_mem>>) src(%arg10 : memref<80x64xf32, #tpu.memory_space<vmem>>) dst(%dma_wait3A_306 : memref<10000x64xf32, #tpu.memory_space<vmem_shared>>)
        } else {
        }
        %add3A_293 = arith.constant 5 : i32
        %add3A_294 = arith.addi %add3A_200, %add3A_293 : i32
        %mul3A_295 = arith.constant 80 : i32
        %mul3A_296 = arith.muli %add3A_294, %mul3A_295 : i32
        %multiple_of3A_297 = tpu.assume_multiple %mul3A_296, 8 : i32
        %dma_start3A_298 = tpu.memref_slice %arg7[%multiple_of3A_297] : memref<10000xi32, #tpu.memory_space<vmem>> -> memref<80xi32, #tpu.memory_space<vmem>>
        %dma_start3A_299 = arith.constant 0 : i32
        %dma_start3A_300 = arith.constant 0 : i32
        %dma_start3A_301 = tpu.memref_slice %arg2[%dma_start3A_299, %dma_start3A_300] : memref<10000x64xf32, #tpu.memory_space<hbm>> -> memref<10000x64xf32, #tpu.memory_space<hbm>>
        tpu.enqueue_indirect_dma source(%dma_start3A_301 : memref<10000x64xf32, #tpu.memory_space<hbm>>) target(%arg10 : memref<80x64xf32, #tpu.memory_space<vmem>>) offsets(%dma_start3A_298 : memref<80xi32, #tpu.memory_space<vmem>>) semaphore(%arg16 : memref<!tpu.dma_semaphore, #tpu.memory_space<semaphore_mem>>)
      } else {
      }
      %mul3A_220 = arith.constant 6 : i32
      %mul3A_221 = arith.muli %scan3A_151, %mul3A_220 : i32
      %add3A_222 = arith.constant 3 : i32
      %add3A_223 = arith.addi %mul3A_221, %add3A_222 : i32
      %dma_wait3A_224 = arith.constant 0 : i32
      %dma_wait3A_225 = tpu.memref_slice %arg7[%dma_wait3A_224] : memref<10000xi32, #tpu.memory_space<vmem>> -> memref<80xi32, #tpu.memory_space<vmem>>
      %dma_wait3A_226 = arith.constant 0 : i32
      %dma_wait3A_227 = arith.constant 0 : i32
      %dma_wait3A_228 = tpu.memref_slice %arg2[%dma_wait3A_226, %dma_wait3A_227] : memref<10000x64xf32, #tpu.memory_space<hbm>> -> memref<10000x64xf32, #tpu.memory_space<hbm>>
      tpu.wait_indirect_dma semaphore(%arg18 : memref<!tpu.dma_semaphore, #tpu.memory_space<semaphore_mem>>) src(%dma_wait3A_228 : memref<10000x64xf32, #tpu.memory_space<hbm>>) dst(%arg12 : memref<80x64xf32, #tpu.memory_space<vmem>>)
      %mul3A_229 = arith.constant 80 : i32
      %mul3A_230 = arith.muli %add3A_223, %mul3A_229 : i32
      %multiple_of3A_231 = tpu.assume_multiple %mul3A_230, 8 : i32
      %dma_start3A_232 = tpu.memref_slice %arg8[%multiple_of3A_231] : memref<10000xi32, #tpu.memory_space<vmem>> -> memref<80xi32, #tpu.memory_space<vmem>>
      %dma_start3A_233 = arith.constant 0 : i32
      %dma_start3A_234 = arith.constant 0 : i32
      %dma_start3A_235 = tpu.memref_slice %arg6[%dma_start3A_233, %dma_start3A_234] : memref<10000x64xf32, #tpu.memory_space<vmem_shared>> -> memref<10000x64xf32, #tpu.memory_space<vmem_shared>>
      tpu.enqueue_indirect_dma source(%arg12 : memref<80x64xf32, #tpu.memory_space<vmem>>) target(%dma_start3A_235 : memref<10000x64xf32, #tpu.memory_space<vmem_shared>>) offsets(%dma_start3A_232 : memref<80xi32, #tpu.memory_space<vmem>>) semaphore(%arg24 : memref<!tpu.dma_semaphore, #tpu.memory_space<semaphore_mem>>) {add = true}
      %add3A_236 = arith.constant 5 : i32
      %add3A_237 = arith.addi %add3A_223, %add3A_236 : i32
      %lt3A_238 = arith.constant 125 : i32
      %lt3A_239 = arith.cmpi slt, %add3A_237, %lt3A_238 : i32
      %convert_element_type3A_240 = arith.extui %lt3A_239 : i1 to i32
      %cond3A_241 = arith.constant 0 : i32
      %cond3A_242 = arith.cmpi ne, %convert_element_type3A_240, %cond3A_241 : i32
      scf.if %cond3A_242 {
        %ge3A = arith.constant 1 : i32
        %ge3A_289 = arith.cmpi sge, %add3A_223, %ge3A : i32
        %convert_element_type3A_290 = arith.extui %ge3A_289 : i1 to i32
        %cond3A_291 = arith.constant 0 : i32
        %cond3A_292 = arith.cmpi ne, %convert_element_type3A_290, %cond3A_291 : i32
        scf.if %cond3A_292 {
          %dma_wait3A_302 = arith.constant 0 : i32
          %dma_wait3A_303 = tpu.memref_slice %arg8[%dma_wait3A_302] : memref<10000xi32, #tpu.memory_space<vmem>> -> memref<80xi32, #tpu.memory_space<vmem>>
          %dma_wait3A_304 = arith.constant 0 : i32
          %dma_wait3A_305 = arith.constant 0 : i32
          %dma_wait3A_306 = tpu.memref_slice %arg6[%dma_wait3A_304, %dma_wait3A_305] : memref<10000x64xf32, #tpu.memory_space<vmem_shared>> -> memref<10000x64xf32, #tpu.memory_space<vmem_shared>>
          tpu.wait_indirect_dma semaphore(%arg23 : memref<!tpu.dma_semaphore, #tpu.memory_space<semaphore_mem>>) src(%arg11 : memref<80x64xf32, #tpu.memory_space<vmem>>) dst(%dma_wait3A_306 : memref<10000x64xf32, #tpu.memory_space<vmem_shared>>)
        } else {
        }
        %add3A_293 = arith.constant 5 : i32
        %add3A_294 = arith.addi %add3A_223, %add3A_293 : i32
        %mul3A_295 = arith.constant 80 : i32
        %mul3A_296 = arith.muli %add3A_294, %mul3A_295 : i32
        %multiple_of3A_297 = tpu.assume_multiple %mul3A_296, 8 : i32
        %dma_start3A_298 = tpu.memref_slice %arg7[%multiple_of3A_297] : memref<10000xi32, #tpu.memory_space<vmem>> -> memref<80xi32, #tpu.memory_space<vmem>>
        %dma_start3A_299 = arith.constant 0 : i32
        %dma_start3A_300 = arith.constant 0 : i32
        %dma_start3A_301 = tpu.memref_slice %arg2[%dma_start3A_299, %dma_start3A_300] : memref<10000x64xf32, #tpu.memory_space<hbm>> -> memref<10000x64xf32, #tpu.memory_space<hbm>>
        tpu.enqueue_indirect_dma source(%dma_start3A_301 : memref<10000x64xf32, #tpu.memory_space<hbm>>) target(%arg11 : memref<80x64xf32, #tpu.memory_space<vmem>>) offsets(%dma_start3A_298 : memref<80xi32, #tpu.memory_space<vmem>>) semaphore(%arg17 : memref<!tpu.dma_semaphore, #tpu.memory_space<semaphore_mem>>)
      } else {
      }
      %mul3A_243 = arith.constant 6 : i32
      %mul3A_244 = arith.muli %scan3A_151, %mul3A_243 : i32
      %add3A_245 = arith.constant 4 : i32
      %add3A_246 = arith.addi %mul3A_244, %add3A_245 : i32
      %dma_wait3A_247 = arith.constant 0 : i32
      %dma_wait3A_248 = tpu.memref_slice %arg7[%dma_wait3A_247] : memref<10000xi32, #tpu.memory_space<vmem>> -> memref<80xi32, #tpu.memory_space<vmem>>
      %dma_wait3A_249 = arith.constant 0 : i32
      %dma_wait3A_250 = arith.constant 0 : i32
      %dma_wait3A_251 = tpu.memref_slice %arg2[%dma_wait3A_249, %dma_wait3A_250] : memref<10000x64xf32, #tpu.memory_space<hbm>> -> memref<10000x64xf32, #tpu.memory_space<hbm>>
      tpu.wait_indirect_dma semaphore(%arg19 : memref<!tpu.dma_semaphore, #tpu.memory_space<semaphore_mem>>) src(%dma_wait3A_251 : memref<10000x64xf32, #tpu.memory_space<hbm>>) dst(%arg13 : memref<80x64xf32, #tpu.memory_space<vmem>>)
      %mul3A_252 = arith.constant 80 : i32
      %mul3A_253 = arith.muli %add3A_246, %mul3A_252 : i32
      %multiple_of3A_254 = tpu.assume_multiple %mul3A_253, 8 : i32
      %dma_start3A_255 = tpu.memref_slice %arg8[%multiple_of3A_254] : memref<10000xi32, #tpu.memory_space<vmem>> -> memref<80xi32, #tpu.memory_space<vmem>>
      %dma_start3A_256 = arith.constant 0 : i32
      %dma_start3A_257 = arith.constant 0 : i32
      %dma_start3A_258 = tpu.memref_slice %arg6[%dma_start3A_256, %dma_start3A_257] : memref<10000x64xf32, #tpu.memory_space<vmem_shared>> -> memref<10000x64xf32, #tpu.memory_space<vmem_shared>>
      tpu.enqueue_indirect_dma source(%arg13 : memref<80x64xf32, #tpu.memory_space<vmem>>) target(%dma_start3A_258 : memref<10000x64xf32, #tpu.memory_space<vmem_shared>>) offsets(%dma_start3A_255 : memref<80xi32, #tpu.memory_space<vmem>>) semaphore(%arg25 : memref<!tpu.dma_semaphore, #tpu.memory_space<semaphore_mem>>) {add = true}
      %add3A_259 = arith.constant 5 : i32
      %add3A_260 = arith.addi %add3A_246, %add3A_259 : i32
      %lt3A_261 = arith.constant 125 : i32
      %lt3A_262 = arith.cmpi slt, %add3A_260, %lt3A_261 : i32
      %convert_element_type3A_263 = arith.extui %lt3A_262 : i1 to i32
      %cond3A_264 = arith.constant 0 : i32
      %cond3A_265 = arith.cmpi ne, %convert_element_type3A_263, %cond3A_264 : i32
      scf.if %cond3A_265 {
        %ge3A = arith.constant 1 : i32
        %ge3A_289 = arith.cmpi sge, %add3A_246, %ge3A : i32
        %convert_element_type3A_290 = arith.extui %ge3A_289 : i1 to i32
        %cond3A_291 = arith.constant 0 : i32
        %cond3A_292 = arith.cmpi ne, %convert_element_type3A_290, %cond3A_291 : i32
        scf.if %cond3A_292 {
          %dma_wait3A_302 = arith.constant 0 : i32
          %dma_wait3A_303 = tpu.memref_slice %arg8[%dma_wait3A_302] : memref<10000xi32, #tpu.memory_space<vmem>> -> memref<80xi32, #tpu.memory_space<vmem>>
          %dma_wait3A_304 = arith.constant 0 : i32
          %dma_wait3A_305 = arith.constant 0 : i32
          %dma_wait3A_306 = tpu.memref_slice %arg6[%dma_wait3A_304, %dma_wait3A_305] : memref<10000x64xf32, #tpu.memory_space<vmem_shared>> -> memref<10000x64xf32, #tpu.memory_space<vmem_shared>>
          tpu.wait_indirect_dma semaphore(%arg24 : memref<!tpu.dma_semaphore, #tpu.memory_space<semaphore_mem>>) src(%arg12 : memref<80x64xf32, #tpu.memory_space<vmem>>) dst(%dma_wait3A_306 : memref<10000x64xf32, #tpu.memory_space<vmem_shared>>)
        } else {
        }
        %add3A_293 = arith.constant 5 : i32
        %add3A_294 = arith.addi %add3A_246, %add3A_293 : i32
        %mul3A_295 = arith.constant 80 : i32
        %mul3A_296 = arith.muli %add3A_294, %mul3A_295 : i32
        %multiple_of3A_297 = tpu.assume_multiple %mul3A_296, 8 : i32
        %dma_start3A_298 = tpu.memref_slice %arg7[%multiple_of3A_297] : memref<10000xi32, #tpu.memory_space<vmem>> -> memref<80xi32, #tpu.memory_space<vmem>>
        %dma_start3A_299 = arith.constant 0 : i32
        %dma_start3A_300 = arith.constant 0 : i32
        %dma_start3A_301 = tpu.memref_slice %arg2[%dma_start3A_299, %dma_start3A_300] : memref<10000x64xf32, #tpu.memory_space<hbm>> -> memref<10000x64xf32, #tpu.memory_space<hbm>>
        tpu.enqueue_indirect_dma source(%dma_start3A_301 : memref<10000x64xf32, #tpu.memory_space<hbm>>) target(%arg12 : memref<80x64xf32, #tpu.memory_space<vmem>>) offsets(%dma_start3A_298 : memref<80xi32, #tpu.memory_space<vmem>>) semaphore(%arg18 : memref<!tpu.dma_semaphore, #tpu.memory_space<semaphore_mem>>)
      } else {
      }
      %mul3A_266 = arith.constant 6 : i32
      %mul3A_267 = arith.muli %scan3A_151, %mul3A_266 : i32
      %add3A_268 = arith.constant 5 : i32
      %add3A_269 = arith.addi %mul3A_267, %add3A_268 : i32
      %dma_wait3A_270 = arith.constant 0 : i32
      %dma_wait3A_271 = tpu.memref_slice %arg7[%dma_wait3A_270] : memref<10000xi32, #tpu.memory_space<vmem>> -> memref<80xi32, #tpu.memory_space<vmem>>
      %dma_wait3A_272 = arith.constant 0 : i32
      %dma_wait3A_273 = arith.constant 0 : i32
      %dma_wait3A_274 = tpu.memref_slice %arg2[%dma_wait3A_272, %dma_wait3A_273] : memref<10000x64xf32, #tpu.memory_space<hbm>> -> memref<10000x64xf32, #tpu.memory_space<hbm>>
      tpu.wait_indirect_dma semaphore(%arg20 : memref<!tpu.dma_semaphore, #tpu.memory_space<semaphore_mem>>) src(%dma_wait3A_274 : memref<10000x64xf32, #tpu.memory_space<hbm>>) dst(%arg14 : memref<80x64xf32, #tpu.memory_space<vmem>>)
      %mul3A_275 = arith.constant 80 : i32
      %mul3A_276 = arith.muli %add3A_269, %mul3A_275 : i32
      %multiple_of3A_277 = tpu.assume_multiple %mul3A_276, 8 : i32
      %dma_start3A_278 = tpu.memref_slice %arg8[%multiple_of3A_277] : memref<10000xi32, #tpu.memory_space<vmem>> -> memref<80xi32, #tpu.memory_space<vmem>>
      %dma_start3A_279 = arith.constant 0 : i32
      %dma_start3A_280 = arith.constant 0 : i32
      %dma_start3A_281 = tpu.memref_slice %arg6[%dma_start3A_279, %dma_start3A_280] : memref<10000x64xf32, #tpu.memory_space<vmem_shared>> -> memref<10000x64xf32, #tpu.memory_space<vmem_shared>>
      tpu.enqueue_indirect_dma source(%arg14 : memref<80x64xf32, #tpu.memory_space<vmem>>) target(%dma_start3A_281 : memref<10000x64xf32, #tpu.memory_space<vmem_shared>>) offsets(%dma_start3A_278 : memref<80xi32, #tpu.memory_space<vmem>>) semaphore(%arg26 : memref<!tpu.dma_semaphore, #tpu.memory_space<semaphore_mem>>) {add = true}
      %add3A_282 = arith.constant 5 : i32
      %add3A_283 = arith.addi %add3A_269, %add3A_282 : i32
      %lt3A_284 = arith.constant 125 : i32
      %lt3A_285 = arith.cmpi slt, %add3A_283, %lt3A_284 : i32
      %convert_element_type3A_286 = arith.extui %lt3A_285 : i1 to i32
      %cond3A_287 = arith.constant 0 : i32
      %cond3A_288 = arith.cmpi ne, %convert_element_type3A_286, %cond3A_287 : i32
      scf.if %cond3A_288 {
        %ge3A = arith.constant 1 : i32
        %ge3A_289 = arith.cmpi sge, %add3A_269, %ge3A : i32
        %convert_element_type3A_290 = arith.extui %ge3A_289 : i1 to i32
        %cond3A_291 = arith.constant 0 : i32
        %cond3A_292 = arith.cmpi ne, %convert_element_type3A_290, %cond3A_291 : i32
        scf.if %cond3A_292 {
          %dma_wait3A_302 = arith.constant 0 : i32
          %dma_wait3A_303 = tpu.memref_slice %arg8[%dma_wait3A_302] : memref<10000xi32, #tpu.memory_space<vmem>> -> memref<80xi32, #tpu.memory_space<vmem>>
          %dma_wait3A_304 = arith.constant 0 : i32
          %dma_wait3A_305 = arith.constant 0 : i32
          %dma_wait3A_306 = tpu.memref_slice %arg6[%dma_wait3A_304, %dma_wait3A_305] : memref<10000x64xf32, #tpu.memory_space<vmem_shared>> -> memref<10000x64xf32, #tpu.memory_space<vmem_shared>>
          tpu.wait_indirect_dma semaphore(%arg25 : memref<!tpu.dma_semaphore, #tpu.memory_space<semaphore_mem>>) src(%arg13 : memref<80x64xf32, #tpu.memory_space<vmem>>) dst(%dma_wait3A_306 : memref<10000x64xf32, #tpu.memory_space<vmem_shared>>)
        } else {
        }
        %add3A_293 = arith.constant 5 : i32
        %add3A_294 = arith.addi %add3A_269, %add3A_293 : i32
        %mul3A_295 = arith.constant 80 : i32
        %mul3A_296 = arith.muli %add3A_294, %mul3A_295 : i32
        %multiple_of3A_297 = tpu.assume_multiple %mul3A_296, 8 : i32
        %dma_start3A_298 = tpu.memref_slice %arg7[%multiple_of3A_297] : memref<10000xi32, #tpu.memory_space<vmem>> -> memref<80xi32, #tpu.memory_space<vmem>>
        %dma_start3A_299 = arith.constant 0 : i32
        %dma_start3A_300 = arith.constant 0 : i32
        %dma_start3A_301 = tpu.memref_slice %arg2[%dma_start3A_299, %dma_start3A_300] : memref<10000x64xf32, #tpu.memory_space<hbm>> -> memref<10000x64xf32, #tpu.memory_space<hbm>>
        tpu.enqueue_indirect_dma source(%dma_start3A_301 : memref<10000x64xf32, #tpu.memory_space<hbm>>) target(%arg13 : memref<80x64xf32, #tpu.memory_space<vmem>>) offsets(%dma_start3A_298 : memref<80xi32, #tpu.memory_space<vmem>>) semaphore(%arg19 : memref<!tpu.dma_semaphore, #tpu.memory_space<semaphore_mem>>)
      } else {
      }
    }
    %scan3A_64 = arith.constant 20 : i32
    %dma_wait3A_65 = arith.constant 0 : i32
    %dma_wait3A_66 = tpu.memref_slice %arg7[%dma_wait3A_65] : memref<10000xi32, #tpu.memory_space<vmem>> -> memref<80xi32, #tpu.memory_space<vmem>>
    %dma_wait3A_67 = arith.constant 0 : i32
    %dma_wait3A_68 = arith.constant 0 : i32
    %dma_wait3A_69 = tpu.memref_slice %arg2[%dma_wait3A_67, %dma_wait3A_68] : memref<10000x64xf32, #tpu.memory_space<hbm>> -> memref<10000x64xf32, #tpu.memory_space<hbm>>
    tpu.wait_indirect_dma semaphore(%arg15 : memref<!tpu.dma_semaphore, #tpu.memory_space<semaphore_mem>>) src(%dma_wait3A_69 : memref<10000x64xf32, #tpu.memory_space<hbm>>) dst(%arg9 : memref<80x64xf32, #tpu.memory_space<vmem>>)
    %multiple_of3A_70 = arith.constant 9600 : i32
    %multiple_of3A_71 = tpu.assume_multiple %multiple_of3A_70, 8 : i32
    %dma_start3A_72 = tpu.memref_slice %arg8[%multiple_of3A_71] : memref<10000xi32, #tpu.memory_space<vmem>> -> memref<80xi32, #tpu.memory_space<vmem>>
    %dma_start3A_73 = arith.constant 0 : i32
    %dma_start3A_74 = arith.constant 0 : i32
    %dma_start3A_75 = tpu.memref_slice %arg6[%dma_start3A_73, %dma_start3A_74] : memref<10000x64xf32, #tpu.memory_space<vmem_shared>> -> memref<10000x64xf32, #tpu.memory_space<vmem_shared>>
    tpu.enqueue_indirect_dma source(%arg9 : memref<80x64xf32, #tpu.memory_space<vmem>>) target(%dma_start3A_75 : memref<10000x64xf32, #tpu.memory_space<vmem_shared>>) offsets(%dma_start3A_72 : memref<80xi32, #tpu.memory_space<vmem>>) semaphore(%arg21 : memref<!tpu.dma_semaphore, #tpu.memory_space<semaphore_mem>>) {add = true}
    %dma_wait3A_76 = arith.constant 0 : i32
    %dma_wait3A_77 = tpu.memref_slice %arg7[%dma_wait3A_76] : memref<10000xi32, #tpu.memory_space<vmem>> -> memref<80xi32, #tpu.memory_space<vmem>>
    %dma_wait3A_78 = arith.constant 0 : i32
    %dma_wait3A_79 = arith.constant 0 : i32
    %dma_wait3A_80 = tpu.memref_slice %arg2[%dma_wait3A_78, %dma_wait3A_79] : memref<10000x64xf32, #tpu.memory_space<hbm>> -> memref<10000x64xf32, #tpu.memory_space<hbm>>
    tpu.wait_indirect_dma semaphore(%arg16 : memref<!tpu.dma_semaphore, #tpu.memory_space<semaphore_mem>>) src(%dma_wait3A_80 : memref<10000x64xf32, #tpu.memory_space<hbm>>) dst(%arg10 : memref<80x64xf32, #tpu.memory_space<vmem>>)
    %multiple_of3A_81 = arith.constant 9680 : i32
    %multiple_of3A_82 = tpu.assume_multiple %multiple_of3A_81, 8 : i32
    %dma_start3A_83 = tpu.memref_slice %arg8[%multiple_of3A_82] : memref<10000xi32, #tpu.memory_space<vmem>> -> memref<80xi32, #tpu.memory_space<vmem>>
    %dma_start3A_84 = arith.constant 0 : i32
    %dma_start3A_85 = arith.constant 0 : i32
    %dma_start3A_86 = tpu.memref_slice %arg6[%dma_start3A_84, %dma_start3A_85] : memref<10000x64xf32, #tpu.memory_space<vmem_shared>> -> memref<10000x64xf32, #tpu.memory_space<vmem_shared>>
    tpu.enqueue_indirect_dma source(%arg10 : memref<80x64xf32, #tpu.memory_space<vmem>>) target(%dma_start3A_86 : memref<10000x64xf32, #tpu.memory_space<vmem_shared>>) offsets(%dma_start3A_83 : memref<80xi32, #tpu.memory_space<vmem>>) semaphore(%arg22 : memref<!tpu.dma_semaphore, #tpu.memory_space<semaphore_mem>>) {add = true}
    %dma_wait3A_87 = arith.constant 0 : i32
    %dma_wait3A_88 = tpu.memref_slice %arg7[%dma_wait3A_87] : memref<10000xi32, #tpu.memory_space<vmem>> -> memref<80xi32, #tpu.memory_space<vmem>>
    %dma_wait3A_89 = arith.constant 0 : i32
    %dma_wait3A_90 = arith.constant 0 : i32
    %dma_wait3A_91 = tpu.memref_slice %arg2[%dma_wait3A_89, %dma_wait3A_90] : memref<10000x64xf32, #tpu.memory_space<hbm>> -> memref<10000x64xf32, #tpu.memory_space<hbm>>
    tpu.wait_indirect_dma semaphore(%arg17 : memref<!tpu.dma_semaphore, #tpu.memory_space<semaphore_mem>>) src(%dma_wait3A_91 : memref<10000x64xf32, #tpu.memory_space<hbm>>) dst(%arg11 : memref<80x64xf32, #tpu.memory_space<vmem>>)
    %multiple_of3A_92 = arith.constant 9760 : i32
    %multiple_of3A_93 = tpu.assume_multiple %multiple_of3A_92, 8 : i32
    %dma_start3A_94 = tpu.memref_slice %arg8[%multiple_of3A_93] : memref<10000xi32, #tpu.memory_space<vmem>> -> memref<80xi32, #tpu.memory_space<vmem>>
    %dma_start3A_95 = arith.constant 0 : i32
    %dma_start3A_96 = arith.constant 0 : i32
    %dma_start3A_97 = tpu.memref_slice %arg6[%dma_start3A_95, %dma_start3A_96] : memref<10000x64xf32, #tpu.memory_space<vmem_shared>> -> memref<10000x64xf32, #tpu.memory_space<vmem_shared>>
    tpu.enqueue_indirect_dma source(%arg11 : memref<80x64xf32, #tpu.memory_space<vmem>>) target(%dma_start3A_97 : memref<10000x64xf32, #tpu.memory_space<vmem_shared>>) offsets(%dma_start3A_94 : memref<80xi32, #tpu.memory_space<vmem>>) semaphore(%arg23 : memref<!tpu.dma_semaphore, #tpu.memory_space<semaphore_mem>>) {add = true}
    %dma_wait3A_98 = arith.constant 0 : i32
    %dma_wait3A_99 = tpu.memref_slice %arg7[%dma_wait3A_98] : memref<10000xi32, #tpu.memory_space<vmem>> -> memref<80xi32, #tpu.memory_space<vmem>>
    %dma_wait3A_100 = arith.constant 0 : i32
    %dma_wait3A_101 = arith.constant 0 : i32
    %dma_wait3A_102 = tpu.memref_slice %arg2[%dma_wait3A_100, %dma_wait3A_101] : memref<10000x64xf32, #tpu.memory_space<hbm>> -> memref<10000x64xf32, #tpu.memory_space<hbm>>
    tpu.wait_indirect_dma semaphore(%arg18 : memref<!tpu.dma_semaphore, #tpu.memory_space<semaphore_mem>>) src(%dma_wait3A_102 : memref<10000x64xf32, #tpu.memory_space<hbm>>) dst(%arg12 : memref<80x64xf32, #tpu.memory_space<vmem>>)
    %multiple_of3A_103 = arith.constant 9840 : i32
    %multiple_of3A_104 = tpu.assume_multiple %multiple_of3A_103, 8 : i32
    %dma_start3A_105 = tpu.memref_slice %arg8[%multiple_of3A_104] : memref<10000xi32, #tpu.memory_space<vmem>> -> memref<80xi32, #tpu.memory_space<vmem>>
    %dma_start3A_106 = arith.constant 0 : i32
    %dma_start3A_107 = arith.constant 0 : i32
    %dma_start3A_108 = tpu.memref_slice %arg6[%dma_start3A_106, %dma_start3A_107] : memref<10000x64xf32, #tpu.memory_space<vmem_shared>> -> memref<10000x64xf32, #tpu.memory_space<vmem_shared>>
    tpu.enqueue_indirect_dma source(%arg12 : memref<80x64xf32, #tpu.memory_space<vmem>>) target(%dma_start3A_108 : memref<10000x64xf32, #tpu.memory_space<vmem_shared>>) offsets(%dma_start3A_105 : memref<80xi32, #tpu.memory_space<vmem>>) semaphore(%arg24 : memref<!tpu.dma_semaphore, #tpu.memory_space<semaphore_mem>>) {add = true}
    %dma_wait3A_109 = arith.constant 0 : i32
    %dma_wait3A_110 = tpu.memref_slice %arg7[%dma_wait3A_109] : memref<10000xi32, #tpu.memory_space<vmem>> -> memref<80xi32, #tpu.memory_space<vmem>>
    %dma_wait3A_111 = arith.constant 0 : i32
    %dma_wait3A_112 = arith.constant 0 : i32
    %dma_wait3A_113 = tpu.memref_slice %arg2[%dma_wait3A_111, %dma_wait3A_112] : memref<10000x64xf32, #tpu.memory_space<hbm>> -> memref<10000x64xf32, #tpu.memory_space<hbm>>
    tpu.wait_indirect_dma semaphore(%arg19 : memref<!tpu.dma_semaphore, #tpu.memory_space<semaphore_mem>>) src(%dma_wait3A_113 : memref<10000x64xf32, #tpu.memory_space<hbm>>) dst(%arg13 : memref<80x64xf32, #tpu.memory_space<vmem>>)
    %multiple_of3A_114 = arith.constant 9920 : i32
    %multiple_of3A_115 = tpu.assume_multiple %multiple_of3A_114, 8 : i32
    %dma_start3A_116 = tpu.memref_slice %arg8[%multiple_of3A_115] : memref<10000xi32, #tpu.memory_space<vmem>> -> memref<80xi32, #tpu.memory_space<vmem>>
    %dma_start3A_117 = arith.constant 0 : i32
    %dma_start3A_118 = arith.constant 0 : i32
    %dma_start3A_119 = tpu.memref_slice %arg6[%dma_start3A_117, %dma_start3A_118] : memref<10000x64xf32, #tpu.memory_space<vmem_shared>> -> memref<10000x64xf32, #tpu.memory_space<vmem_shared>>
    tpu.enqueue_indirect_dma source(%arg13 : memref<80x64xf32, #tpu.memory_space<vmem>>) target(%dma_start3A_119 : memref<10000x64xf32, #tpu.memory_space<vmem_shared>>) offsets(%dma_start3A_116 : memref<80xi32, #tpu.memory_space<vmem>>) semaphore(%arg25 : memref<!tpu.dma_semaphore, #tpu.memory_space<semaphore_mem>>) {add = true}
    %dma_wait3A_120 = arith.constant 0 : i32
    %dma_wait3A_121 = tpu.memref_slice %arg8[%dma_wait3A_120] : memref<10000xi32, #tpu.memory_space<vmem>> -> memref<80xi32, #tpu.memory_space<vmem>>
    %dma_wait3A_122 = arith.constant 0 : i32
    %dma_wait3A_123 = arith.constant 0 : i32
    %dma_wait3A_124 = tpu.memref_slice %arg6[%dma_wait3A_122, %dma_wait3A_123] : memref<10000x64xf32, #tpu.memory_space<vmem_shared>> -> memref<10000x64xf32, #tpu.memory_space<vmem_shared>>
    tpu.wait_indirect_dma semaphore(%arg21 : memref<!tpu.dma_semaphore, #tpu.memory_space<semaphore_mem>>) src(%arg9 : memref<80x64xf32, #tpu.memory_space<vmem>>) dst(%dma_wait3A_124 : memref<10000x64xf32, #tpu.memory_space<vmem_shared>>)
    %dma_wait3A_125 = arith.constant 0 : i32
    %dma_wait3A_126 = tpu.memref_slice %arg8[%dma_wait3A_125] : memref<10000xi32, #tpu.memory_space<vmem>> -> memref<80xi32, #tpu.memory_space<vmem>>
    %dma_wait3A_127 = arith.constant 0 : i32
    %dma_wait3A_128 = arith.constant 0 : i32
    %dma_wait3A_129 = tpu.memref_slice %arg6[%dma_wait3A_127, %dma_wait3A_128] : memref<10000x64xf32, #tpu.memory_space<vmem_shared>> -> memref<10000x64xf32, #tpu.memory_space<vmem_shared>>
    tpu.wait_indirect_dma semaphore(%arg22 : memref<!tpu.dma_semaphore, #tpu.memory_space<semaphore_mem>>) src(%arg10 : memref<80x64xf32, #tpu.memory_space<vmem>>) dst(%dma_wait3A_129 : memref<10000x64xf32, #tpu.memory_space<vmem_shared>>)
    %dma_wait3A_130 = arith.constant 0 : i32
    %dma_wait3A_131 = tpu.memref_slice %arg8[%dma_wait3A_130] : memref<10000xi32, #tpu.memory_space<vmem>> -> memref<80xi32, #tpu.memory_space<vmem>>
    %dma_wait3A_132 = arith.constant 0 : i32
    %dma_wait3A_133 = arith.constant 0 : i32
    %dma_wait3A_134 = tpu.memref_slice %arg6[%dma_wait3A_132, %dma_wait3A_133] : memref<10000x64xf32, #tpu.memory_space<vmem_shared>> -> memref<10000x64xf32, #tpu.memory_space<vmem_shared>>
    tpu.wait_indirect_dma semaphore(%arg23 : memref<!tpu.dma_semaphore, #tpu.memory_space<semaphore_mem>>) src(%arg11 : memref<80x64xf32, #tpu.memory_space<vmem>>) dst(%dma_wait3A_134 : memref<10000x64xf32, #tpu.memory_space<vmem_shared>>)
    %dma_wait3A_135 = arith.constant 0 : i32
    %dma_wait3A_136 = tpu.memref_slice %arg8[%dma_wait3A_135] : memref<10000xi32, #tpu.memory_space<vmem>> -> memref<80xi32, #tpu.memory_space<vmem>>
    %dma_wait3A_137 = arith.constant 0 : i32
    %dma_wait3A_138 = arith.constant 0 : i32
    %dma_wait3A_139 = tpu.memref_slice %arg6[%dma_wait3A_137, %dma_wait3A_138] : memref<10000x64xf32, #tpu.memory_space<vmem_shared>> -> memref<10000x64xf32, #tpu.memory_space<vmem_shared>>
    tpu.wait_indirect_dma semaphore(%arg24 : memref<!tpu.dma_semaphore, #tpu.memory_space<semaphore_mem>>) src(%arg12 : memref<80x64xf32, #tpu.memory_space<vmem>>) dst(%dma_wait3A_139 : memref<10000x64xf32, #tpu.memory_space<vmem_shared>>)
    %dma_wait3A_140 = arith.constant 0 : i32
    %dma_wait3A_141 = tpu.memref_slice %arg8[%dma_wait3A_140] : memref<10000xi32, #tpu.memory_space<vmem>> -> memref<80xi32, #tpu.memory_space<vmem>>
    %dma_wait3A_142 = arith.constant 0 : i32
    %dma_wait3A_143 = arith.constant 0 : i32
    %dma_wait3A_144 = tpu.memref_slice %arg6[%dma_wait3A_142, %dma_wait3A_143] : memref<10000x64xf32, #tpu.memory_space<vmem_shared>> -> memref<10000x64xf32, #tpu.memory_space<vmem_shared>>
    tpu.wait_indirect_dma semaphore(%arg25 : memref<!tpu.dma_semaphore, #tpu.memory_space<semaphore_mem>>) src(%arg13 : memref<80x64xf32, #tpu.memory_space<vmem>>) dst(%dma_wait3A_144 : memref<10000x64xf32, #tpu.memory_space<vmem_shared>>)
    %dma_wait3A_145 = arith.constant 0 : i32
    %dma_wait3A_146 = tpu.memref_slice %arg8[%dma_wait3A_145] : memref<10000xi32, #tpu.memory_space<vmem>> -> memref<80xi32, #tpu.memory_space<vmem>>
    %dma_wait3A_147 = arith.constant 0 : i32
    %dma_wait3A_148 = arith.constant 0 : i32
    %dma_wait3A_149 = tpu.memref_slice %arg6[%dma_wait3A_147, %dma_wait3A_148] : memref<10000x64xf32, #tpu.memory_space<vmem_shared>> -> memref<10000x64xf32, #tpu.memory_space<vmem_shared>>
    tpu.wait_indirect_dma semaphore(%arg26 : memref<!tpu.dma_semaphore, #tpu.memory_space<semaphore_mem>>) src(%arg14 : memref<80x64xf32, #tpu.memory_space<vmem>>) dst(%dma_wait3A_149 : memref<10000x64xf32, #tpu.memory_space<vmem_shared>>)
    %barrier3A_150 = arith.constant 0 : index
    tpu.barrier barrier_id(%barrier3A_150)
    "tpu.region"() ({
      %run_scoped3A = tpu.sem_alloc : memref<!tpu.dma_semaphore, #tpu.memory_space<semaphore_mem>>
      %dma_start3A_151 = arith.constant 0 : i32
      %dma_start3A_152 = tpu.memref_slice %arg5[%arg0, %mul3A_2, %dma_start3A_151] : memref<2x10000x64xf32, #tpu.memory_space<hbm>> -> memref<1x625x64xf32, #tpu.memory_space<hbm>>
      %dma_start3A_153 = tpu.memref_squeeze %dma_start3A_152 : memref<1x625x64xf32, #tpu.memory_space<hbm>> -> memref<625x64xf32, #tpu.memory_space<hbm>>
      %dma_start3A_154 = arith.constant 0 : i32
      %dma_start3A_155 = tpu.memref_slice %arg6[%mul3A_2, %dma_start3A_154] : memref<10000x64xf32, #tpu.memory_space<vmem_shared>> -> memref<625x64xf32, #tpu.memory_space<vmem_shared>>
      tpu.enqueue_dma source(%dma_start3A_155 : memref<625x64xf32, #tpu.memory_space<vmem_shared>>) target(%dma_start3A_153 : memref<625x64xf32, #tpu.memory_space<hbm>>) target_semaphore(%run_scoped3A : memref<!tpu.dma_semaphore, #tpu.memory_space<semaphore_mem>>)
      %dma_wait3A_156 = arith.constant 0 : i32
      %dma_wait3A_157 = tpu.memref_slice %arg5[%arg0, %mul3A_2, %dma_wait3A_156] : memref<2x10000x64xf32, #tpu.memory_space<hbm>> -> memref<1x625x64xf32, #tpu.memory_space<hbm>>
      %dma_wait3A_158 = tpu.memref_squeeze %dma_wait3A_157 : memref<1x625x64xf32, #tpu.memory_space<hbm>> -> memref<625x64xf32, #tpu.memory_space<hbm>>
      %dma_wait3A_159 = arith.constant 0 : i32
      %dma_wait3A_160 = tpu.memref_slice %arg6[%mul3A_2, %dma_wait3A_159] : memref<10000x64xf32, #tpu.memory_space<vmem_shared>> -> memref<625x64xf32, #tpu.memory_space<vmem_shared>>
      tpu.wait_dma2 semaphore(%run_scoped3A : memref<!tpu.dma_semaphore, #tpu.memory_space<semaphore_mem>>) src(%dma_wait3A_160 : memref<625x64xf32, #tpu.memory_space<vmem_shared>>) dst(%dma_wait3A_158 : memref<625x64xf32, #tpu.memory_space<hbm>>)
      tpu.yield
    }) : () -> ()
    return
  }
}

#map = affine_map<(d0, d1) -> (0, 0)>
#map1 = affine_map<(d0, d1) -> (0, 0, 0)>
module attributes {stable_mosaic.version = 14 : i64} {
  func.func @body(%arg0: i32, %arg1: i32, %arg2: memref<10000x128xf32, #tpu.memory_space<hbm>>, %arg3: memref<2x320000xi32, #tpu.memory_space<hbm>>, %arg4: memref<10000x128xf32, #tpu.memory_space<hbm>>, %arg5: memref<2x10000x128xf32, #tpu.memory_space<hbm>>, %arg6: memref<10000x128xf32, #tpu.memory_space<vmem_shared>>, %arg7: memref<10000xi32, #tpu.memory_space<vmem>>, %arg8: memref<10000xi32, #tpu.memory_space<vmem>>, %arg9: memref<40x128xf32, #tpu.memory_space<vmem>>, %arg10: memref<40x128xf32, #tpu.memory_space<vmem>>, %arg11: memref<40x128xf32, #tpu.memory_space<vmem>>, %arg12: memref<40x128xf32, #tpu.memory_space<vmem>>, %arg13: memref<40x128xf32, #tpu.memory_space<vmem>>, %arg14: memref<40x128xf32, #tpu.memory_space<vmem>>, %arg15: memref<!tpu.dma_semaphore, #tpu.memory_space<semaphore_mem>>, %arg16: memref<!tpu.dma_semaphore, #tpu.memory_space<semaphore_mem>>, %arg17: memref<!tpu.dma_semaphore, #tpu.memory_space<semaphore_mem>>, %arg18: memref<!tpu.dma_semaphore, #tpu.memory_space<semaphore_mem>>, %arg19: memref<!tpu.dma_semaphore, #tpu.memory_space<semaphore_mem>>, %arg20: memref<!tpu.dma_semaphore, #tpu.memory_space<semaphore_mem>>, %arg21: memref<!tpu.dma_semaphore, #tpu.memory_space<semaphore_mem>>, %arg22: memref<!tpu.dma_semaphore, #tpu.memory_space<semaphore_mem>>, %arg23: memref<!tpu.dma_semaphore, #tpu.memory_space<semaphore_mem>>, %arg24: memref<!tpu.dma_semaphore, #tpu.memory_space<semaphore_mem>>, %arg25: memref<!tpu.dma_semaphore, #tpu.memory_space<semaphore_mem>>, %arg26: memref<!tpu.dma_semaphore, #tpu.memory_space<semaphore_mem>>) attributes {dimension_semantics = [#tpu.dimension_semantics<core_parallel>, #tpu.dimension_semantics<subcore_parallel>], iteration_bounds = array<i64: 2, 16>, scalar_prefetch = 0 : i64, scratch_operands = 21 : i64, tpu.core_type = #tpu.core_type<sc_vector_subcore>, window_params = [{transform_indices = #map}, {transform_indices = #map}, {transform_indices = #map}, {transform_indices = #map1}]} {
    %mul3A = arith.constant 2 : i32
    %mul3A_0 = arith.muli %arg1, %mul3A : i32
    %add3A = arith.addi %mul3A_0, %arg0 : i32
    %mul3A_1 = arith.constant 625 : i32
    %mul3A_2 = arith.muli %arg1, %mul3A_1 : i32
    %mul3A_3 = arith.constant 10000 : i32
    %mul3A_4 = arith.muli %add3A, %mul3A_3 : i32
    %multiple_of3A = tpu.assume_multiple %mul3A_4, 8 : i32
    %dma_start3A = arith.constant 0 : i32
    %dma_start3A_5 = tpu.memref_slice %arg3[%dma_start3A, %multiple_of3A] : memref<2x320000xi32, #tpu.memory_space<hbm>> -> memref<1x10000xi32, #tpu.memory_space<hbm>>
    %dma_start3A_6 = tpu.memref_squeeze %dma_start3A_5 : memref<1x10000xi32, #tpu.memory_space<hbm>> -> memref<10000xi32, #tpu.memory_space<hbm>>
    %dma_start3A_7 = tpu.memref_slice %arg3[%dma_start3A, %multiple_of3A] : memref<2x320000xi32, #tpu.memory_space<hbm>> -> memref<1x10000xi32, #tpu.memory_space<hbm>>
    %dma_start3A_8 = tpu.memref_squeeze %dma_start3A_7 : memref<1x10000xi32, #tpu.memory_space<hbm>> -> memref<10000xi32, #tpu.memory_space<hbm>>
    tpu.enqueue_dma source(%dma_start3A_8 : memref<10000xi32, #tpu.memory_space<hbm>>) target(%arg7 : memref<10000xi32, #tpu.memory_space<vmem>>) target_semaphore(%arg15 : memref<!tpu.dma_semaphore, #tpu.memory_space<semaphore_mem>>)
    %dma_start3A_9 = arith.constant 1 : i32
    %dma_start3A_10 = tpu.memref_slice %arg3[%dma_start3A_9, %multiple_of3A] : memref<2x320000xi32, #tpu.memory_space<hbm>> -> memref<1x10000xi32, #tpu.memory_space<hbm>>
    %dma_start3A_11 = tpu.memref_squeeze %dma_start3A_10 : memref<1x10000xi32, #tpu.memory_space<hbm>> -> memref<10000xi32, #tpu.memory_space<hbm>>
    %dma_start3A_12 = tpu.memref_slice %arg3[%dma_start3A_9, %multiple_of3A] : memref<2x320000xi32, #tpu.memory_space<hbm>> -> memref<1x10000xi32, #tpu.memory_space<hbm>>
    %dma_start3A_13 = tpu.memref_squeeze %dma_start3A_12 : memref<1x10000xi32, #tpu.memory_space<hbm>> -> memref<10000xi32, #tpu.memory_space<hbm>>
    tpu.enqueue_dma source(%dma_start3A_13 : memref<10000xi32, #tpu.memory_space<hbm>>) target(%arg8 : memref<10000xi32, #tpu.memory_space<vmem>>) target_semaphore(%arg16 : memref<!tpu.dma_semaphore, #tpu.memory_space<semaphore_mem>>)
    %eq3A = arith.constant 0 : i32
    %eq3A_14 = arith.cmpi eq, %arg0, %eq3A : i32
    %convert_element_type3A = arith.extui %eq3A_14 : i1 to i32
    %cond3A = arith.constant 0 : i32
    %cond3A_15 = arith.cmpi ne, %convert_element_type3A, %cond3A : i32
    scf.if %cond3A_15 {
      "tpu.region"() ({
        %run_scoped3A = tpu.sem_alloc : memref<!tpu.dma_semaphore, #tpu.memory_space<semaphore_mem>>
        %dma_start3A_140 = arith.constant 0 : i32
        %dma_start3A_141 = tpu.memref_slice %arg6[%mul3A_2, %dma_start3A_140] : memref<10000x128xf32, #tpu.memory_space<vmem_shared>> -> memref<625x128xf32, #tpu.memory_space<vmem_shared>>
        %dma_start3A_142 = arith.constant 0 : i32
        %dma_start3A_143 = tpu.memref_slice %arg4[%mul3A_2, %dma_start3A_142] : memref<10000x128xf32, #tpu.memory_space<hbm>> -> memref<625x128xf32, #tpu.memory_space<hbm>>
        tpu.enqueue_dma source(%dma_start3A_143 : memref<625x128xf32, #tpu.memory_space<hbm>>) target(%dma_start3A_141 : memref<625x128xf32, #tpu.memory_space<vmem_shared>>) target_semaphore(%run_scoped3A : memref<!tpu.dma_semaphore, #tpu.memory_space<semaphore_mem>>)
        %dma_wait3A_144 = arith.constant 0 : i32
        %dma_wait3A_145 = tpu.memref_slice %arg6[%mul3A_2, %dma_wait3A_144] : memref<10000x128xf32, #tpu.memory_space<vmem_shared>> -> memref<625x128xf32, #tpu.memory_space<vmem_shared>>
        %dma_wait3A_146 = arith.constant 0 : i32
        %dma_wait3A_147 = tpu.memref_slice %arg4[%mul3A_2, %dma_wait3A_146] : memref<10000x128xf32, #tpu.memory_space<hbm>> -> memref<625x128xf32, #tpu.memory_space<hbm>>
        tpu.wait_dma2 semaphore(%run_scoped3A : memref<!tpu.dma_semaphore, #tpu.memory_space<semaphore_mem>>) src(%dma_wait3A_147 : memref<625x128xf32, #tpu.memory_space<hbm>>) dst(%dma_wait3A_145 : memref<625x128xf32, #tpu.memory_space<vmem_shared>>)
        tpu.yield
      }) : () -> ()
    } else {
    }
    %eq3A_16 = arith.constant 1 : i32
    %eq3A_17 = arith.cmpi eq, %arg0, %eq3A_16 : i32
    %convert_element_type3A_18 = arith.extui %eq3A_17 : i1 to i32
    %cond3A_19 = arith.constant 0 : i32
    %cond3A_20 = arith.cmpi ne, %convert_element_type3A_18, %cond3A_19 : i32
    scf.if %cond3A_20 {
      %broadcast_in_dim3A = arith.constant 0.000000e+00 : f32
      %broadcast_in_dim3A_140 = vector.broadcast %broadcast_in_dim3A : f32 to vector<16xf32>
      %scan3A_141 = arith.constant 0 : i32
      %scan3A_142 = arith.constant 0 : i32
      %scan3A_143 = arith.constant 40 : i32
      %scan3A_144 = arith.addi %scan3A_142, %scan3A_143 : i32
      %scan3A_145 = arith.constant 1 : i32
      scf.for %scan3A_179 = %scan3A_142 to %scan3A_144 step %scan3A_145  : i32 {
        %swap3A = arith.index_cast %scan3A_179 : i32 to index
        %swap3A_180 = arith.constant 0 : index
        %swap3A_181 = tpu.vector_load %arg9[%swap3A, %swap3A_180] {strides = array<i32>} : memref<40x128xf32, #tpu.memory_space<vmem>>, vector<1x16xf32>,
        %swap3A_182 = vector.shape_cast %swap3A_181 : vector<1x16xf32> to vector<16xf32>
        %swap3A_183 = vector.shape_cast %broadcast_in_dim3A_140 : vector<16xf32> to vector<1x16xf32>
        tpu.vector_store %arg9[%swap3A, %swap3A_180], %swap3A_183 {strides = array<i32>} : memref<40x128xf32, #tpu.memory_space<vmem>>, vector<1x16xf32>,
        %swap3A_184 = arith.index_cast %scan3A_179 : i32 to index
        %swap3A_185 = arith.constant 16 : index
        %swap3A_186 = tpu.vector_load %arg9[%swap3A_184, %swap3A_185] {strides = array<i32>} : memref<40x128xf32, #tpu.memory_space<vmem>>, vector<1x16xf32>,
        %swap3A_187 = vector.shape_cast %swap3A_186 : vector<1x16xf32> to vector<16xf32>
        %swap3A_188 = vector.shape_cast %broadcast_in_dim3A_140 : vector<16xf32> to vector<1x16xf32>
        tpu.vector_store %arg9[%swap3A_184, %swap3A_185], %swap3A_188 {strides = array<i32>} : memref<40x128xf32, #tpu.memory_space<vmem>>, vector<1x16xf32>,
        %swap3A_189 = arith.index_cast %scan3A_179 : i32 to index
        %swap3A_190 = arith.constant 32 : index
        %swap3A_191 = tpu.vector_load %arg9[%swap3A_189, %swap3A_190] {strides = array<i32>} : memref<40x128xf32, #tpu.memory_space<vmem>>, vector<1x16xf32>,
        %swap3A_192 = vector.shape_cast %swap3A_191 : vector<1x16xf32> to vector<16xf32>
        %swap3A_193 = vector.shape_cast %broadcast_in_dim3A_140 : vector<16xf32> to vector<1x16xf32>
        tpu.vector_store %arg9[%swap3A_189, %swap3A_190], %swap3A_193 {strides = array<i32>} : memref<40x128xf32, #tpu.memory_space<vmem>>, vector<1x16xf32>,
        %swap3A_194 = arith.index_cast %scan3A_179 : i32 to index
        %swap3A_195 = arith.constant 48 : index
        %swap3A_196 = tpu.vector_load %arg9[%swap3A_194, %swap3A_195] {strides = array<i32>} : memref<40x128xf32, #tpu.memory_space<vmem>>, vector<1x16xf32>,
        %swap3A_197 = vector.shape_cast %swap3A_196 : vector<1x16xf32> to vector<16xf32>
        %swap3A_198 = vector.shape_cast %broadcast_in_dim3A_140 : vector<16xf32> to vector<1x16xf32>
        tpu.vector_store %arg9[%swap3A_194, %swap3A_195], %swap3A_198 {strides = array<i32>} : memref<40x128xf32, #tpu.memory_space<vmem>>, vector<1x16xf32>,
        %swap3A_199 = arith.index_cast %scan3A_179 : i32 to index
        %swap3A_200 = arith.constant 64 : index
        %swap3A_201 = tpu.vector_load %arg9[%swap3A_199, %swap3A_200] {strides = array<i32>} : memref<40x128xf32, #tpu.memory_space<vmem>>, vector<1x16xf32>,
        %swap3A_202 = vector.shape_cast %swap3A_201 : vector<1x16xf32> to vector<16xf32>
        %swap3A_203 = vector.shape_cast %broadcast_in_dim3A_140 : vector<16xf32> to vector<1x16xf32>
        tpu.vector_store %arg9[%swap3A_199, %swap3A_200], %swap3A_203 {strides = array<i32>} : memref<40x128xf32, #tpu.memory_space<vmem>>, vector<1x16xf32>,
        %swap3A_204 = arith.index_cast %scan3A_179 : i32 to index
        %swap3A_205 = arith.constant 80 : index
        %swap3A_206 = tpu.vector_load %arg9[%swap3A_204, %swap3A_205] {strides = array<i32>} : memref<40x128xf32, #tpu.memory_space<vmem>>, vector<1x16xf32>,
        %swap3A_207 = vector.shape_cast %swap3A_206 : vector<1x16xf32> to vector<16xf32>
        %swap3A_208 = vector.shape_cast %broadcast_in_dim3A_140 : vector<16xf32> to vector<1x16xf32>
        tpu.vector_store %arg9[%swap3A_204, %swap3A_205], %swap3A_208 {strides = array<i32>} : memref<40x128xf32, #tpu.memory_space<vmem>>, vector<1x16xf32>,
        %swap3A_209 = arith.index_cast %scan3A_179 : i32 to index
        %swap3A_210 = arith.constant 96 : index
        %swap3A_211 = tpu.vector_load %arg9[%swap3A_209, %swap3A_210] {strides = array<i32>} : memref<40x128xf32, #tpu.memory_space<vmem>>, vector<1x16xf32>,
        %swap3A_212 = vector.shape_cast %swap3A_211 : vector<1x16xf32> to vector<16xf32>
        %swap3A_213 = vector.shape_cast %broadcast_in_dim3A_140 : vector<16xf32> to vector<1x16xf32>
        tpu.vector_store %arg9[%swap3A_209, %swap3A_210], %swap3A_213 {strides = array<i32>} : memref<40x128xf32, #tpu.memory_space<vmem>>, vector<1x16xf32>,
        %swap3A_214 = arith.index_cast %scan3A_179 : i32 to index
        %swap3A_215 = arith.constant 112 : index
        %swap3A_216 = tpu.vector_load %arg9[%swap3A_214, %swap3A_215] {strides = array<i32>} : memref<40x128xf32, #tpu.memory_space<vmem>>, vector<1x16xf32>,
        %swap3A_217 = vector.shape_cast %swap3A_216 : vector<1x16xf32> to vector<16xf32>
        %swap3A_218 = vector.shape_cast %broadcast_in_dim3A_140 : vector<16xf32> to vector<1x16xf32>
        tpu.vector_store %arg9[%swap3A_214, %swap3A_215], %swap3A_218 {strides = array<i32>} : memref<40x128xf32, #tpu.memory_space<vmem>>, vector<1x16xf32>,
      }
      %scan3A_146 = arith.constant 40 : i32
      %add3A_147 = arith.constant 0 : i32
      %add3A_148 = arith.addi %mul3A_2, %add3A_147 : i32
      "tpu.region"() ({
        %run_scoped3A = tpu.sem_alloc : memref<!tpu.dma_semaphore, #tpu.memory_space<semaphore_mem>>
        %dma_start3A_179 = arith.constant 0 : i32
        %dma_start3A_180 = tpu.memref_slice %arg6[%add3A_148, %dma_start3A_179] : memref<10000x128xf32, #tpu.memory_space<vmem_shared>> -> memref<40x128xf32, #tpu.memory_space<vmem_shared>>
        %dma_start3A_181 = arith.constant 0 : i32
        %dma_start3A_182 = tpu.memref_slice %arg6[%add3A_148, %dma_start3A_181] : memref<10000x128xf32, #tpu.memory_space<vmem_shared>> -> memref<40x128xf32, #tpu.memory_space<vmem_shared>>
        tpu.enqueue_dma source(%arg9 : memref<40x128xf32, #tpu.memory_space<vmem>>) target(%dma_start3A_182 : memref<40x128xf32, #tpu.memory_space<vmem_shared>>) target_semaphore(%run_scoped3A : memref<!tpu.dma_semaphore, #tpu.memory_space<semaphore_mem>>)
        %dma_wait3A_183 = arith.constant 0 : i32
        %dma_wait3A_184 = tpu.memref_slice %arg6[%add3A_148, %dma_wait3A_183] : memref<10000x128xf32, #tpu.memory_space<vmem_shared>> -> memref<40x128xf32, #tpu.memory_space<vmem_shared>>
        %dma_wait3A_185 = arith.constant 0 : i32
        %dma_wait3A_186 = tpu.memref_slice %arg6[%add3A_148, %dma_wait3A_185] : memref<10000x128xf32, #tpu.memory_space<vmem_shared>> -> memref<40x128xf32, #tpu.memory_space<vmem_shared>>
        tpu.wait_dma2 semaphore(%run_scoped3A : memref<!tpu.dma_semaphore, #tpu.memory_space<semaphore_mem>>) src(%arg9 : memref<40x128xf32, #tpu.memory_space<vmem>>) dst(%dma_wait3A_186 : memref<40x128xf32, #tpu.memory_space<vmem_shared>>)
        tpu.yield
      }) : () -> ()
      %add3A_149 = arith.constant 40 : i32
      %add3A_150 = arith.addi %mul3A_2, %add3A_149 : i32
      "tpu.region"() ({
        %run_scoped3A = tpu.sem_alloc : memref<!tpu.dma_semaphore, #tpu.memory_space<semaphore_mem>>
        %dma_start3A_179 = arith.constant 0 : i32
        %dma_start3A_180 = tpu.memref_slice %arg6[%add3A_150, %dma_start3A_179] : memref<10000x128xf32, #tpu.memory_space<vmem_shared>> -> memref<40x128xf32, #tpu.memory_space<vmem_shared>>
        %dma_start3A_181 = arith.constant 0 : i32
        %dma_start3A_182 = tpu.memref_slice %arg6[%add3A_150, %dma_start3A_181] : memref<10000x128xf32, #tpu.memory_space<vmem_shared>> -> memref<40x128xf32, #tpu.memory_space<vmem_shared>>
        tpu.enqueue_dma source(%arg9 : memref<40x128xf32, #tpu.memory_space<vmem>>) target(%dma_start3A_182 : memref<40x128xf32, #tpu.memory_space<vmem_shared>>) target_semaphore(%run_scoped3A : memref<!tpu.dma_semaphore, #tpu.memory_space<semaphore_mem>>)
        %dma_wait3A_183 = arith.constant 0 : i32
        %dma_wait3A_184 = tpu.memref_slice %arg6[%add3A_150, %dma_wait3A_183] : memref<10000x128xf32, #tpu.memory_space<vmem_shared>> -> memref<40x128xf32, #tpu.memory_space<vmem_shared>>
        %dma_wait3A_185 = arith.constant 0 : i32
        %dma_wait3A_186 = tpu.memref_slice %arg6[%add3A_150, %dma_wait3A_185] : memref<10000x128xf32, #tpu.memory_space<vmem_shared>> -> memref<40x128xf32, #tpu.memory_space<vmem_shared>>
        tpu.wait_dma2 semaphore(%run_scoped3A : memref<!tpu.dma_semaphore, #tpu.memory_space<semaphore_mem>>) src(%arg9 : memref<40x128xf32, #tpu.memory_space<vmem>>) dst(%dma_wait3A_186 : memref<40x128xf32, #tpu.memory_space<vmem_shared>>)
        tpu.yield
      }) : () -> ()
      %add3A_151 = arith.constant 80 : i32
      %add3A_152 = arith.addi %mul3A_2, %add3A_151 : i32
      "tpu.region"() ({
        %run_scoped3A = tpu.sem_alloc : memref<!tpu.dma_semaphore, #tpu.memory_space<semaphore_mem>>
        %dma_start3A_179 = arith.constant 0 : i32
        %dma_start3A_180 = tpu.memref_slice %arg6[%add3A_152, %dma_start3A_179] : memref<10000x128xf32, #tpu.memory_space<vmem_shared>> -> memref<40x128xf32, #tpu.memory_space<vmem_shared>>
        %dma_start3A_181 = arith.constant 0 : i32
        %dma_start3A_182 = tpu.memref_slice %arg6[%add3A_152, %dma_start3A_181] : memref<10000x128xf32, #tpu.memory_space<vmem_shared>> -> memref<40x128xf32, #tpu.memory_space<vmem_shared>>
        tpu.enqueue_dma source(%arg9 : memref<40x128xf32, #tpu.memory_space<vmem>>) target(%dma_start3A_182 : memref<40x128xf32, #tpu.memory_space<vmem_shared>>) target_semaphore(%run_scoped3A : memref<!tpu.dma_semaphore, #tpu.memory_space<semaphore_mem>>)
        %dma_wait3A_183 = arith.constant 0 : i32
        %dma_wait3A_184 = tpu.memref_slice %arg6[%add3A_152, %dma_wait3A_183] : memref<10000x128xf32, #tpu.memory_space<vmem_shared>> -> memref<40x128xf32, #tpu.memory_space<vmem_shared>>
        %dma_wait3A_185 = arith.constant 0 : i32
        %dma_wait3A_186 = tpu.memref_slice %arg6[%add3A_152, %dma_wait3A_185] : memref<10000x128xf32, #tpu.memory_space<vmem_shared>> -> memref<40x128xf32, #tpu.memory_space<vmem_shared>>
        tpu.wait_dma2 semaphore(%run_scoped3A : memref<!tpu.dma_semaphore, #tpu.memory_space<semaphore_mem>>) src(%arg9 : memref<40x128xf32, #tpu.memory_space<vmem>>) dst(%dma_wait3A_186 : memref<40x128xf32, #tpu.memory_space<vmem_shared>>)
        tpu.yield
      }) : () -> ()
      %add3A_153 = arith.constant 120 : i32
      %add3A_154 = arith.addi %mul3A_2, %add3A_153 : i32
      "tpu.region"() ({
        %run_scoped3A = tpu.sem_alloc : memref<!tpu.dma_semaphore, #tpu.memory_space<semaphore_mem>>
        %dma_start3A_179 = arith.constant 0 : i32
        %dma_start3A_180 = tpu.memref_slice %arg6[%add3A_154, %dma_start3A_179] : memref<10000x128xf32, #tpu.memory_space<vmem_shared>> -> memref<40x128xf32, #tpu.memory_space<vmem_shared>>
        %dma_start3A_181 = arith.constant 0 : i32
        %dma_start3A_182 = tpu.memref_slice %arg6[%add3A_154, %dma_start3A_181] : memref<10000x128xf32, #tpu.memory_space<vmem_shared>> -> memref<40x128xf32, #tpu.memory_space<vmem_shared>>
        tpu.enqueue_dma source(%arg9 : memref<40x128xf32, #tpu.memory_space<vmem>>) target(%dma_start3A_182 : memref<40x128xf32, #tpu.memory_space<vmem_shared>>) target_semaphore(%run_scoped3A : memref<!tpu.dma_semaphore, #tpu.memory_space<semaphore_mem>>)
        %dma_wait3A_183 = arith.constant 0 : i32
        %dma_wait3A_184 = tpu.memref_slice %arg6[%add3A_154, %dma_wait3A_183] : memref<10000x128xf32, #tpu.memory_space<vmem_shared>> -> memref<40x128xf32, #tpu.memory_space<vmem_shared>>
        %dma_wait3A_185 = arith.constant 0 : i32
        %dma_wait3A_186 = tpu.memref_slice %arg6[%add3A_154, %dma_wait3A_185] : memref<10000x128xf32, #tpu.memory_space<vmem_shared>> -> memref<40x128xf32, #tpu.memory_space<vmem_shared>>
        tpu.wait_dma2 semaphore(%run_scoped3A : memref<!tpu.dma_semaphore, #tpu.memory_space<semaphore_mem>>) src(%arg9 : memref<40x128xf32, #tpu.memory_space<vmem>>) dst(%dma_wait3A_186 : memref<40x128xf32, #tpu.memory_space<vmem_shared>>)
        tpu.yield
      }) : () -> ()
      %add3A_155 = arith.constant 160 : i32
      %add3A_156 = arith.addi %mul3A_2, %add3A_155 : i32
      "tpu.region"() ({
        %run_scoped3A = tpu.sem_alloc : memref<!tpu.dma_semaphore, #tpu.memory_space<semaphore_mem>>
        %dma_start3A_179 = arith.constant 0 : i32
        %dma_start3A_180 = tpu.memref_slice %arg6[%add3A_156, %dma_start3A_179] : memref<10000x128xf32, #tpu.memory_space<vmem_shared>> -> memref<40x128xf32, #tpu.memory_space<vmem_shared>>
        %dma_start3A_181 = arith.constant 0 : i32
        %dma_start3A_182 = tpu.memref_slice %arg6[%add3A_156, %dma_start3A_181] : memref<10000x128xf32, #tpu.memory_space<vmem_shared>> -> memref<40x128xf32, #tpu.memory_space<vmem_shared>>
        tpu.enqueue_dma source(%arg9 : memref<40x128xf32, #tpu.memory_space<vmem>>) target(%dma_start3A_182 : memref<40x128xf32, #tpu.memory_space<vmem_shared>>) target_semaphore(%run_scoped3A : memref<!tpu.dma_semaphore, #tpu.memory_space<semaphore_mem>>)
        %dma_wait3A_183 = arith.constant 0 : i32
        %dma_wait3A_184 = tpu.memref_slice %arg6[%add3A_156, %dma_wait3A_183] : memref<10000x128xf32, #tpu.memory_space<vmem_shared>> -> memref<40x128xf32, #tpu.memory_space<vmem_shared>>
        %dma_wait3A_185 = arith.constant 0 : i32
        %dma_wait3A_186 = tpu.memref_slice %arg6[%add3A_156, %dma_wait3A_185] : memref<10000x128xf32, #tpu.memory_space<vmem_shared>> -> memref<40x128xf32, #tpu.memory_space<vmem_shared>>
        tpu.wait_dma2 semaphore(%run_scoped3A : memref<!tpu.dma_semaphore, #tpu.memory_space<semaphore_mem>>) src(%arg9 : memref<40x128xf32, #tpu.memory_space<vmem>>) dst(%dma_wait3A_186 : memref<40x128xf32, #tpu.memory_space<vmem_shared>>)
        tpu.yield
      }) : () -> ()
      %add3A_157 = arith.constant 200 : i32
      %add3A_158 = arith.addi %mul3A_2, %add3A_157 : i32
      "tpu.region"() ({
        %run_scoped3A = tpu.sem_alloc : memref<!tpu.dma_semaphore, #tpu.memory_space<semaphore_mem>>
        %dma_start3A_179 = arith.constant 0 : i32
        %dma_start3A_180 = tpu.memref_slice %arg6[%add3A_158, %dma_start3A_179] : memref<10000x128xf32, #tpu.memory_space<vmem_shared>> -> memref<40x128xf32, #tpu.memory_space<vmem_shared>>
        %dma_start3A_181 = arith.constant 0 : i32
        %dma_start3A_182 = tpu.memref_slice %arg6[%add3A_158, %dma_start3A_181] : memref<10000x128xf32, #tpu.memory_space<vmem_shared>> -> memref<40x128xf32, #tpu.memory_space<vmem_shared>>
        tpu.enqueue_dma source(%arg9 : memref<40x128xf32, #tpu.memory_space<vmem>>) target(%dma_start3A_182 : memref<40x128xf32, #tpu.memory_space<vmem_shared>>) target_semaphore(%run_scoped3A : memref<!tpu.dma_semaphore, #tpu.memory_space<semaphore_mem>>)
        %dma_wait3A_183 = arith.constant 0 : i32
        %dma_wait3A_184 = tpu.memref_slice %arg6[%add3A_158, %dma_wait3A_183] : memref<10000x128xf32, #tpu.memory_space<vmem_shared>> -> memref<40x128xf32, #tpu.memory_space<vmem_shared>>
        %dma_wait3A_185 = arith.constant 0 : i32
        %dma_wait3A_186 = tpu.memref_slice %arg6[%add3A_158, %dma_wait3A_185] : memref<10000x128xf32, #tpu.memory_space<vmem_shared>> -> memref<40x128xf32, #tpu.memory_space<vmem_shared>>
        tpu.wait_dma2 semaphore(%run_scoped3A : memref<!tpu.dma_semaphore, #tpu.memory_space<semaphore_mem>>) src(%arg9 : memref<40x128xf32, #tpu.memory_space<vmem>>) dst(%dma_wait3A_186 : memref<40x128xf32, #tpu.memory_space<vmem_shared>>)
        tpu.yield
      }) : () -> ()
      %add3A_159 = arith.constant 240 : i32
      %add3A_160 = arith.addi %mul3A_2, %add3A_159 : i32
      "tpu.region"() ({
        %run_scoped3A = tpu.sem_alloc : memref<!tpu.dma_semaphore, #tpu.memory_space<semaphore_mem>>
        %dma_start3A_179 = arith.constant 0 : i32
        %dma_start3A_180 = tpu.memref_slice %arg6[%add3A_160, %dma_start3A_179] : memref<10000x128xf32, #tpu.memory_space<vmem_shared>> -> memref<40x128xf32, #tpu.memory_space<vmem_shared>>
        %dma_start3A_181 = arith.constant 0 : i32
        %dma_start3A_182 = tpu.memref_slice %arg6[%add3A_160, %dma_start3A_181] : memref<10000x128xf32, #tpu.memory_space<vmem_shared>> -> memref<40x128xf32, #tpu.memory_space<vmem_shared>>
        tpu.enqueue_dma source(%arg9 : memref<40x128xf32, #tpu.memory_space<vmem>>) target(%dma_start3A_182 : memref<40x128xf32, #tpu.memory_space<vmem_shared>>) target_semaphore(%run_scoped3A : memref<!tpu.dma_semaphore, #tpu.memory_space<semaphore_mem>>)
        %dma_wait3A_183 = arith.constant 0 : i32
        %dma_wait3A_184 = tpu.memref_slice %arg6[%add3A_160, %dma_wait3A_183] : memref<10000x128xf32, #tpu.memory_space<vmem_shared>> -> memref<40x128xf32, #tpu.memory_space<vmem_shared>>
        %dma_wait3A_185 = arith.constant 0 : i32
        %dma_wait3A_186 = tpu.memref_slice %arg6[%add3A_160, %dma_wait3A_185] : memref<10000x128xf32, #tpu.memory_space<vmem_shared>> -> memref<40x128xf32, #tpu.memory_space<vmem_shared>>
        tpu.wait_dma2 semaphore(%run_scoped3A : memref<!tpu.dma_semaphore, #tpu.memory_space<semaphore_mem>>) src(%arg9 : memref<40x128xf32, #tpu.memory_space<vmem>>) dst(%dma_wait3A_186 : memref<40x128xf32, #tpu.memory_space<vmem_shared>>)
        tpu.yield
      }) : () -> ()
      %add3A_161 = arith.constant 280 : i32
      %add3A_162 = arith.addi %mul3A_2, %add3A_161 : i32
      "tpu.region"() ({
        %run_scoped3A = tpu.sem_alloc : memref<!tpu.dma_semaphore, #tpu.memory_space<semaphore_mem>>
        %dma_start3A_179 = arith.constant 0 : i32
        %dma_start3A_180 = tpu.memref_slice %arg6[%add3A_162, %dma_start3A_179] : memref<10000x128xf32, #tpu.memory_space<vmem_shared>> -> memref<40x128xf32, #tpu.memory_space<vmem_shared>>
        %dma_start3A_181 = arith.constant 0 : i32
        %dma_start3A_182 = tpu.memref_slice %arg6[%add3A_162, %dma_start3A_181] : memref<10000x128xf32, #tpu.memory_space<vmem_shared>> -> memref<40x128xf32, #tpu.memory_space<vmem_shared>>
        tpu.enqueue_dma source(%arg9 : memref<40x128xf32, #tpu.memory_space<vmem>>) target(%dma_start3A_182 : memref<40x128xf32, #tpu.memory_space<vmem_shared>>) target_semaphore(%run_scoped3A : memref<!tpu.dma_semaphore, #tpu.memory_space<semaphore_mem>>)
        %dma_wait3A_183 = arith.constant 0 : i32
        %dma_wait3A_184 = tpu.memref_slice %arg6[%add3A_162, %dma_wait3A_183] : memref<10000x128xf32, #tpu.memory_space<vmem_shared>> -> memref<40x128xf32, #tpu.memory_space<vmem_shared>>
        %dma_wait3A_185 = arith.constant 0 : i32
        %dma_wait3A_186 = tpu.memref_slice %arg6[%add3A_162, %dma_wait3A_185] : memref<10000x128xf32, #tpu.memory_space<vmem_shared>> -> memref<40x128xf32, #tpu.memory_space<vmem_shared>>
        tpu.wait_dma2 semaphore(%run_scoped3A : memref<!tpu.dma_semaphore, #tpu.memory_space<semaphore_mem>>) src(%arg9 : memref<40x128xf32, #tpu.memory_space<vmem>>) dst(%dma_wait3A_186 : memref<40x128xf32, #tpu.memory_space<vmem_shared>>)
        tpu.yield
      }) : () -> ()
      %add3A_163 = arith.constant 320 : i32
      %add3A_164 = arith.addi %mul3A_2, %add3A_163 : i32
      "tpu.region"() ({
        %run_scoped3A = tpu.sem_alloc : memref<!tpu.dma_semaphore, #tpu.memory_space<semaphore_mem>>
        %dma_start3A_179 = arith.constant 0 : i32
        %dma_start3A_180 = tpu.memref_slice %arg6[%add3A_164, %dma_start3A_179] : memref<10000x128xf32, #tpu.memory_space<vmem_shared>> -> memref<40x128xf32, #tpu.memory_space<vmem_shared>>
        %dma_start3A_181 = arith.constant 0 : i32
        %dma_start3A_182 = tpu.memref_slice %arg6[%add3A_164, %dma_start3A_181] : memref<10000x128xf32, #tpu.memory_space<vmem_shared>> -> memref<40x128xf32, #tpu.memory_space<vmem_shared>>
        tpu.enqueue_dma source(%arg9 : memref<40x128xf32, #tpu.memory_space<vmem>>) target(%dma_start3A_182 : memref<40x128xf32, #tpu.memory_space<vmem_shared>>) target_semaphore(%run_scoped3A : memref<!tpu.dma_semaphore, #tpu.memory_space<semaphore_mem>>)
        %dma_wait3A_183 = arith.constant 0 : i32
        %dma_wait3A_184 = tpu.memref_slice %arg6[%add3A_164, %dma_wait3A_183] : memref<10000x128xf32, #tpu.memory_space<vmem_shared>> -> memref<40x128xf32, #tpu.memory_space<vmem_shared>>
        %dma_wait3A_185 = arith.constant 0 : i32
        %dma_wait3A_186 = tpu.memref_slice %arg6[%add3A_164, %dma_wait3A_185] : memref<10000x128xf32, #tpu.memory_space<vmem_shared>> -> memref<40x128xf32, #tpu.memory_space<vmem_shared>>
        tpu.wait_dma2 semaphore(%run_scoped3A : memref<!tpu.dma_semaphore, #tpu.memory_space<semaphore_mem>>) src(%arg9 : memref<40x128xf32, #tpu.memory_space<vmem>>) dst(%dma_wait3A_186 : memref<40x128xf32, #tpu.memory_space<vmem_shared>>)
        tpu.yield
      }) : () -> ()
      %add3A_165 = arith.constant 360 : i32
      %add3A_166 = arith.addi %mul3A_2, %add3A_165 : i32
      "tpu.region"() ({
        %run_scoped3A = tpu.sem_alloc : memref<!tpu.dma_semaphore, #tpu.memory_space<semaphore_mem>>
        %dma_start3A_179 = arith.constant 0 : i32
        %dma_start3A_180 = tpu.memref_slice %arg6[%add3A_166, %dma_start3A_179] : memref<10000x128xf32, #tpu.memory_space<vmem_shared>> -> memref<40x128xf32, #tpu.memory_space<vmem_shared>>
        %dma_start3A_181 = arith.constant 0 : i32
        %dma_start3A_182 = tpu.memref_slice %arg6[%add3A_166, %dma_start3A_181] : memref<10000x128xf32, #tpu.memory_space<vmem_shared>> -> memref<40x128xf32, #tpu.memory_space<vmem_shared>>
        tpu.enqueue_dma source(%arg9 : memref<40x128xf32, #tpu.memory_space<vmem>>) target(%dma_start3A_182 : memref<40x128xf32, #tpu.memory_space<vmem_shared>>) target_semaphore(%run_scoped3A : memref<!tpu.dma_semaphore, #tpu.memory_space<semaphore_mem>>)
        %dma_wait3A_183 = arith.constant 0 : i32
        %dma_wait3A_184 = tpu.memref_slice %arg6[%add3A_166, %dma_wait3A_183] : memref<10000x128xf32, #tpu.memory_space<vmem_shared>> -> memref<40x128xf32, #tpu.memory_space<vmem_shared>>
        %dma_wait3A_185 = arith.constant 0 : i32
        %dma_wait3A_186 = tpu.memref_slice %arg6[%add3A_166, %dma_wait3A_185] : memref<10000x128xf32, #tpu.memory_space<vmem_shared>> -> memref<40x128xf32, #tpu.memory_space<vmem_shared>>
        tpu.wait_dma2 semaphore(%run_scoped3A : memref<!tpu.dma_semaphore, #tpu.memory_space<semaphore_mem>>) src(%arg9 : memref<40x128xf32, #tpu.memory_space<vmem>>) dst(%dma_wait3A_186 : memref<40x128xf32, #tpu.memory_space<vmem_shared>>)
        tpu.yield
      }) : () -> ()
      %add3A_167 = arith.constant 400 : i32
      %add3A_168 = arith.addi %mul3A_2, %add3A_167 : i32
      "tpu.region"() ({
        %run_scoped3A = tpu.sem_alloc : memref<!tpu.dma_semaphore, #tpu.memory_space<semaphore_mem>>
        %dma_start3A_179 = arith.constant 0 : i32
        %dma_start3A_180 = tpu.memref_slice %arg6[%add3A_168, %dma_start3A_179] : memref<10000x128xf32, #tpu.memory_space<vmem_shared>> -> memref<40x128xf32, #tpu.memory_space<vmem_shared>>
        %dma_start3A_181 = arith.constant 0 : i32
        %dma_start3A_182 = tpu.memref_slice %arg6[%add3A_168, %dma_start3A_181] : memref<10000x128xf32, #tpu.memory_space<vmem_shared>> -> memref<40x128xf32, #tpu.memory_space<vmem_shared>>
        tpu.enqueue_dma source(%arg9 : memref<40x128xf32, #tpu.memory_space<vmem>>) target(%dma_start3A_182 : memref<40x128xf32, #tpu.memory_space<vmem_shared>>) target_semaphore(%run_scoped3A : memref<!tpu.dma_semaphore, #tpu.memory_space<semaphore_mem>>)
        %dma_wait3A_183 = arith.constant 0 : i32
        %dma_wait3A_184 = tpu.memref_slice %arg6[%add3A_168, %dma_wait3A_183] : memref<10000x128xf32, #tpu.memory_space<vmem_shared>> -> memref<40x128xf32, #tpu.memory_space<vmem_shared>>
        %dma_wait3A_185 = arith.constant 0 : i32
        %dma_wait3A_186 = tpu.memref_slice %arg6[%add3A_168, %dma_wait3A_185] : memref<10000x128xf32, #tpu.memory_space<vmem_shared>> -> memref<40x128xf32, #tpu.memory_space<vmem_shared>>
        tpu.wait_dma2 semaphore(%run_scoped3A : memref<!tpu.dma_semaphore, #tpu.memory_space<semaphore_mem>>) src(%arg9 : memref<40x128xf32, #tpu.memory_space<vmem>>) dst(%dma_wait3A_186 : memref<40x128xf32, #tpu.memory_space<vmem_shared>>)
        tpu.yield
      }) : () -> ()
      %add3A_169 = arith.constant 440 : i32
      %add3A_170 = arith.addi %mul3A_2, %add3A_169 : i32
      "tpu.region"() ({
        %run_scoped3A = tpu.sem_alloc : memref<!tpu.dma_semaphore, #tpu.memory_space<semaphore_mem>>
        %dma_start3A_179 = arith.constant 0 : i32
        %dma_start3A_180 = tpu.memref_slice %arg6[%add3A_170, %dma_start3A_179] : memref<10000x128xf32, #tpu.memory_space<vmem_shared>> -> memref<40x128xf32, #tpu.memory_space<vmem_shared>>
        %dma_start3A_181 = arith.constant 0 : i32
        %dma_start3A_182 = tpu.memref_slice %arg6[%add3A_170, %dma_start3A_181] : memref<10000x128xf32, #tpu.memory_space<vmem_shared>> -> memref<40x128xf32, #tpu.memory_space<vmem_shared>>
        tpu.enqueue_dma source(%arg9 : memref<40x128xf32, #tpu.memory_space<vmem>>) target(%dma_start3A_182 : memref<40x128xf32, #tpu.memory_space<vmem_shared>>) target_semaphore(%run_scoped3A : memref<!tpu.dma_semaphore, #tpu.memory_space<semaphore_mem>>)
        %dma_wait3A_183 = arith.constant 0 : i32
        %dma_wait3A_184 = tpu.memref_slice %arg6[%add3A_170, %dma_wait3A_183] : memref<10000x128xf32, #tpu.memory_space<vmem_shared>> -> memref<40x128xf32, #tpu.memory_space<vmem_shared>>
        %dma_wait3A_185 = arith.constant 0 : i32
        %dma_wait3A_186 = tpu.memref_slice %arg6[%add3A_170, %dma_wait3A_185] : memref<10000x128xf32, #tpu.memory_space<vmem_shared>> -> memref<40x128xf32, #tpu.memory_space<vmem_shared>>
        tpu.wait_dma2 semaphore(%run_scoped3A : memref<!tpu.dma_semaphore, #tpu.memory_space<semaphore_mem>>) src(%arg9 : memref<40x128xf32, #tpu.memory_space<vmem>>) dst(%dma_wait3A_186 : memref<40x128xf32, #tpu.memory_space<vmem_shared>>)
        tpu.yield
      }) : () -> ()
      %add3A_171 = arith.constant 480 : i32
      %add3A_172 = arith.addi %mul3A_2, %add3A_171 : i32
      "tpu.region"() ({
        %run_scoped3A = tpu.sem_alloc : memref<!tpu.dma_semaphore, #tpu.memory_space<semaphore_mem>>
        %dma_start3A_179 = arith.constant 0 : i32
        %dma_start3A_180 = tpu.memref_slice %arg6[%add3A_172, %dma_start3A_179] : memref<10000x128xf32, #tpu.memory_space<vmem_shared>> -> memref<40x128xf32, #tpu.memory_space<vmem_shared>>
        %dma_start3A_181 = arith.constant 0 : i32
        %dma_start3A_182 = tpu.memref_slice %arg6[%add3A_172, %dma_start3A_181] : memref<10000x128xf32, #tpu.memory_space<vmem_shared>> -> memref<40x128xf32, #tpu.memory_space<vmem_shared>>
        tpu.enqueue_dma source(%arg9 : memref<40x128xf32, #tpu.memory_space<vmem>>) target(%dma_start3A_182 : memref<40x128xf32, #tpu.memory_space<vmem_shared>>) target_semaphore(%run_scoped3A : memref<!tpu.dma_semaphore, #tpu.memory_space<semaphore_mem>>)
        %dma_wait3A_183 = arith.constant 0 : i32
        %dma_wait3A_184 = tpu.memref_slice %arg6[%add3A_172, %dma_wait3A_183] : memref<10000x128xf32, #tpu.memory_space<vmem_shared>> -> memref<40x128xf32, #tpu.memory_space<vmem_shared>>
        %dma_wait3A_185 = arith.constant 0 : i32
        %dma_wait3A_186 = tpu.memref_slice %arg6[%add3A_172, %dma_wait3A_185] : memref<10000x128xf32, #tpu.memory_space<vmem_shared>> -> memref<40x128xf32, #tpu.memory_space<vmem_shared>>
        tpu.wait_dma2 semaphore(%run_scoped3A : memref<!tpu.dma_semaphore, #tpu.memory_space<semaphore_mem>>) src(%arg9 : memref<40x128xf32, #tpu.memory_space<vmem>>) dst(%dma_wait3A_186 : memref<40x128xf32, #tpu.memory_space<vmem_shared>>)
        tpu.yield
      }) : () -> ()
      %add3A_173 = arith.constant 520 : i32
      %add3A_174 = arith.addi %mul3A_2, %add3A_173 : i32
      "tpu.region"() ({
        %run_scoped3A = tpu.sem_alloc : memref<!tpu.dma_semaphore, #tpu.memory_space<semaphore_mem>>
        %dma_start3A_179 = arith.constant 0 : i32
        %dma_start3A_180 = tpu.memref_slice %arg6[%add3A_174, %dma_start3A_179] : memref<10000x128xf32, #tpu.memory_space<vmem_shared>> -> memref<40x128xf32, #tpu.memory_space<vmem_shared>>
        %dma_start3A_181 = arith.constant 0 : i32
        %dma_start3A_182 = tpu.memref_slice %arg6[%add3A_174, %dma_start3A_181] : memref<10000x128xf32, #tpu.memory_space<vmem_shared>> -> memref<40x128xf32, #tpu.memory_space<vmem_shared>>
        tpu.enqueue_dma source(%arg9 : memref<40x128xf32, #tpu.memory_space<vmem>>) target(%dma_start3A_182 : memref<40x128xf32, #tpu.memory_space<vmem_shared>>) target_semaphore(%run_scoped3A : memref<!tpu.dma_semaphore, #tpu.memory_space<semaphore_mem>>)
        %dma_wait3A_183 = arith.constant 0 : i32
        %dma_wait3A_184 = tpu.memref_slice %arg6[%add3A_174, %dma_wait3A_183] : memref<10000x128xf32, #tpu.memory_space<vmem_shared>> -> memref<40x128xf32, #tpu.memory_space<vmem_shared>>
        %dma_wait3A_185 = arith.constant 0 : i32
        %dma_wait3A_186 = tpu.memref_slice %arg6[%add3A_174, %dma_wait3A_185] : memref<10000x128xf32, #tpu.memory_space<vmem_shared>> -> memref<40x128xf32, #tpu.memory_space<vmem_shared>>
        tpu.wait_dma2 semaphore(%run_scoped3A : memref<!tpu.dma_semaphore, #tpu.memory_space<semaphore_mem>>) src(%arg9 : memref<40x128xf32, #tpu.memory_space<vmem>>) dst(%dma_wait3A_186 : memref<40x128xf32, #tpu.memory_space<vmem_shared>>)
        tpu.yield
      }) : () -> ()
      %add3A_175 = arith.constant 560 : i32
      %add3A_176 = arith.addi %mul3A_2, %add3A_175 : i32
      "tpu.region"() ({
        %run_scoped3A = tpu.sem_alloc : memref<!tpu.dma_semaphore, #tpu.memory_space<semaphore_mem>>
        %dma_start3A_179 = arith.constant 0 : i32
        %dma_start3A_180 = tpu.memref_slice %arg6[%add3A_176, %dma_start3A_179] : memref<10000x128xf32, #tpu.memory_space<vmem_shared>> -> memref<40x128xf32, #tpu.memory_space<vmem_shared>>
        %dma_start3A_181 = arith.constant 0 : i32
        %dma_start3A_182 = tpu.memref_slice %arg6[%add3A_176, %dma_start3A_181] : memref<10000x128xf32, #tpu.memory_space<vmem_shared>> -> memref<40x128xf32, #tpu.memory_space<vmem_shared>>
        tpu.enqueue_dma source(%arg9 : memref<40x128xf32, #tpu.memory_space<vmem>>) target(%dma_start3A_182 : memref<40x128xf32, #tpu.memory_space<vmem_shared>>) target_semaphore(%run_scoped3A : memref<!tpu.dma_semaphore, #tpu.memory_space<semaphore_mem>>)
        %dma_wait3A_183 = arith.constant 0 : i32
        %dma_wait3A_184 = tpu.memref_slice %arg6[%add3A_176, %dma_wait3A_183] : memref<10000x128xf32, #tpu.memory_space<vmem_shared>> -> memref<40x128xf32, #tpu.memory_space<vmem_shared>>
        %dma_wait3A_185 = arith.constant 0 : i32
        %dma_wait3A_186 = tpu.memref_slice %arg6[%add3A_176, %dma_wait3A_185] : memref<10000x128xf32, #tpu.memory_space<vmem_shared>> -> memref<40x128xf32, #tpu.memory_space<vmem_shared>>
        tpu.wait_dma2 semaphore(%run_scoped3A : memref<!tpu.dma_semaphore, #tpu.memory_space<semaphore_mem>>) src(%arg9 : memref<40x128xf32, #tpu.memory_space<vmem>>) dst(%dma_wait3A_186 : memref<40x128xf32, #tpu.memory_space<vmem_shared>>)
        tpu.yield
      }) : () -> ()
      %add3A_177 = arith.constant 600 : i32
      %add3A_178 = arith.addi %mul3A_2, %add3A_177 : i32
      "tpu.region"() ({
        %run_scoped3A = tpu.sem_alloc : memref<!tpu.dma_semaphore, #tpu.memory_space<semaphore_mem>>
        %dma_start3A_179 = arith.constant 0 : i32
        %dma_start3A_180 = arith.constant 0 : i32
        %dma_start3A_181 = tpu.memref_slice %arg9[%dma_start3A_179, %dma_start3A_180] : memref<40x128xf32, #tpu.memory_space<vmem>> -> memref<25x128xf32, #tpu.memory_space<vmem>>
        %dma_start3A_182 = arith.constant 0 : i32
        %dma_start3A_183 = tpu.memref_slice %arg6[%add3A_178, %dma_start3A_182] : memref<10000x128xf32, #tpu.memory_space<vmem_shared>> -> memref<25x128xf32, #tpu.memory_space<vmem_shared>>
        %dma_start3A_184 = arith.constant 0 : i32
        %dma_start3A_185 = tpu.memref_slice %arg6[%add3A_178, %dma_start3A_184] : memref<10000x128xf32, #tpu.memory_space<vmem_shared>> -> memref<25x128xf32, #tpu.memory_space<vmem_shared>>
        %dma_start3A_186 = arith.constant 0 : i32
        %dma_start3A_187 = arith.constant 0 : i32
        %dma_start3A_188 = tpu.memref_slice %arg9[%dma_start3A_186, %dma_start3A_187] : memref<40x128xf32, #tpu.memory_space<vmem>> -> memref<25x128xf32, #tpu.memory_space<vmem>>
        tpu.enqueue_dma source(%dma_start3A_188 : memref<25x128xf32, #tpu.memory_space<vmem>>) target(%dma_start3A_185 : memref<25x128xf32, #tpu.memory_space<vmem_shared>>) target_semaphore(%run_scoped3A : memref<!tpu.dma_semaphore, #tpu.memory_space<semaphore_mem>>)
        %dma_wait3A_189 = arith.constant 0 : i32
        %dma_wait3A_190 = arith.constant 0 : i32
        %dma_wait3A_191 = tpu.memref_slice %arg9[%dma_wait3A_189, %dma_wait3A_190] : memref<40x128xf32, #tpu.memory_space<vmem>> -> memref<25x128xf32, #tpu.memory_space<vmem>>
        %dma_wait3A_192 = arith.constant 0 : i32
        %dma_wait3A_193 = tpu.memref_slice %arg6[%add3A_178, %dma_wait3A_192] : memref<10000x128xf32, #tpu.memory_space<vmem_shared>> -> memref<25x128xf32, #tpu.memory_space<vmem_shared>>
        %dma_wait3A_194 = arith.constant 0 : i32
        %dma_wait3A_195 = tpu.memref_slice %arg6[%add3A_178, %dma_wait3A_194] : memref<10000x128xf32, #tpu.memory_space<vmem_shared>> -> memref<25x128xf32, #tpu.memory_space<vmem_shared>>
        %dma_wait3A_196 = arith.constant 0 : i32
        %dma_wait3A_197 = arith.constant 0 : i32
        %dma_wait3A_198 = tpu.memref_slice %arg9[%dma_wait3A_196, %dma_wait3A_197] : memref<40x128xf32, #tpu.memory_space<vmem>> -> memref<25x128xf32, #tpu.memory_space<vmem>>
        tpu.wait_dma2 semaphore(%run_scoped3A : memref<!tpu.dma_semaphore, #tpu.memory_space<semaphore_mem>>) src(%dma_wait3A_198 : memref<25x128xf32, #tpu.memory_space<vmem>>) dst(%dma_wait3A_195 : memref<25x128xf32, #tpu.memory_space<vmem_shared>>)
        tpu.yield
      }) : () -> ()
    } else {
    }
    %dma_wait3A = arith.constant 0 : i32
    %dma_wait3A_21 = tpu.memref_slice %arg3[%dma_wait3A, %multiple_of3A] : memref<2x320000xi32, #tpu.memory_space<hbm>> -> memref<1x10000xi32, #tpu.memory_space<hbm>>
    %dma_wait3A_22 = tpu.memref_squeeze %dma_wait3A_21 : memref<1x10000xi32, #tpu.memory_space<hbm>> -> memref<10000xi32, #tpu.memory_space<hbm>>
    %dma_wait3A_23 = tpu.memref_slice %arg3[%dma_wait3A, %multiple_of3A] : memref<2x320000xi32, #tpu.memory_space<hbm>> -> memref<1x10000xi32, #tpu.memory_space<hbm>>
    %dma_wait3A_24 = tpu.memref_squeeze %dma_wait3A_23 : memref<1x10000xi32, #tpu.memory_space<hbm>> -> memref<10000xi32, #tpu.memory_space<hbm>>
    tpu.wait_dma2 semaphore(%arg15 : memref<!tpu.dma_semaphore, #tpu.memory_space<semaphore_mem>>) src(%dma_wait3A_24 : memref<10000xi32, #tpu.memory_space<hbm>>) dst(%arg7 : memref<10000xi32, #tpu.memory_space<vmem>>)
    %dma_wait3A_25 = arith.constant 1 : i32
    %dma_wait3A_26 = tpu.memref_slice %arg3[%dma_wait3A_25, %multiple_of3A] : memref<2x320000xi32, #tpu.memory_space<hbm>> -> memref<1x10000xi32, #tpu.memory_space<hbm>>
    %dma_wait3A_27 = tpu.memref_squeeze %dma_wait3A_26 : memref<1x10000xi32, #tpu.memory_space<hbm>> -> memref<10000xi32, #tpu.memory_space<hbm>>
    %dma_wait3A_28 = tpu.memref_slice %arg3[%dma_wait3A_25, %multiple_of3A] : memref<2x320000xi32, #tpu.memory_space<hbm>> -> memref<1x10000xi32, #tpu.memory_space<hbm>>
    %dma_wait3A_29 = tpu.memref_squeeze %dma_wait3A_28 : memref<1x10000xi32, #tpu.memory_space<hbm>> -> memref<10000xi32, #tpu.memory_space<hbm>>
    tpu.wait_dma2 semaphore(%arg16 : memref<!tpu.dma_semaphore, #tpu.memory_space<semaphore_mem>>) src(%dma_wait3A_29 : memref<10000xi32, #tpu.memory_space<hbm>>) dst(%arg8 : memref<10000xi32, #tpu.memory_space<vmem>>)
    %multiple_of3A_30 = arith.constant 0 : i32
    %multiple_of3A_31 = tpu.assume_multiple %multiple_of3A_30, 8 : i32
    %dma_start3A_32 = tpu.memref_slice %arg7[%multiple_of3A_31] : memref<10000xi32, #tpu.memory_space<vmem>> -> memref<40xi32, #tpu.memory_space<vmem>>
    %dma_start3A_33 = arith.constant 0 : i32
    %dma_start3A_34 = arith.constant 0 : i32
    %dma_start3A_35 = tpu.memref_slice %arg2[%dma_start3A_33, %dma_start3A_34] : memref<10000x128xf32, #tpu.memory_space<hbm>> -> memref<10000x128xf32, #tpu.memory_space<hbm>>
    tpu.enqueue_indirect_dma source(%dma_start3A_35 : memref<10000x128xf32, #tpu.memory_space<hbm>>) target(%arg9 : memref<40x128xf32, #tpu.memory_space<vmem>>) offsets(%dma_start3A_32 : memref<40xi32, #tpu.memory_space<vmem>>) semaphore(%arg15 : memref<!tpu.dma_semaphore, #tpu.memory_space<semaphore_mem>>)
    %multiple_of3A_36 = arith.constant 40 : i32
    %multiple_of3A_37 = tpu.assume_multiple %multiple_of3A_36, 8 : i32
    %dma_start3A_38 = tpu.memref_slice %arg7[%multiple_of3A_37] : memref<10000xi32, #tpu.memory_space<vmem>> -> memref<40xi32, #tpu.memory_space<vmem>>
    %dma_start3A_39 = arith.constant 0 : i32
    %dma_start3A_40 = arith.constant 0 : i32
    %dma_start3A_41 = tpu.memref_slice %arg2[%dma_start3A_39, %dma_start3A_40] : memref<10000x128xf32, #tpu.memory_space<hbm>> -> memref<10000x128xf32, #tpu.memory_space<hbm>>
    tpu.enqueue_indirect_dma source(%dma_start3A_41 : memref<10000x128xf32, #tpu.memory_space<hbm>>) target(%arg10 : memref<40x128xf32, #tpu.memory_space<vmem>>) offsets(%dma_start3A_38 : memref<40xi32, #tpu.memory_space<vmem>>) semaphore(%arg16 : memref<!tpu.dma_semaphore, #tpu.memory_space<semaphore_mem>>)
    %multiple_of3A_42 = arith.constant 80 : i32
    %multiple_of3A_43 = tpu.assume_multiple %multiple_of3A_42, 8 : i32
    %dma_start3A_44 = tpu.memref_slice %arg7[%multiple_of3A_43] : memref<10000xi32, #tpu.memory_space<vmem>> -> memref<40xi32, #tpu.memory_space<vmem>>
    %dma_start3A_45 = arith.constant 0 : i32
    %dma_start3A_46 = arith.constant 0 : i32
    %dma_start3A_47 = tpu.memref_slice %arg2[%dma_start3A_45, %dma_start3A_46] : memref<10000x128xf32, #tpu.memory_space<hbm>> -> memref<10000x128xf32, #tpu.memory_space<hbm>>
    tpu.enqueue_indirect_dma source(%dma_start3A_47 : memref<10000x128xf32, #tpu.memory_space<hbm>>) target(%arg11 : memref<40x128xf32, #tpu.memory_space<vmem>>) offsets(%dma_start3A_44 : memref<40xi32, #tpu.memory_space<vmem>>) semaphore(%arg17 : memref<!tpu.dma_semaphore, #tpu.memory_space<semaphore_mem>>)
    %multiple_of3A_48 = arith.constant 120 : i32
    %multiple_of3A_49 = tpu.assume_multiple %multiple_of3A_48, 8 : i32
    %dma_start3A_50 = tpu.memref_slice %arg7[%multiple_of3A_49] : memref<10000xi32, #tpu.memory_space<vmem>> -> memref<40xi32, #tpu.memory_space<vmem>>
    %dma_start3A_51 = arith.constant 0 : i32
    %dma_start3A_52 = arith.constant 0 : i32
    %dma_start3A_53 = tpu.memref_slice %arg2[%dma_start3A_51, %dma_start3A_52] : memref<10000x128xf32, #tpu.memory_space<hbm>> -> memref<10000x128xf32, #tpu.memory_space<hbm>>
    tpu.enqueue_indirect_dma source(%dma_start3A_53 : memref<10000x128xf32, #tpu.memory_space<hbm>>) target(%arg12 : memref<40x128xf32, #tpu.memory_space<vmem>>) offsets(%dma_start3A_50 : memref<40xi32, #tpu.memory_space<vmem>>) semaphore(%arg18 : memref<!tpu.dma_semaphore, #tpu.memory_space<semaphore_mem>>)
    %multiple_of3A_54 = arith.constant 160 : i32
    %multiple_of3A_55 = tpu.assume_multiple %multiple_of3A_54, 8 : i32
    %dma_start3A_56 = tpu.memref_slice %arg7[%multiple_of3A_55] : memref<10000xi32, #tpu.memory_space<vmem>> -> memref<40xi32, #tpu.memory_space<vmem>>
    %dma_start3A_57 = arith.constant 0 : i32
    %dma_start3A_58 = arith.constant 0 : i32
    %dma_start3A_59 = tpu.memref_slice %arg2[%dma_start3A_57, %dma_start3A_58] : memref<10000x128xf32, #tpu.memory_space<hbm>> -> memref<10000x128xf32, #tpu.memory_space<hbm>>
    tpu.enqueue_indirect_dma source(%dma_start3A_59 : memref<10000x128xf32, #tpu.memory_space<hbm>>) target(%arg13 : memref<40x128xf32, #tpu.memory_space<vmem>>) offsets(%dma_start3A_56 : memref<40xi32, #tpu.memory_space<vmem>>) semaphore(%arg19 : memref<!tpu.dma_semaphore, #tpu.memory_space<semaphore_mem>>)
    %barrier3A = arith.constant 0 : index
    tpu.barrier barrier_id(%barrier3A)
    %scan3A = arith.constant 0 : i32
    %scan3A_60 = arith.constant 0 : i32
    %scan3A_61 = arith.constant 41 : i32
    %scan3A_62 = arith.addi %scan3A_60, %scan3A_61 : i32
    %scan3A_63 = arith.constant 1 : i32
    scf.for %scan3A_140 = %scan3A_60 to %scan3A_62 step %scan3A_63  : i32 {
      %mul3A_141 = arith.constant 6 : i32
      %mul3A_142 = arith.muli %scan3A_140, %mul3A_141 : i32
      %add3A_143 = arith.constant 0 : i32
      %add3A_144 = arith.addi %mul3A_142, %add3A_143 : i32
      %dma_wait3A_145 = arith.constant 0 : i32
      %dma_wait3A_146 = tpu.memref_slice %arg7[%dma_wait3A_145] : memref<10000xi32, #tpu.memory_space<vmem>> -> memref<40xi32, #tpu.memory_space<vmem>>
      %dma_wait3A_147 = arith.constant 0 : i32
      %dma_wait3A_148 = arith.constant 0 : i32
      %dma_wait3A_149 = tpu.memref_slice %arg2[%dma_wait3A_147, %dma_wait3A_148] : memref<10000x128xf32, #tpu.memory_space<hbm>> -> memref<10000x128xf32, #tpu.memory_space<hbm>>
      tpu.wait_indirect_dma semaphore(%arg15 : memref<!tpu.dma_semaphore, #tpu.memory_space<semaphore_mem>>) src(%dma_wait3A_149 : memref<10000x128xf32, #tpu.memory_space<hbm>>) dst(%arg9 : memref<40x128xf32, #tpu.memory_space<vmem>>)
      %mul3A_150 = arith.constant 40 : i32
      %mul3A_151 = arith.muli %add3A_144, %mul3A_150 : i32
      %multiple_of3A_152 = tpu.assume_multiple %mul3A_151, 8 : i32
      %dma_start3A_153 = tpu.memref_slice %arg8[%multiple_of3A_152] : memref<10000xi32, #tpu.memory_space<vmem>> -> memref<40xi32, #tpu.memory_space<vmem>>
      %dma_start3A_154 = arith.constant 0 : i32
      %dma_start3A_155 = arith.constant 0 : i32
      %dma_start3A_156 = tpu.memref_slice %arg6[%dma_start3A_154, %dma_start3A_155] : memref<10000x128xf32, #tpu.memory_space<vmem_shared>> -> memref<10000x128xf32, #tpu.memory_space<vmem_shared>>
      tpu.enqueue_indirect_dma source(%arg9 : memref<40x128xf32, #tpu.memory_space<vmem>>) target(%dma_start3A_156 : memref<10000x128xf32, #tpu.memory_space<vmem_shared>>) offsets(%dma_start3A_153 : memref<40xi32, #tpu.memory_space<vmem>>) semaphore(%arg21 : memref<!tpu.dma_semaphore, #tpu.memory_space<semaphore_mem>>) {add = true}
      %add3A_157 = arith.constant 5 : i32
      %add3A_158 = arith.addi %add3A_144, %add3A_157 : i32
      %lt3A = arith.constant 250 : i32
      %lt3A_159 = arith.cmpi slt, %add3A_158, %lt3A : i32
      %convert_element_type3A_160 = arith.extui %lt3A_159 : i1 to i32
      %cond3A_161 = arith.constant 0 : i32
      %cond3A_162 = arith.cmpi ne, %convert_element_type3A_160, %cond3A_161 : i32
      scf.if %cond3A_162 {
        %ge3A = arith.constant 1 : i32
        %ge3A_278 = arith.cmpi sge, %add3A_144, %ge3A : i32
        %convert_element_type3A_279 = arith.extui %ge3A_278 : i1 to i32
        %cond3A_280 = arith.constant 0 : i32
        %cond3A_281 = arith.cmpi ne, %convert_element_type3A_279, %cond3A_280 : i32
        scf.if %cond3A_281 {
          %dma_wait3A_291 = arith.constant 0 : i32
          %dma_wait3A_292 = tpu.memref_slice %arg8[%dma_wait3A_291] : memref<10000xi32, #tpu.memory_space<vmem>> -> memref<40xi32, #tpu.memory_space<vmem>>
          %dma_wait3A_293 = arith.constant 0 : i32
          %dma_wait3A_294 = arith.constant 0 : i32
          %dma_wait3A_295 = tpu.memref_slice %arg6[%dma_wait3A_293, %dma_wait3A_294] : memref<10000x128xf32, #tpu.memory_space<vmem_shared>> -> memref<10000x128xf32, #tpu.memory_space<vmem_shared>>
          tpu.wait_indirect_dma semaphore(%arg26 : memref<!tpu.dma_semaphore, #tpu.memory_space<semaphore_mem>>) src(%arg14 : memref<40x128xf32, #tpu.memory_space<vmem>>) dst(%dma_wait3A_295 : memref<10000x128xf32, #tpu.memory_space<vmem_shared>>)
        } else {
        }
        %add3A_282 = arith.constant 5 : i32
        %add3A_283 = arith.addi %add3A_144, %add3A_282 : i32
        %mul3A_284 = arith.constant 40 : i32
        %mul3A_285 = arith.muli %add3A_283, %mul3A_284 : i32
        %multiple_of3A_286 = tpu.assume_multiple %mul3A_285, 8 : i32
        %dma_start3A_287 = tpu.memref_slice %arg7[%multiple_of3A_286] : memref<10000xi32, #tpu.memory_space<vmem>> -> memref<40xi32, #tpu.memory_space<vmem>>
        %dma_start3A_288 = arith.constant 0 : i32
        %dma_start3A_289 = arith.constant 0 : i32
        %dma_start3A_290 = tpu.memref_slice %arg2[%dma_start3A_288, %dma_start3A_289] : memref<10000x128xf32, #tpu.memory_space<hbm>> -> memref<10000x128xf32, #tpu.memory_space<hbm>>
        tpu.enqueue_indirect_dma source(%dma_start3A_290 : memref<10000x128xf32, #tpu.memory_space<hbm>>) target(%arg14 : memref<40x128xf32, #tpu.memory_space<vmem>>) offsets(%dma_start3A_287 : memref<40xi32, #tpu.memory_space<vmem>>) semaphore(%arg20 : memref<!tpu.dma_semaphore, #tpu.memory_space<semaphore_mem>>)
      } else {
      }
      %mul3A_163 = arith.constant 6 : i32
      %mul3A_164 = arith.muli %scan3A_140, %mul3A_163 : i32
      %add3A_165 = arith.constant 1 : i32
      %add3A_166 = arith.addi %mul3A_164, %add3A_165 : i32
      %dma_wait3A_167 = arith.constant 0 : i32
      %dma_wait3A_168 = tpu.memref_slice %arg7[%dma_wait3A_167] : memref<10000xi32, #tpu.memory_space<vmem>> -> memref<40xi32, #tpu.memory_space<vmem>>
      %dma_wait3A_169 = arith.constant 0 : i32
      %dma_wait3A_170 = arith.constant 0 : i32
      %dma_wait3A_171 = tpu.memref_slice %arg2[%dma_wait3A_169, %dma_wait3A_170] : memref<10000x128xf32, #tpu.memory_space<hbm>> -> memref<10000x128xf32, #tpu.memory_space<hbm>>
      tpu.wait_indirect_dma semaphore(%arg16 : memref<!tpu.dma_semaphore, #tpu.memory_space<semaphore_mem>>) src(%dma_wait3A_171 : memref<10000x128xf32, #tpu.memory_space<hbm>>) dst(%arg10 : memref<40x128xf32, #tpu.memory_space<vmem>>)
      %mul3A_172 = arith.constant 40 : i32
      %mul3A_173 = arith.muli %add3A_166, %mul3A_172 : i32
      %multiple_of3A_174 = tpu.assume_multiple %mul3A_173, 8 : i32
      %dma_start3A_175 = tpu.memref_slice %arg8[%multiple_of3A_174] : memref<10000xi32, #tpu.memory_space<vmem>> -> memref<40xi32, #tpu.memory_space<vmem>>
      %dma_start3A_176 = arith.constant 0 : i32
      %dma_start3A_177 = arith.constant 0 : i32
      %dma_start3A_178 = tpu.memref_slice %arg6[%dma_start3A_176, %dma_start3A_177] : memref<10000x128xf32, #tpu.memory_space<vmem_shared>> -> memref<10000x128xf32, #tpu.memory_space<vmem_shared>>
      tpu.enqueue_indirect_dma source(%arg10 : memref<40x128xf32, #tpu.memory_space<vmem>>) target(%dma_start3A_178 : memref<10000x128xf32, #tpu.memory_space<vmem_shared>>) offsets(%dma_start3A_175 : memref<40xi32, #tpu.memory_space<vmem>>) semaphore(%arg22 : memref<!tpu.dma_semaphore, #tpu.memory_space<semaphore_mem>>) {add = true}
      %add3A_179 = arith.constant 5 : i32
      %add3A_180 = arith.addi %add3A_166, %add3A_179 : i32
      %lt3A_181 = arith.constant 250 : i32
      %lt3A_182 = arith.cmpi slt, %add3A_180, %lt3A_181 : i32
      %convert_element_type3A_183 = arith.extui %lt3A_182 : i1 to i32
      %cond3A_184 = arith.constant 0 : i32
      %cond3A_185 = arith.cmpi ne, %convert_element_type3A_183, %cond3A_184 : i32
      scf.if %cond3A_185 {
        %ge3A = arith.constant 1 : i32
        %ge3A_278 = arith.cmpi sge, %add3A_166, %ge3A : i32
        %convert_element_type3A_279 = arith.extui %ge3A_278 : i1 to i32
        %cond3A_280 = arith.constant 0 : i32
        %cond3A_281 = arith.cmpi ne, %convert_element_type3A_279, %cond3A_280 : i32
        scf.if %cond3A_281 {
          %dma_wait3A_291 = arith.constant 0 : i32
          %dma_wait3A_292 = tpu.memref_slice %arg8[%dma_wait3A_291] : memref<10000xi32, #tpu.memory_space<vmem>> -> memref<40xi32, #tpu.memory_space<vmem>>
          %dma_wait3A_293 = arith.constant 0 : i32
          %dma_wait3A_294 = arith.constant 0 : i32
          %dma_wait3A_295 = tpu.memref_slice %arg6[%dma_wait3A_293, %dma_wait3A_294] : memref<10000x128xf32, #tpu.memory_space<vmem_shared>> -> memref<10000x128xf32, #tpu.memory_space<vmem_shared>>
          tpu.wait_indirect_dma semaphore(%arg21 : memref<!tpu.dma_semaphore, #tpu.memory_space<semaphore_mem>>) src(%arg9 : memref<40x128xf32, #tpu.memory_space<vmem>>) dst(%dma_wait3A_295 : memref<10000x128xf32, #tpu.memory_space<vmem_shared>>)
        } else {
        }
        %add3A_282 = arith.constant 5 : i32
        %add3A_283 = arith.addi %add3A_166, %add3A_282 : i32
        %mul3A_284 = arith.constant 40 : i32
        %mul3A_285 = arith.muli %add3A_283, %mul3A_284 : i32
        %multiple_of3A_286 = tpu.assume_multiple %mul3A_285, 8 : i32
        %dma_start3A_287 = tpu.memref_slice %arg7[%multiple_of3A_286] : memref<10000xi32, #tpu.memory_space<vmem>> -> memref<40xi32, #tpu.memory_space<vmem>>
        %dma_start3A_288 = arith.constant 0 : i32
        %dma_start3A_289 = arith.constant 0 : i32
        %dma_start3A_290 = tpu.memref_slice %arg2[%dma_start3A_288, %dma_start3A_289] : memref<10000x128xf32, #tpu.memory_space<hbm>> -> memref<10000x128xf32, #tpu.memory_space<hbm>>
        tpu.enqueue_indirect_dma source(%dma_start3A_290 : memref<10000x128xf32, #tpu.memory_space<hbm>>) target(%arg9 : memref<40x128xf32, #tpu.memory_space<vmem>>) offsets(%dma_start3A_287 : memref<40xi32, #tpu.memory_space<vmem>>) semaphore(%arg15 : memref<!tpu.dma_semaphore, #tpu.memory_space<semaphore_mem>>)
      } else {
      }
      %mul3A_186 = arith.constant 6 : i32
      %mul3A_187 = arith.muli %scan3A_140, %mul3A_186 : i32
      %add3A_188 = arith.constant 2 : i32
      %add3A_189 = arith.addi %mul3A_187, %add3A_188 : i32
      %dma_wait3A_190 = arith.constant 0 : i32
      %dma_wait3A_191 = tpu.memref_slice %arg7[%dma_wait3A_190] : memref<10000xi32, #tpu.memory_space<vmem>> -> memref<40xi32, #tpu.memory_space<vmem>>
      %dma_wait3A_192 = arith.constant 0 : i32
      %dma_wait3A_193 = arith.constant 0 : i32
      %dma_wait3A_194 = tpu.memref_slice %arg2[%dma_wait3A_192, %dma_wait3A_193] : memref<10000x128xf32, #tpu.memory_space<hbm>> -> memref<10000x128xf32, #tpu.memory_space<hbm>>
      tpu.wait_indirect_dma semaphore(%arg17 : memref<!tpu.dma_semaphore, #tpu.memory_space<semaphore_mem>>) src(%dma_wait3A_194 : memref<10000x128xf32, #tpu.memory_space<hbm>>) dst(%arg11 : memref<40x128xf32, #tpu.memory_space<vmem>>)
      %mul3A_195 = arith.constant 40 : i32
      %mul3A_196 = arith.muli %add3A_189, %mul3A_195 : i32
      %multiple_of3A_197 = tpu.assume_multiple %mul3A_196, 8 : i32
      %dma_start3A_198 = tpu.memref_slice %arg8[%multiple_of3A_197] : memref<10000xi32, #tpu.memory_space<vmem>> -> memref<40xi32, #tpu.memory_space<vmem>>
      %dma_start3A_199 = arith.constant 0 : i32
      %dma_start3A_200 = arith.constant 0 : i32
      %dma_start3A_201 = tpu.memref_slice %arg6[%dma_start3A_199, %dma_start3A_200] : memref<10000x128xf32, #tpu.memory_space<vmem_shared>> -> memref<10000x128xf32, #tpu.memory_space<vmem_shared>>
      tpu.enqueue_indirect_dma source(%arg11 : memref<40x128xf32, #tpu.memory_space<vmem>>) target(%dma_start3A_201 : memref<10000x128xf32, #tpu.memory_space<vmem_shared>>) offsets(%dma_start3A_198 : memref<40xi32, #tpu.memory_space<vmem>>) semaphore(%arg23 : memref<!tpu.dma_semaphore, #tpu.memory_space<semaphore_mem>>) {add = true}
      %add3A_202 = arith.constant 5 : i32
      %add3A_203 = arith.addi %add3A_189, %add3A_202 : i32
      %lt3A_204 = arith.constant 250 : i32
      %lt3A_205 = arith.cmpi slt, %add3A_203, %lt3A_204 : i32
      %convert_element_type3A_206 = arith.extui %lt3A_205 : i1 to i32
      %cond3A_207 = arith.constant 0 : i32
      %cond3A_208 = arith.cmpi ne, %convert_element_type3A_206, %cond3A_207 : i32
      scf.if %cond3A_208 {
        %ge3A = arith.constant 1 : i32
        %ge3A_278 = arith.cmpi sge, %add3A_189, %ge3A : i32
        %convert_element_type3A_279 = arith.extui %ge3A_278 : i1 to i32
        %cond3A_280 = arith.constant 0 : i32
        %cond3A_281 = arith.cmpi ne, %convert_element_type3A_279, %cond3A_280 : i32
        scf.if %cond3A_281 {
          %dma_wait3A_291 = arith.constant 0 : i32
          %dma_wait3A_292 = tpu.memref_slice %arg8[%dma_wait3A_291] : memref<10000xi32, #tpu.memory_space<vmem>> -> memref<40xi32, #tpu.memory_space<vmem>>
          %dma_wait3A_293 = arith.constant 0 : i32
          %dma_wait3A_294 = arith.constant 0 : i32
          %dma_wait3A_295 = tpu.memref_slice %arg6[%dma_wait3A_293, %dma_wait3A_294] : memref<10000x128xf32, #tpu.memory_space<vmem_shared>> -> memref<10000x128xf32, #tpu.memory_space<vmem_shared>>
          tpu.wait_indirect_dma semaphore(%arg22 : memref<!tpu.dma_semaphore, #tpu.memory_space<semaphore_mem>>) src(%arg10 : memref<40x128xf32, #tpu.memory_space<vmem>>) dst(%dma_wait3A_295 : memref<10000x128xf32, #tpu.memory_space<vmem_shared>>)
        } else {
        }
        %add3A_282 = arith.constant 5 : i32
        %add3A_283 = arith.addi %add3A_189, %add3A_282 : i32
        %mul3A_284 = arith.constant 40 : i32
        %mul3A_285 = arith.muli %add3A_283, %mul3A_284 : i32
        %multiple_of3A_286 = tpu.assume_multiple %mul3A_285, 8 : i32
        %dma_start3A_287 = tpu.memref_slice %arg7[%multiple_of3A_286] : memref<10000xi32, #tpu.memory_space<vmem>> -> memref<40xi32, #tpu.memory_space<vmem>>
        %dma_start3A_288 = arith.constant 0 : i32
        %dma_start3A_289 = arith.constant 0 : i32
        %dma_start3A_290 = tpu.memref_slice %arg2[%dma_start3A_288, %dma_start3A_289] : memref<10000x128xf32, #tpu.memory_space<hbm>> -> memref<10000x128xf32, #tpu.memory_space<hbm>>
        tpu.enqueue_indirect_dma source(%dma_start3A_290 : memref<10000x128xf32, #tpu.memory_space<hbm>>) target(%arg10 : memref<40x128xf32, #tpu.memory_space<vmem>>) offsets(%dma_start3A_287 : memref<40xi32, #tpu.memory_space<vmem>>) semaphore(%arg16 : memref<!tpu.dma_semaphore, #tpu.memory_space<semaphore_mem>>)
      } else {
      }
      %mul3A_209 = arith.constant 6 : i32
      %mul3A_210 = arith.muli %scan3A_140, %mul3A_209 : i32
      %add3A_211 = arith.constant 3 : i32
      %add3A_212 = arith.addi %mul3A_210, %add3A_211 : i32
      %dma_wait3A_213 = arith.constant 0 : i32
      %dma_wait3A_214 = tpu.memref_slice %arg7[%dma_wait3A_213] : memref<10000xi32, #tpu.memory_space<vmem>> -> memref<40xi32, #tpu.memory_space<vmem>>
      %dma_wait3A_215 = arith.constant 0 : i32
      %dma_wait3A_216 = arith.constant 0 : i32
      %dma_wait3A_217 = tpu.memref_slice %arg2[%dma_wait3A_215, %dma_wait3A_216] : memref<10000x128xf32, #tpu.memory_space<hbm>> -> memref<10000x128xf32, #tpu.memory_space<hbm>>
      tpu.wait_indirect_dma semaphore(%arg18 : memref<!tpu.dma_semaphore, #tpu.memory_space<semaphore_mem>>) src(%dma_wait3A_217 : memref<10000x128xf32, #tpu.memory_space<hbm>>) dst(%arg12 : memref<40x128xf32, #tpu.memory_space<vmem>>)
      %mul3A_218 = arith.constant 40 : i32
      %mul3A_219 = arith.muli %add3A_212, %mul3A_218 : i32
      %multiple_of3A_220 = tpu.assume_multiple %mul3A_219, 8 : i32
      %dma_start3A_221 = tpu.memref_slice %arg8[%multiple_of3A_220] : memref<10000xi32, #tpu.memory_space<vmem>> -> memref<40xi32, #tpu.memory_space<vmem>>
      %dma_start3A_222 = arith.constant 0 : i32
      %dma_start3A_223 = arith.constant 0 : i32
      %dma_start3A_224 = tpu.memref_slice %arg6[%dma_start3A_222, %dma_start3A_223] : memref<10000x128xf32, #tpu.memory_space<vmem_shared>> -> memref<10000x128xf32, #tpu.memory_space<vmem_shared>>
      tpu.enqueue_indirect_dma source(%arg12 : memref<40x128xf32, #tpu.memory_space<vmem>>) target(%dma_start3A_224 : memref<10000x128xf32, #tpu.memory_space<vmem_shared>>) offsets(%dma_start3A_221 : memref<40xi32, #tpu.memory_space<vmem>>) semaphore(%arg24 : memref<!tpu.dma_semaphore, #tpu.memory_space<semaphore_mem>>) {add = true}
      %add3A_225 = arith.constant 5 : i32
      %add3A_226 = arith.addi %add3A_212, %add3A_225 : i32
      %lt3A_227 = arith.constant 250 : i32
      %lt3A_228 = arith.cmpi slt, %add3A_226, %lt3A_227 : i32
      %convert_element_type3A_229 = arith.extui %lt3A_228 : i1 to i32
      %cond3A_230 = arith.constant 0 : i32
      %cond3A_231 = arith.cmpi ne, %convert_element_type3A_229, %cond3A_230 : i32
      scf.if %cond3A_231 {
        %ge3A = arith.constant 1 : i32
        %ge3A_278 = arith.cmpi sge, %add3A_212, %ge3A : i32
        %convert_element_type3A_279 = arith.extui %ge3A_278 : i1 to i32
        %cond3A_280 = arith.constant 0 : i32
        %cond3A_281 = arith.cmpi ne, %convert_element_type3A_279, %cond3A_280 : i32
        scf.if %cond3A_281 {
          %dma_wait3A_291 = arith.constant 0 : i32
          %dma_wait3A_292 = tpu.memref_slice %arg8[%dma_wait3A_291] : memref<10000xi32, #tpu.memory_space<vmem>> -> memref<40xi32, #tpu.memory_space<vmem>>
          %dma_wait3A_293 = arith.constant 0 : i32
          %dma_wait3A_294 = arith.constant 0 : i32
          %dma_wait3A_295 = tpu.memref_slice %arg6[%dma_wait3A_293, %dma_wait3A_294] : memref<10000x128xf32, #tpu.memory_space<vmem_shared>> -> memref<10000x128xf32, #tpu.memory_space<vmem_shared>>
          tpu.wait_indirect_dma semaphore(%arg23 : memref<!tpu.dma_semaphore, #tpu.memory_space<semaphore_mem>>) src(%arg11 : memref<40x128xf32, #tpu.memory_space<vmem>>) dst(%dma_wait3A_295 : memref<10000x128xf32, #tpu.memory_space<vmem_shared>>)
        } else {
        }
        %add3A_282 = arith.constant 5 : i32
        %add3A_283 = arith.addi %add3A_212, %add3A_282 : i32
        %mul3A_284 = arith.constant 40 : i32
        %mul3A_285 = arith.muli %add3A_283, %mul3A_284 : i32
        %multiple_of3A_286 = tpu.assume_multiple %mul3A_285, 8 : i32
        %dma_start3A_287 = tpu.memref_slice %arg7[%multiple_of3A_286] : memref<10000xi32, #tpu.memory_space<vmem>> -> memref<40xi32, #tpu.memory_space<vmem>>
        %dma_start3A_288 = arith.constant 0 : i32
        %dma_start3A_289 = arith.constant 0 : i32
        %dma_start3A_290 = tpu.memref_slice %arg2[%dma_start3A_288, %dma_start3A_289] : memref<10000x128xf32, #tpu.memory_space<hbm>> -> memref<10000x128xf32, #tpu.memory_space<hbm>>
        tpu.enqueue_indirect_dma source(%dma_start3A_290 : memref<10000x128xf32, #tpu.memory_space<hbm>>) target(%arg11 : memref<40x128xf32, #tpu.memory_space<vmem>>) offsets(%dma_start3A_287 : memref<40xi32, #tpu.memory_space<vmem>>) semaphore(%arg17 : memref<!tpu.dma_semaphore, #tpu.memory_space<semaphore_mem>>)
      } else {
      }
      %mul3A_232 = arith.constant 6 : i32
      %mul3A_233 = arith.muli %scan3A_140, %mul3A_232 : i32
      %add3A_234 = arith.constant 4 : i32
      %add3A_235 = arith.addi %mul3A_233, %add3A_234 : i32
      %dma_wait3A_236 = arith.constant 0 : i32
      %dma_wait3A_237 = tpu.memref_slice %arg7[%dma_wait3A_236] : memref<10000xi32, #tpu.memory_space<vmem>> -> memref<40xi32, #tpu.memory_space<vmem>>
      %dma_wait3A_238 = arith.constant 0 : i32
      %dma_wait3A_239 = arith.constant 0 : i32
      %dma_wait3A_240 = tpu.memref_slice %arg2[%dma_wait3A_238, %dma_wait3A_239] : memref<10000x128xf32, #tpu.memory_space<hbm>> -> memref<10000x128xf32, #tpu.memory_space<hbm>>
      tpu.wait_indirect_dma semaphore(%arg19 : memref<!tpu.dma_semaphore, #tpu.memory_space<semaphore_mem>>) src(%dma_wait3A_240 : memref<10000x128xf32, #tpu.memory_space<hbm>>) dst(%arg13 : memref<40x128xf32, #tpu.memory_space<vmem>>)
      %mul3A_241 = arith.constant 40 : i32
      %mul3A_242 = arith.muli %add3A_235, %mul3A_241 : i32
      %multiple_of3A_243 = tpu.assume_multiple %mul3A_242, 8 : i32
      %dma_start3A_244 = tpu.memref_slice %arg8[%multiple_of3A_243] : memref<10000xi32, #tpu.memory_space<vmem>> -> memref<40xi32, #tpu.memory_space<vmem>>
      %dma_start3A_245 = arith.constant 0 : i32
      %dma_start3A_246 = arith.constant 0 : i32
      %dma_start3A_247 = tpu.memref_slice %arg6[%dma_start3A_245, %dma_start3A_246] : memref<10000x128xf32, #tpu.memory_space<vmem_shared>> -> memref<10000x128xf32, #tpu.memory_space<vmem_shared>>
      tpu.enqueue_indirect_dma source(%arg13 : memref<40x128xf32, #tpu.memory_space<vmem>>) target(%dma_start3A_247 : memref<10000x128xf32, #tpu.memory_space<vmem_shared>>) offsets(%dma_start3A_244 : memref<40xi32, #tpu.memory_space<vmem>>) semaphore(%arg25 : memref<!tpu.dma_semaphore, #tpu.memory_space<semaphore_mem>>) {add = true}
      %add3A_248 = arith.constant 5 : i32
      %add3A_249 = arith.addi %add3A_235, %add3A_248 : i32
      %lt3A_250 = arith.constant 250 : i32
      %lt3A_251 = arith.cmpi slt, %add3A_249, %lt3A_250 : i32
      %convert_element_type3A_252 = arith.extui %lt3A_251 : i1 to i32
      %cond3A_253 = arith.constant 0 : i32
      %cond3A_254 = arith.cmpi ne, %convert_element_type3A_252, %cond3A_253 : i32
      scf.if %cond3A_254 {
        %ge3A = arith.constant 1 : i32
        %ge3A_278 = arith.cmpi sge, %add3A_235, %ge3A : i32
        %convert_element_type3A_279 = arith.extui %ge3A_278 : i1 to i32
        %cond3A_280 = arith.constant 0 : i32
        %cond3A_281 = arith.cmpi ne, %convert_element_type3A_279, %cond3A_280 : i32
        scf.if %cond3A_281 {
          %dma_wait3A_291 = arith.constant 0 : i32
          %dma_wait3A_292 = tpu.memref_slice %arg8[%dma_wait3A_291] : memref<10000xi32, #tpu.memory_space<vmem>> -> memref<40xi32, #tpu.memory_space<vmem>>
          %dma_wait3A_293 = arith.constant 0 : i32
          %dma_wait3A_294 = arith.constant 0 : i32
          %dma_wait3A_295 = tpu.memref_slice %arg6[%dma_wait3A_293, %dma_wait3A_294] : memref<10000x128xf32, #tpu.memory_space<vmem_shared>> -> memref<10000x128xf32, #tpu.memory_space<vmem_shared>>
          tpu.wait_indirect_dma semaphore(%arg24 : memref<!tpu.dma_semaphore, #tpu.memory_space<semaphore_mem>>) src(%arg12 : memref<40x128xf32, #tpu.memory_space<vmem>>) dst(%dma_wait3A_295 : memref<10000x128xf32, #tpu.memory_space<vmem_shared>>)
        } else {
        }
        %add3A_282 = arith.constant 5 : i32
        %add3A_283 = arith.addi %add3A_235, %add3A_282 : i32
        %mul3A_284 = arith.constant 40 : i32
        %mul3A_285 = arith.muli %add3A_283, %mul3A_284 : i32
        %multiple_of3A_286 = tpu.assume_multiple %mul3A_285, 8 : i32
        %dma_start3A_287 = tpu.memref_slice %arg7[%multiple_of3A_286] : memref<10000xi32, #tpu.memory_space<vmem>> -> memref<40xi32, #tpu.memory_space<vmem>>
        %dma_start3A_288 = arith.constant 0 : i32
        %dma_start3A_289 = arith.constant 0 : i32
        %dma_start3A_290 = tpu.memref_slice %arg2[%dma_start3A_288, %dma_start3A_289] : memref<10000x128xf32, #tpu.memory_space<hbm>> -> memref<10000x128xf32, #tpu.memory_space<hbm>>
        tpu.enqueue_indirect_dma source(%dma_start3A_290 : memref<10000x128xf32, #tpu.memory_space<hbm>>) target(%arg12 : memref<40x128xf32, #tpu.memory_space<vmem>>) offsets(%dma_start3A_287 : memref<40xi32, #tpu.memory_space<vmem>>) semaphore(%arg18 : memref<!tpu.dma_semaphore, #tpu.memory_space<semaphore_mem>>)
      } else {
      }
      %mul3A_255 = arith.constant 6 : i32
      %mul3A_256 = arith.muli %scan3A_140, %mul3A_255 : i32
      %add3A_257 = arith.constant 5 : i32
      %add3A_258 = arith.addi %mul3A_256, %add3A_257 : i32
      %dma_wait3A_259 = arith.constant 0 : i32
      %dma_wait3A_260 = tpu.memref_slice %arg7[%dma_wait3A_259] : memref<10000xi32, #tpu.memory_space<vmem>> -> memref<40xi32, #tpu.memory_space<vmem>>
      %dma_wait3A_261 = arith.constant 0 : i32
      %dma_wait3A_262 = arith.constant 0 : i32
      %dma_wait3A_263 = tpu.memref_slice %arg2[%dma_wait3A_261, %dma_wait3A_262] : memref<10000x128xf32, #tpu.memory_space<hbm>> -> memref<10000x128xf32, #tpu.memory_space<hbm>>
      tpu.wait_indirect_dma semaphore(%arg20 : memref<!tpu.dma_semaphore, #tpu.memory_space<semaphore_mem>>) src(%dma_wait3A_263 : memref<10000x128xf32, #tpu.memory_space<hbm>>) dst(%arg14 : memref<40x128xf32, #tpu.memory_space<vmem>>)
      %mul3A_264 = arith.constant 40 : i32
      %mul3A_265 = arith.muli %add3A_258, %mul3A_264 : i32
      %multiple_of3A_266 = tpu.assume_multiple %mul3A_265, 8 : i32
      %dma_start3A_267 = tpu.memref_slice %arg8[%multiple_of3A_266] : memref<10000xi32, #tpu.memory_space<vmem>> -> memref<40xi32, #tpu.memory_space<vmem>>
      %dma_start3A_268 = arith.constant 0 : i32
      %dma_start3A_269 = arith.constant 0 : i32
      %dma_start3A_270 = tpu.memref_slice %arg6[%dma_start3A_268, %dma_start3A_269] : memref<10000x128xf32, #tpu.memory_space<vmem_shared>> -> memref<10000x128xf32, #tpu.memory_space<vmem_shared>>
      tpu.enqueue_indirect_dma source(%arg14 : memref<40x128xf32, #tpu.memory_space<vmem>>) target(%dma_start3A_270 : memref<10000x128xf32, #tpu.memory_space<vmem_shared>>) offsets(%dma_start3A_267 : memref<40xi32, #tpu.memory_space<vmem>>) semaphore(%arg26 : memref<!tpu.dma_semaphore, #tpu.memory_space<semaphore_mem>>) {add = true}
      %add3A_271 = arith.constant 5 : i32
      %add3A_272 = arith.addi %add3A_258, %add3A_271 : i32
      %lt3A_273 = arith.constant 250 : i32
      %lt3A_274 = arith.cmpi slt, %add3A_272, %lt3A_273 : i32
      %convert_element_type3A_275 = arith.extui %lt3A_274 : i1 to i32
      %cond3A_276 = arith.constant 0 : i32
      %cond3A_277 = arith.cmpi ne, %convert_element_type3A_275, %cond3A_276 : i32
      scf.if %cond3A_277 {
        %ge3A = arith.constant 1 : i32
        %ge3A_278 = arith.cmpi sge, %add3A_258, %ge3A : i32
        %convert_element_type3A_279 = arith.extui %ge3A_278 : i1 to i32
        %cond3A_280 = arith.constant 0 : i32
        %cond3A_281 = arith.cmpi ne, %convert_element_type3A_279, %cond3A_280 : i32
        scf.if %cond3A_281 {
          %dma_wait3A_291 = arith.constant 0 : i32
          %dma_wait3A_292 = tpu.memref_slice %arg8[%dma_wait3A_291] : memref<10000xi32, #tpu.memory_space<vmem>> -> memref<40xi32, #tpu.memory_space<vmem>>
          %dma_wait3A_293 = arith.constant 0 : i32
          %dma_wait3A_294 = arith.constant 0 : i32
          %dma_wait3A_295 = tpu.memref_slice %arg6[%dma_wait3A_293, %dma_wait3A_294] : memref<10000x128xf32, #tpu.memory_space<vmem_shared>> -> memref<10000x128xf32, #tpu.memory_space<vmem_shared>>
          tpu.wait_indirect_dma semaphore(%arg25 : memref<!tpu.dma_semaphore, #tpu.memory_space<semaphore_mem>>) src(%arg13 : memref<40x128xf32, #tpu.memory_space<vmem>>) dst(%dma_wait3A_295 : memref<10000x128xf32, #tpu.memory_space<vmem_shared>>)
        } else {
        }
        %add3A_282 = arith.constant 5 : i32
        %add3A_283 = arith.addi %add3A_258, %add3A_282 : i32
        %mul3A_284 = arith.constant 40 : i32
        %mul3A_285 = arith.muli %add3A_283, %mul3A_284 : i32
        %multiple_of3A_286 = tpu.assume_multiple %mul3A_285, 8 : i32
        %dma_start3A_287 = tpu.memref_slice %arg7[%multiple_of3A_286] : memref<10000xi32, #tpu.memory_space<vmem>> -> memref<40xi32, #tpu.memory_space<vmem>>
        %dma_start3A_288 = arith.constant 0 : i32
        %dma_start3A_289 = arith.constant 0 : i32
        %dma_start3A_290 = tpu.memref_slice %arg2[%dma_start3A_288, %dma_start3A_289] : memref<10000x128xf32, #tpu.memory_space<hbm>> -> memref<10000x128xf32, #tpu.memory_space<hbm>>
        tpu.enqueue_indirect_dma source(%dma_start3A_290 : memref<10000x128xf32, #tpu.memory_space<hbm>>) target(%arg13 : memref<40x128xf32, #tpu.memory_space<vmem>>) offsets(%dma_start3A_287 : memref<40xi32, #tpu.memory_space<vmem>>) semaphore(%arg19 : memref<!tpu.dma_semaphore, #tpu.memory_space<semaphore_mem>>)
      } else {
      }
    }
    %scan3A_64 = arith.constant 41 : i32
    %dma_wait3A_65 = arith.constant 0 : i32
    %dma_wait3A_66 = tpu.memref_slice %arg7[%dma_wait3A_65] : memref<10000xi32, #tpu.memory_space<vmem>> -> memref<40xi32, #tpu.memory_space<vmem>>
    %dma_wait3A_67 = arith.constant 0 : i32
    %dma_wait3A_68 = arith.constant 0 : i32
    %dma_wait3A_69 = tpu.memref_slice %arg2[%dma_wait3A_67, %dma_wait3A_68] : memref<10000x128xf32, #tpu.memory_space<hbm>> -> memref<10000x128xf32, #tpu.memory_space<hbm>>
    tpu.wait_indirect_dma semaphore(%arg15 : memref<!tpu.dma_semaphore, #tpu.memory_space<semaphore_mem>>) src(%dma_wait3A_69 : memref<10000x128xf32, #tpu.memory_space<hbm>>) dst(%arg9 : memref<40x128xf32, #tpu.memory_space<vmem>>)
    %multiple_of3A_70 = arith.constant 9840 : i32
    %multiple_of3A_71 = tpu.assume_multiple %multiple_of3A_70, 8 : i32
    %dma_start3A_72 = tpu.memref_slice %arg8[%multiple_of3A_71] : memref<10000xi32, #tpu.memory_space<vmem>> -> memref<40xi32, #tpu.memory_space<vmem>>
    %dma_start3A_73 = arith.constant 0 : i32
    %dma_start3A_74 = arith.constant 0 : i32
    %dma_start3A_75 = tpu.memref_slice %arg6[%dma_start3A_73, %dma_start3A_74] : memref<10000x128xf32, #tpu.memory_space<vmem_shared>> -> memref<10000x128xf32, #tpu.memory_space<vmem_shared>>
    tpu.enqueue_indirect_dma source(%arg9 : memref<40x128xf32, #tpu.memory_space<vmem>>) target(%dma_start3A_75 : memref<10000x128xf32, #tpu.memory_space<vmem_shared>>) offsets(%dma_start3A_72 : memref<40xi32, #tpu.memory_space<vmem>>) semaphore(%arg21 : memref<!tpu.dma_semaphore, #tpu.memory_space<semaphore_mem>>) {add = true}
    %dma_wait3A_76 = arith.constant 0 : i32
    %dma_wait3A_77 = tpu.memref_slice %arg7[%dma_wait3A_76] : memref<10000xi32, #tpu.memory_space<vmem>> -> memref<40xi32, #tpu.memory_space<vmem>>
    %dma_wait3A_78 = arith.constant 0 : i32
    %dma_wait3A_79 = arith.constant 0 : i32
    %dma_wait3A_80 = tpu.memref_slice %arg2[%dma_wait3A_78, %dma_wait3A_79] : memref<10000x128xf32, #tpu.memory_space<hbm>> -> memref<10000x128xf32, #tpu.memory_space<hbm>>
    tpu.wait_indirect_dma semaphore(%arg16 : memref<!tpu.dma_semaphore, #tpu.memory_space<semaphore_mem>>) src(%dma_wait3A_80 : memref<10000x128xf32, #tpu.memory_space<hbm>>) dst(%arg10 : memref<40x128xf32, #tpu.memory_space<vmem>>)
    %multiple_of3A_81 = arith.constant 9880 : i32
    %multiple_of3A_82 = tpu.assume_multiple %multiple_of3A_81, 8 : i32
    %dma_start3A_83 = tpu.memref_slice %arg8[%multiple_of3A_82] : memref<10000xi32, #tpu.memory_space<vmem>> -> memref<40xi32, #tpu.memory_space<vmem>>
    %dma_start3A_84 = arith.constant 0 : i32
    %dma_start3A_85 = arith.constant 0 : i32
    %dma_start3A_86 = tpu.memref_slice %arg6[%dma_start3A_84, %dma_start3A_85] : memref<10000x128xf32, #tpu.memory_space<vmem_shared>> -> memref<10000x128xf32, #tpu.memory_space<vmem_shared>>
    tpu.enqueue_indirect_dma source(%arg10 : memref<40x128xf32, #tpu.memory_space<vmem>>) target(%dma_start3A_86 : memref<10000x128xf32, #tpu.memory_space<vmem_shared>>) offsets(%dma_start3A_83 : memref<40xi32, #tpu.memory_space<vmem>>) semaphore(%arg22 : memref<!tpu.dma_semaphore, #tpu.memory_space<semaphore_mem>>) {add = true}
    %dma_wait3A_87 = arith.constant 0 : i32
    %dma_wait3A_88 = tpu.memref_slice %arg7[%dma_wait3A_87] : memref<10000xi32, #tpu.memory_space<vmem>> -> memref<40xi32, #tpu.memory_space<vmem>>
    %dma_wait3A_89 = arith.constant 0 : i32
    %dma_wait3A_90 = arith.constant 0 : i32
    %dma_wait3A_91 = tpu.memref_slice %arg2[%dma_wait3A_89, %dma_wait3A_90] : memref<10000x128xf32, #tpu.memory_space<hbm>> -> memref<10000x128xf32, #tpu.memory_space<hbm>>
    tpu.wait_indirect_dma semaphore(%arg17 : memref<!tpu.dma_semaphore, #tpu.memory_space<semaphore_mem>>) src(%dma_wait3A_91 : memref<10000x128xf32, #tpu.memory_space<hbm>>) dst(%arg11 : memref<40x128xf32, #tpu.memory_space<vmem>>)
    %multiple_of3A_92 = arith.constant 9920 : i32
    %multiple_of3A_93 = tpu.assume_multiple %multiple_of3A_92, 8 : i32
    %dma_start3A_94 = tpu.memref_slice %arg8[%multiple_of3A_93] : memref<10000xi32, #tpu.memory_space<vmem>> -> memref<40xi32, #tpu.memory_space<vmem>>
    %dma_start3A_95 = arith.constant 0 : i32
    %dma_start3A_96 = arith.constant 0 : i32
    %dma_start3A_97 = tpu.memref_slice %arg6[%dma_start3A_95, %dma_start3A_96] : memref<10000x128xf32, #tpu.memory_space<vmem_shared>> -> memref<10000x128xf32, #tpu.memory_space<vmem_shared>>
    tpu.enqueue_indirect_dma source(%arg11 : memref<40x128xf32, #tpu.memory_space<vmem>>) target(%dma_start3A_97 : memref<10000x128xf32, #tpu.memory_space<vmem_shared>>) offsets(%dma_start3A_94 : memref<40xi32, #tpu.memory_space<vmem>>) semaphore(%arg23 : memref<!tpu.dma_semaphore, #tpu.memory_space<semaphore_mem>>) {add = true}
    %dma_wait3A_98 = arith.constant 0 : i32
    %dma_wait3A_99 = tpu.memref_slice %arg7[%dma_wait3A_98] : memref<10000xi32, #tpu.memory_space<vmem>> -> memref<40xi32, #tpu.memory_space<vmem>>
    %dma_wait3A_100 = arith.constant 0 : i32
    %dma_wait3A_101 = arith.constant 0 : i32
    %dma_wait3A_102 = tpu.memref_slice %arg2[%dma_wait3A_100, %dma_wait3A_101] : memref<10000x128xf32, #tpu.memory_space<hbm>> -> memref<10000x128xf32, #tpu.memory_space<hbm>>
    tpu.wait_indirect_dma semaphore(%arg18 : memref<!tpu.dma_semaphore, #tpu.memory_space<semaphore_mem>>) src(%dma_wait3A_102 : memref<10000x128xf32, #tpu.memory_space<hbm>>) dst(%arg12 : memref<40x128xf32, #tpu.memory_space<vmem>>)
    %multiple_of3A_103 = arith.constant 9960 : i32
    %multiple_of3A_104 = tpu.assume_multiple %multiple_of3A_103, 8 : i32
    %dma_start3A_105 = tpu.memref_slice %arg8[%multiple_of3A_104] : memref<10000xi32, #tpu.memory_space<vmem>> -> memref<40xi32, #tpu.memory_space<vmem>>
    %dma_start3A_106 = arith.constant 0 : i32
    %dma_start3A_107 = arith.constant 0 : i32
    %dma_start3A_108 = tpu.memref_slice %arg6[%dma_start3A_106, %dma_start3A_107] : memref<10000x128xf32, #tpu.memory_space<vmem_shared>> -> memref<10000x128xf32, #tpu.memory_space<vmem_shared>>
    tpu.enqueue_indirect_dma source(%arg12 : memref<40x128xf32, #tpu.memory_space<vmem>>) target(%dma_start3A_108 : memref<10000x128xf32, #tpu.memory_space<vmem_shared>>) offsets(%dma_start3A_105 : memref<40xi32, #tpu.memory_space<vmem>>) semaphore(%arg24 : memref<!tpu.dma_semaphore, #tpu.memory_space<semaphore_mem>>) {add = true}
    %dma_wait3A_109 = arith.constant 0 : i32
    %dma_wait3A_110 = tpu.memref_slice %arg8[%dma_wait3A_109] : memref<10000xi32, #tpu.memory_space<vmem>> -> memref<40xi32, #tpu.memory_space<vmem>>
    %dma_wait3A_111 = arith.constant 0 : i32
    %dma_wait3A_112 = arith.constant 0 : i32
    %dma_wait3A_113 = tpu.memref_slice %arg6[%dma_wait3A_111, %dma_wait3A_112] : memref<10000x128xf32, #tpu.memory_space<vmem_shared>> -> memref<10000x128xf32, #tpu.memory_space<vmem_shared>>
    tpu.wait_indirect_dma semaphore(%arg21 : memref<!tpu.dma_semaphore, #tpu.memory_space<semaphore_mem>>) src(%arg9 : memref<40x128xf32, #tpu.memory_space<vmem>>) dst(%dma_wait3A_113 : memref<10000x128xf32, #tpu.memory_space<vmem_shared>>)
    %dma_wait3A_114 = arith.constant 0 : i32
    %dma_wait3A_115 = tpu.memref_slice %arg8[%dma_wait3A_114] : memref<10000xi32, #tpu.memory_space<vmem>> -> memref<40xi32, #tpu.memory_space<vmem>>
    %dma_wait3A_116 = arith.constant 0 : i32
    %dma_wait3A_117 = arith.constant 0 : i32
    %dma_wait3A_118 = tpu.memref_slice %arg6[%dma_wait3A_116, %dma_wait3A_117] : memref<10000x128xf32, #tpu.memory_space<vmem_shared>> -> memref<10000x128xf32, #tpu.memory_space<vmem_shared>>
    tpu.wait_indirect_dma semaphore(%arg22 : memref<!tpu.dma_semaphore, #tpu.memory_space<semaphore_mem>>) src(%arg10 : memref<40x128xf32, #tpu.memory_space<vmem>>) dst(%dma_wait3A_118 : memref<10000x128xf32, #tpu.memory_space<vmem_shared>>)
    %dma_wait3A_119 = arith.constant 0 : i32
    %dma_wait3A_120 = tpu.memref_slice %arg8[%dma_wait3A_119] : memref<10000xi32, #tpu.memory_space<vmem>> -> memref<40xi32, #tpu.memory_space<vmem>>
    %dma_wait3A_121 = arith.constant 0 : i32
    %dma_wait3A_122 = arith.constant 0 : i32
    %dma_wait3A_123 = tpu.memref_slice %arg6[%dma_wait3A_121, %dma_wait3A_122] : memref<10000x128xf32, #tpu.memory_space<vmem_shared>> -> memref<10000x128xf32, #tpu.memory_space<vmem_shared>>
    tpu.wait_indirect_dma semaphore(%arg23 : memref<!tpu.dma_semaphore, #tpu.memory_space<semaphore_mem>>) src(%arg11 : memref<40x128xf32, #tpu.memory_space<vmem>>) dst(%dma_wait3A_123 : memref<10000x128xf32, #tpu.memory_space<vmem_shared>>)
    %dma_wait3A_124 = arith.constant 0 : i32
    %dma_wait3A_125 = tpu.memref_slice %arg8[%dma_wait3A_124] : memref<10000xi32, #tpu.memory_space<vmem>> -> memref<40xi32, #tpu.memory_space<vmem>>
    %dma_wait3A_126 = arith.constant 0 : i32
    %dma_wait3A_127 = arith.constant 0 : i32
    %dma_wait3A_128 = tpu.memref_slice %arg6[%dma_wait3A_126, %dma_wait3A_127] : memref<10000x128xf32, #tpu.memory_space<vmem_shared>> -> memref<10000x128xf32, #tpu.memory_space<vmem_shared>>
    tpu.wait_indirect_dma semaphore(%arg24 : memref<!tpu.dma_semaphore, #tpu.memory_space<semaphore_mem>>) src(%arg12 : memref<40x128xf32, #tpu.memory_space<vmem>>) dst(%dma_wait3A_128 : memref<10000x128xf32, #tpu.memory_space<vmem_shared>>)
    %dma_wait3A_129 = arith.constant 0 : i32
    %dma_wait3A_130 = tpu.memref_slice %arg8[%dma_wait3A_129] : memref<10000xi32, #tpu.memory_space<vmem>> -> memref<40xi32, #tpu.memory_space<vmem>>
    %dma_wait3A_131 = arith.constant 0 : i32
    %dma_wait3A_132 = arith.constant 0 : i32
    %dma_wait3A_133 = tpu.memref_slice %arg6[%dma_wait3A_131, %dma_wait3A_132] : memref<10000x128xf32, #tpu.memory_space<vmem_shared>> -> memref<10000x128xf32, #tpu.memory_space<vmem_shared>>
    tpu.wait_indirect_dma semaphore(%arg25 : memref<!tpu.dma_semaphore, #tpu.memory_space<semaphore_mem>>) src(%arg13 : memref<40x128xf32, #tpu.memory_space<vmem>>) dst(%dma_wait3A_133 : memref<10000x128xf32, #tpu.memory_space<vmem_shared>>)
    %dma_wait3A_134 = arith.constant 0 : i32
    %dma_wait3A_135 = tpu.memref_slice %arg8[%dma_wait3A_134] : memref<10000xi32, #tpu.memory_space<vmem>> -> memref<40xi32, #tpu.memory_space<vmem>>
    %dma_wait3A_136 = arith.constant 0 : i32
    %dma_wait3A_137 = arith.constant 0 : i32
    %dma_wait3A_138 = tpu.memref_slice %arg6[%dma_wait3A_136, %dma_wait3A_137] : memref<10000x128xf32, #tpu.memory_space<vmem_shared>> -> memref<10000x128xf32, #tpu.memory_space<vmem_shared>>
    tpu.wait_indirect_dma semaphore(%arg26 : memref<!tpu.dma_semaphore, #tpu.memory_space<semaphore_mem>>) src(%arg14 : memref<40x128xf32, #tpu.memory_space<vmem>>) dst(%dma_wait3A_138 : memref<10000x128xf32, #tpu.memory_space<vmem_shared>>)
    %barrier3A_139 = arith.constant 0 : index
    tpu.barrier barrier_id(%barrier3A_139)
    "tpu.region"() ({
      %run_scoped3A = tpu.sem_alloc : memref<!tpu.dma_semaphore, #tpu.memory_space<semaphore_mem>>
      %dma_start3A_140 = arith.constant 0 : i32
      %dma_start3A_141 = tpu.memref_slice %arg5[%arg0, %mul3A_2, %dma_start3A_140] : memref<2x10000x128xf32, #tpu.memory_space<hbm>> -> memref<1x625x128xf32, #tpu.memory_space<hbm>>
      %dma_start3A_142 = tpu.memref_squeeze %dma_start3A_141 : memref<1x625x128xf32, #tpu.memory_space<hbm>> -> memref<625x128xf32, #tpu.memory_space<hbm>>
      %dma_start3A_143 = arith.constant 0 : i32
      %dma_start3A_144 = tpu.memref_slice %arg6[%mul3A_2, %dma_start3A_143] : memref<10000x128xf32, #tpu.memory_space<vmem_shared>> -> memref<625x128xf32, #tpu.memory_space<vmem_shared>>
      tpu.enqueue_dma source(%dma_start3A_144 : memref<625x128xf32, #tpu.memory_space<vmem_shared>>) target(%dma_start3A_142 : memref<625x128xf32, #tpu.memory_space<hbm>>) target_semaphore(%run_scoped3A : memref<!tpu.dma_semaphore, #tpu.memory_space<semaphore_mem>>)
      %dma_wait3A_145 = arith.constant 0 : i32
      %dma_wait3A_146 = tpu.memref_slice %arg5[%arg0, %mul3A_2, %dma_wait3A_145] : memref<2x10000x128xf32, #tpu.memory_space<hbm>> -> memref<1x625x128xf32, #tpu.memory_space<hbm>>
      %dma_wait3A_147 = tpu.memref_squeeze %dma_wait3A_146 : memref<1x625x128xf32, #tpu.memory_space<hbm>> -> memref<625x128xf32, #tpu.memory_space<hbm>>
      %dma_wait3A_148 = arith.constant 0 : i32
      %dma_wait3A_149 = tpu.memref_slice %arg6[%mul3A_2, %dma_wait3A_148] : memref<10000x128xf32, #tpu.memory_space<vmem_shared>> -> memref<625x128xf32, #tpu.memory_space<vmem_shared>>
      tpu.wait_dma2 semaphore(%run_scoped3A : memref<!tpu.dma_semaphore, #tpu.memory_space<semaphore_mem>>) src(%dma_wait3A_149 : memref<625x128xf32, #tpu.memory_space<vmem_shared>>) dst(%dma_wait3A_147 : memref<625x128xf32, #tpu.memory_space<hbm>>)
      tpu.yield
    }) : () -> ()
    return
  }
}

module attributes {stable_mosaic.version = 14 : i64} {
  func.func @_mm_split_body(%arg0: i32, %arg1: memref<10000x128xf32, #tpu.memory_space<vmem>>, %arg2: memref<128x128xf32, #tpu.memory_space<vmem>>, %arg3: memref<128x128xf32, #tpu.memory_space<vmem>>, %arg4: memref<1x128xf32, #tpu.memory_space<vmem>>, %arg5: memref<10000x128xf32, #tpu.memory_space<vmem>>, %arg6: memref<10000x128xf32, #tpu.memory_space<vmem>>) attributes {dimension_semantics = [#tpu.dimension_semantics<arbitrary>], iteration_bounds = array<i64: 1>, scalar_prefetch = 0 : i64, scratch_operands = 0 : i64, tpu.core_type = #tpu.core_type<tc>, window_params = [{transform_indices = @transform_0, window_bounds = array<i64: 10000, 128>}, {pipeline_mode = #tpu.pipeline_mode<synchronous>, transform_indices = @transform_1, window_bounds = array<i64: 128, 128>}, {pipeline_mode = #tpu.pipeline_mode<synchronous>, transform_indices = @transform_2, window_bounds = array<i64: 128, 128>}, {pipeline_mode = #tpu.pipeline_mode<synchronous>, transform_indices = @transform_3, window_bounds = array<i64: 1, 128>}, {transform_indices = @transform_4, window_bounds = array<i64: 10000, 128>}, {transform_indices = @transform_5, window_bounds = array<i64: 10000, 128>}]} {
    %get3A = arith.constant 0 : index
    %get3A_0 = arith.constant 0 : index
    %get3A_1 = vector.load %arg1[%get3A, %get3A_0] : memref<10000x128xf32, #tpu.memory_space<vmem>>, vector<10000x128xf32>
    %get3A_2 = arith.constant 0 : index
    %get3A_3 = arith.constant 0 : index
    %get3A_4 = vector.load %arg2[%get3A_2, %get3A_3] : memref<128x128xf32, #tpu.memory_space<vmem>>, vector<128x128xf32>
    %dot_general3A = arith.constant dense<0.000000e+00> : vector<10000x128xf32>
    %dot_general3A_5 = tpu.matmul %get3A_1, %get3A_4, %dot_general3A {dimension_numbers = #tpu.dot_dimension_numbers<[1], [1], [0], [0], [0, 0, 1, 0], [], []>, transpose_lhs_hint = false} : vector<10000x128xf32>, vector<128x128xf32>, vector<10000x128xf32> -> vector<10000x128xf32>
    %swap3A = arith.constant 0 : index
    %swap3A_6 = arith.constant 0 : index
    %swap3A_7 = vector.load %arg5[%swap3A, %swap3A_6] : memref<10000x128xf32, #tpu.memory_space<vmem>>, vector<10000x128xf32>
    tpu.vector_store %arg5[%swap3A, %swap3A_6], %dot_general3A_5 {strides = array<i32>} : memref<10000x128xf32, #tpu.memory_space<vmem>>, vector<10000x128xf32>,
    %get3A_8 = arith.constant 0 : index
    %get3A_9 = arith.constant 0 : index
    %get3A_10 = vector.load %arg3[%get3A_8, %get3A_9] : memref<128x128xf32, #tpu.memory_space<vmem>>, vector<128x128xf32>
    %dot_general3A_11 = arith.constant dense<0.000000e+00> : vector<10000x128xf32>
    %dot_general3A_12 = tpu.matmul %get3A_1, %get3A_10, %dot_general3A_11 {dimension_numbers = #tpu.dot_dimension_numbers<[1], [1], [0], [0], [0, 0, 1, 0], [], []>, transpose_lhs_hint = false} : vector<10000x128xf32>, vector<128x128xf32>, vector<10000x128xf32> -> vector<10000x128xf32>
    %get3A_13 = arith.constant 0 : index
    %get3A_14 = arith.constant 0 : index
    %get3A_15 = vector.load %arg4[%get3A_13, %get3A_14] : memref<1x128xf32, #tpu.memory_space<vmem>>, vector<1x128xf32>
    %add3A = vector.broadcast %get3A_15 : vector<1x128xf32> to vector<10000x128xf32>
    %add3A_16 = arith.addf %dot_general3A_12, %add3A : vector<10000x128xf32>
    %swap3A_17 = arith.constant 0 : index
    %swap3A_18 = arith.constant 0 : index
    %swap3A_19 = vector.load %arg6[%swap3A_17, %swap3A_18] : memref<10000x128xf32, #tpu.memory_space<vmem>>, vector<10000x128xf32>
    tpu.vector_store %arg6[%swap3A_17, %swap3A_18], %add3A_16 {strides = array<i32>} : memref<10000x128xf32, #tpu.memory_space<vmem>>, vector<10000x128xf32>,
    return
  }
  func.func @transform_0(%arg0: i32) -> (i32, i32) {
    %c0_i32 = arith.constant 0 : i32
    %c0_i32_0 = arith.constant 0 : i32
    return %arg0, %c0_i32 : i32, i32
  }
  func.func @transform_1(%arg0: i32) -> (i32, i32) {
    %c0_i32 = arith.constant 0 : i32
    %c0_i32_0 = arith.constant 0 : i32
    %c0_i32_1 = arith.constant 0 : i32
    return %c0_i32, %c0_i32_0 : i32, i32
  }
  func.func @transform_2(%arg0: i32) -> (i32, i32) {
    %c0_i32 = arith.constant 0 : i32
    %c0_i32_0 = arith.constant 0 : i32
    %c0_i32_1 = arith.constant 0 : i32
    return %c0_i32, %c0_i32_0 : i32, i32
  }
  func.func @transform_3(%arg0: i32) -> (i32, i32) {
    %c0_i32 = arith.constant 0 : i32
    %c0_i32_0 = arith.constant 0 : i32
    %c0_i32_1 = arith.constant 0 : i32
    return %c0_i32, %c0_i32_0 : i32, i32
  }
  func.func @transform_4(%arg0: i32) -> (i32, i32) {
    %c0_i32 = arith.constant 0 : i32
    %c0_i32_0 = arith.constant 0 : i32
    return %arg0, %c0_i32 : i32, i32
  }
  func.func @transform_5(%arg0: i32) -> (i32, i32) {
    %c0_i32 = arith.constant 0 : i32
    %c0_i32_0 = arith.constant 0 : i32
    return %arg0, %c0_i32 : i32, i32
  }
}

module attributes {stable_mosaic.version = 14 : i64} {
  func.func @_layer2_body(%arg0: i32, %arg1: memref<2x10000x128xf32, #tpu.memory_space<vmem>>, %arg2: memref<64x128xf32, #tpu.memory_space<vmem>>, %arg3: memref<64x128xf32, #tpu.memory_space<vmem>>, %arg4: memref<1x64xf32, #tpu.memory_space<vmem>>, %arg5: memref<10000x128xf32, #tpu.memory_space<vmem>>) attributes {dimension_semantics = [#tpu.dimension_semantics<arbitrary>], iteration_bounds = array<i64: 1>, scalar_prefetch = 0 : i64, scratch_operands = 0 : i64, tpu.core_type = #tpu.core_type<tc>, window_params = [{transform_indices = @transform_0, window_bounds = array<i64: 2, 10000, 128>}, {pipeline_mode = #tpu.pipeline_mode<synchronous>, transform_indices = @transform_1, window_bounds = array<i64: 64, 128>}, {pipeline_mode = #tpu.pipeline_mode<synchronous>, transform_indices = @transform_2, window_bounds = array<i64: 64, 128>}, {pipeline_mode = #tpu.pipeline_mode<synchronous>, transform_indices = @transform_3, window_bounds = array<i64: 1, 64>}, {transform_indices = @transform_4, window_bounds = array<i64: 10000, 128>}]} {
    %get3A = arith.constant 0 : index
    %get3A_0 = arith.constant 0 : index
    %get3A_1 = arith.constant 0 : index
    %get3A_2 = vector.load %arg1[%get3A, %get3A_0, %get3A_1] : memref<2x10000x128xf32, #tpu.memory_space<vmem>>, vector<1x10000x128xf32>
    %get3A_3 = vector.shape_cast %get3A_2 : vector<1x10000x128xf32> to vector<10000x128xf32>
    %get3A_4 = arith.constant 1 : index
    %get3A_5 = arith.constant 0 : index
    %get3A_6 = arith.constant 0 : index
    %get3A_7 = vector.load %arg1[%get3A_4, %get3A_5, %get3A_6] : memref<2x10000x128xf32, #tpu.memory_space<vmem>>, vector<1x10000x128xf32>
    %get3A_8 = vector.shape_cast %get3A_7 : vector<1x10000x128xf32> to vector<10000x128xf32>
    %add3A = arith.addf %get3A_3, %get3A_8 : vector<10000x128xf32>
    %max3A = arith.constant 0.000000e+00 : f32
    %max3A_9 = vector.broadcast %max3A : f32 to vector<10000x128xf32>
    %max3A_10 = arith.maximumf %add3A, %max3A_9 : vector<10000x128xf32>
    %get3A_11 = arith.constant 0 : index
    %get3A_12 = arith.constant 0 : index
    %get3A_13 = vector.load %arg2[%get3A_11, %get3A_12] : memref<64x128xf32, #tpu.memory_space<vmem>>, vector<64x128xf32>
    %dot_general3A = arith.constant dense<0.000000e+00> : vector<10000x64xf32>
    %dot_general3A_14 = tpu.matmul %max3A_10, %get3A_13, %dot_general3A {dimension_numbers = #tpu.dot_dimension_numbers<[1], [1], [0], [0], [0, 0, 1, 0], [], []>, transpose_lhs_hint = false} : vector<10000x128xf32>, vector<64x128xf32>, vector<10000x64xf32> -> vector<10000x64xf32>
    %swap3A = arith.constant 0 : index
    %swap3A_15 = arith.constant 0 : index
    %swap3A_16 = vector.load %arg5[%swap3A, %swap3A_15] : memref<10000x128xf32, #tpu.memory_space<vmem>>, vector<10000x64xf32>
    tpu.vector_store %arg5[%swap3A, %swap3A_15], %dot_general3A_14 {strides = array<i32>} : memref<10000x128xf32, #tpu.memory_space<vmem>>, vector<10000x64xf32>,
    %get3A_17 = arith.constant 0 : index
    %get3A_18 = arith.constant 0 : index
    %get3A_19 = vector.load %arg3[%get3A_17, %get3A_18] : memref<64x128xf32, #tpu.memory_space<vmem>>, vector<64x128xf32>
    %dot_general3A_20 = arith.constant dense<0.000000e+00> : vector<10000x64xf32>
    %dot_general3A_21 = tpu.matmul %max3A_10, %get3A_19, %dot_general3A_20 {dimension_numbers = #tpu.dot_dimension_numbers<[1], [1], [0], [0], [0, 0, 1, 0], [], []>, transpose_lhs_hint = false} : vector<10000x128xf32>, vector<64x128xf32>, vector<10000x64xf32> -> vector<10000x64xf32>
    %get3A_22 = arith.constant 0 : index
    %get3A_23 = arith.constant 0 : index
    %get3A_24 = vector.load %arg4[%get3A_22, %get3A_23] : memref<1x64xf32, #tpu.memory_space<vmem>>, vector<1x64xf32>
    %add3A_25 = vector.broadcast %get3A_24 : vector<1x64xf32> to vector<10000x64xf32>
    %add3A_26 = arith.addf %dot_general3A_21, %add3A_25 : vector<10000x64xf32>
    %swap3A_27 = arith.constant 0 : index
    %swap3A_28 = arith.constant 64 : index
    %swap3A_29 = vector.load %arg5[%swap3A_27, %swap3A_28] : memref<10000x128xf32, #tpu.memory_space<vmem>>, vector<10000x64xf32>
    tpu.vector_store %arg5[%swap3A_27, %swap3A_28], %add3A_26 {strides = array<i32>} : memref<10000x128xf32, #tpu.memory_space<vmem>>, vector<10000x64xf32>,
    return
  }
  func.func @transform_0(%arg0: i32) -> (i32, i32, i32) {
    %c0_i32 = arith.constant 0 : i32
    %c0_i32_0 = arith.constant 0 : i32
    %c0_i32_1 = arith.constant 0 : i32
    return %c0_i32, %arg0, %c0_i32_0 : i32, i32, i32
  }
  func.func @transform_1(%arg0: i32) -> (i32, i32) {
    %c0_i32 = arith.constant 0 : i32
    %c0_i32_0 = arith.constant 0 : i32
    %c0_i32_1 = arith.constant 0 : i32
    return %c0_i32, %c0_i32_0 : i32, i32
  }
  func.func @transform_2(%arg0: i32) -> (i32, i32) {
    %c0_i32 = arith.constant 0 : i32
    %c0_i32_0 = arith.constant 0 : i32
    %c0_i32_1 = arith.constant 0 : i32
    return %c0_i32, %c0_i32_0 : i32, i32
  }
  func.func @transform_3(%arg0: i32) -> (i32, i32) {
    %c0_i32 = arith.constant 0 : i32
    %c0_i32_0 = arith.constant 0 : i32
    %c0_i32_1 = arith.constant 0 : i32
    return %c0_i32, %c0_i32_0 : i32, i32
  }
  func.func @transform_4(%arg0: i32) -> (i32, i32) {
    %c0_i32 = arith.constant 0 : i32
    %c0_i32_0 = arith.constant 0 : i32
    return %arg0, %c0_i32 : i32, i32
  }
}

module attributes {stable_mosaic.version = 14 : i64} {
  func.func @_combine_body(%arg0: memref<2x5000x128xf32, #tpu.memory_space<vmem>>, %arg1: memref<5000x128xf32, #tpu.memory_space<vmem>>) attributes {dimension_semantics = [], scalar_prefetch = 0 : i64, scratch_operands = 0 : i64, tpu.core_type = #tpu.core_type<tc>} {
    %get3A = arith.constant 0 : index
    %get3A_0 = arith.constant 0 : index
    %get3A_1 = arith.constant 0 : index
    %get3A_2 = vector.load %arg0[%get3A, %get3A_0, %get3A_1] : memref<2x5000x128xf32, #tpu.memory_space<vmem>>, vector<1x5000x128xf32>
    %get3A_3 = vector.shape_cast %get3A_2 : vector<1x5000x128xf32> to vector<5000x128xf32>
    %get3A_4 = arith.constant 1 : index
    %get3A_5 = arith.constant 0 : index
    %get3A_6 = arith.constant 0 : index
    %get3A_7 = vector.load %arg0[%get3A_4, %get3A_5, %get3A_6] : memref<2x5000x128xf32, #tpu.memory_space<vmem>>, vector<1x5000x128xf32>
    %get3A_8 = vector.shape_cast %get3A_7 : vector<1x5000x128xf32> to vector<5000x128xf32>
    %add3A = arith.addf %get3A_3, %get3A_8 : vector<5000x128xf32>
    %swap3A = arith.constant 0 : index
    %swap3A_9 = arith.constant 0 : index
    %swap3A_10 = vector.load %arg1[%swap3A, %swap3A_9] : memref<5000x128xf32, #tpu.memory_space<vmem>>, vector<5000x128xf32>
    tpu.vector_store %arg1[%swap3A, %swap3A_9], %add3A {strides = array<i32>} : memref<5000x128xf32, #tpu.memory_space<vmem>>, vector<5000x128xf32>,
    return
  }
}

</mosaic_0001>

<sc_bundles>
// kernel: kernel.10.cloned.1.call-start
scs
__scs_entry_jumppad:
0x0: {  	(pc) =	sbr.rel $0x88, $3  }
0x1: {  	(tag) =	ssettag $0x0;
	lr =	simm.s32 $0x1  }
0x2: {  	[smem:$0x3F99] =	sst lr;
	_ =	strace $0xD0000000  }
0x3: {  	_ = 	snop  }
0x4: {  	_ = 	snop  }
0x5: {  	_ = 	snop  }
0x6: {  	_ = 	snop  }
0x7: {  	_ = 	snop  }
__scs_overlays_trampoline_lowered:
0x8: {  	[smem:$0x3FA8] =	sst s0  }
0x9: {  	[smem:$0x3FA9] =	sst s1  }
0xa: {  	[smem:$0x3FAA] =	sst s2  }
0xb: {  	[smem:$0x3FAB] =	sst s3  }
0xc: {  	[smem:$0x3FAC] =	sst s4  }
0xd: {  	[smem:$0x3FAD] =	sst s5  }
0xe: {  	[smem:$0x3FAE] =	sst s6  }
0xf: {  	[smem:$0x3FAF] =	sst s7  }
0x10: {  	[smem:$0x3FB0] =	sst s8  }
0x11: {  	[smem:$0x3FB1] =	sst s9;
	s0 =	simm.s32 @!p0 $0x0  }
0x12: {  	s1 =	sld [smem:$0x3F97];
	s0 =	simm.s32 @p0 $0x1  }
0x13: {  	[smem:$0x3FB2] =	sst s0;
	s0 =	simm.s32 @!p1 $0x0  }
0x14: {  	s2 =	sld [smem:$0x3F96];
	s0 =	simm.s32 @p1 $0x1  }
0x15: {  	[smem:$0x3FB3] =	sst s0;
	s0 =	simm.s32 @!p2 $0x0  }
0x16: {  	s3 =	sld [smem:$0x3FDB];
	s0 =	simm.s32 @p2 $0x1  }
0x17: {  	s4 =	simm.s32 $0x1BF5;
	[smem:$0x3FB5] =	sst s0  }
0x18: {  	s0 =	sld [smem:$0x3F98];
	_ =	swait.ge [sflag:s4], $0x0  }
0x19: {  	s7 =	sld [smem:$0x3F99]  }
0x1a: {  	s8 =	sadd.s32 $0xFFFFE003, lr  }
0x1b: {  	s9 =	sadd.s32 $0xFFFFFEF7, lr;
	s5 =	simm.s32 $0xFFFFFFFF;
	p2 =	slt.u32 s8, $0xFFFFF086  }
0x1c: {  	p1 =	slt.u32 s9, $0xF7A;
	s5 =	simm.s32 @!p2 $0x0  }
0x1d: {  	s5 =	simm.s32 @p1 $0x1;
	p0 =	seq.s32 s7, s2  }
0x1e: {  	s7 =	smul.u32 @!p0 $0xF7A, s2;
	p2 =	seq.s32 @!p0 s5, $0x0  }
0x1f: {  	s9 =	smul.u32 $0xF7A, s1;
	s8 =	simm.s32 @!p0 $0x1BF5;
	p2 =	por !p2, p0  }
0x20: {  	[sflag:s8] =	ssyncset.s32 @!p0 $0xFFFFF086;
	s6 =	sadd.s32 @!p0 s3, s7;
	s7 =	simm.s32 @!p0 $0x108  }
0x21: {  	s3 =	sadd.s32 s3, s9;
	s6 =	sadd.s32 @!p0 $0x88, s6;
	s7 =	simm.s32 @p2 $0x1082  }
0x22: {  	[simem:s7], [sflag:s8] =	dma.local @!p0 [hbm:s6], $0xF7A  }
0x23: {  	s9 =	sor.u32 $0xD0000000, s2;
	s6 =	simm.s32 $0x108;
	_ =	swait.ge @!p0 [sflag:s8], $0x0  }
0x24: {  	s3 =	sadd.s32 $0x88, s3;
	s6 =	simm.s32 @!p1 $0x1082;
	[sflag:s4] =	ssyncset.s32 $0xFFFFF086  }
0x25: {  	[simem:s6], [sflag:s4] =	dma.local [hbm:s3], $0xF7A  }
0x26: {  	[smem:$0x3F99] =	sst s1;
	(tag) =	ssettag s2;
	_ =	strace s9  }
0x27: {  	s1 =	sld [smem:$0x3FA9]  }
0x28: {  	s2 =	sld [smem:$0x3FAA]  }
0x29: {  	s4 =	sld [smem:$0x3FAC]  }
0x2a: {  	p0 =	seq.s32 s5, $0x0;
	s5 =	sld [smem:$0x3FAD]  }
0x2b: {  	s6 =	sld [smem:$0x3FAE]  }
0x2c: {  	s7 =	sld [smem:$0x3FAF]  }
0x2d: {  	s3 =	simm.s32 $0x108;
	s8 =	sld [smem:$0x3FB0]  }
0x2e: {  	s3 =	simm.s32 @!p0 $0x1082;
	s9 =	sld [smem:$0x3FB1]  }
0x2f: {  	lr =	sadd.s32 s0, s3;
	s0 =	sld [smem:$0x3FA8]  }
0x30: {  	s3 =	sld [smem:$0x3FAB]  }
0x31: {  	[smem:$0x3FB4] =	sst s10  }
0x32: {  	s10 =	sld [smem:$0x3FB2];
	_ =	sdelay $0x3  }
0x33: {  	p0 =	seq.s32 s10, $0x1;
	s10 =	sld [smem:$0x3FB4];
	_ =	sdelay $0x3  }
0x34: {  	[smem:$0x3FB4] =	sst s10  }
0x35: {  	s10 =	sld [smem:$0x3FB3];
	_ =	sdelay $0x3  }
0x36: {  	p1 =	seq.s32 s10, $0x1;
	s10 =	sld [smem:$0x3FB4];
	_ =	sdelay $0x3  }
0x37: {  	[smem:$0x3FB4] =	sst s10  }
0x38: {  	s10 =	sld [smem:$0x3FB5]  }
0x39: {  	_ = 	snop;
	(pc) =	sbr.ind lr, $3  }
0x3a: {  	_ = 	snop  }
0x3b: {  	_ = 	snop  }
0x3c: {  	p2 =	seq.s32 s10, $0x1;
	s10 =	sld [smem:$0x3FB4]  }
0x3d: {  	_ =	shalt  }
0x3e: {  	_ =	shalt  }
0x3f: {  	_ =	shalt  }
0x40: {  	_ =	shalt  }
0x41: {  	_ =	shalt  }
0x42: {  	_ =	shalt  }
0x43: {  	_ =	shalt  }
0x44: {  	_ =	shalt  }
0x45: {  	_ =	shalt  }
0x46: {  	_ =	shalt  }
0x47: {  	_ =	shalt  }
0x48: {  	_ =	shalt  }
0x49: {  	_ =	shalt  }
0x4a: {  	_ =	shalt  }
0x4b: {  	_ =	shalt  }
0x4c: {  	_ =	shalt  }
0x4d: {  	_ =	shalt  }
0x4e: {  	_ =	shalt  }
0x4f: {  	_ =	shalt  }
0x50: {  	_ =	shalt  }
0x51: {  	_ =	shalt  }
0x52: {  	_ =	shalt  }
0x53: {  	_ =	shalt  }
0x54: {  	_ =	shalt  }
0x55: {  	_ =	shalt  }
0x56: {  	_ =	shalt  }
0x57: {  	_ =	shalt  }
0x58: {  	_ =	shalt  }
0x59: {  	_ =	shalt  }
0x5a: {  	_ =	shalt  }
0x5b: {  	_ =	shalt  }
0x5c: {  	_ =	shalt  }
0x5d: {  	_ =	shalt  }
0x5e: {  	_ =	shalt  }
0x5f: {  	_ =	shalt  }
0x60: {  	_ =	shalt  }
0x61: {  	_ =	shalt  }
0x62: {  	_ =	shalt  }
0x63: {  	_ =	shalt  }
0x64: {  	_ =	shalt  }
0x65: {  	_ =	shalt  }
0x66: {  	_ =	shalt  }
0x67: {  	_ =	shalt  }
0x68: {  	_ =	shalt  }
0x69: {  	_ =	shalt  }
0x6a: {  	_ =	shalt  }
0x6b: {  	_ =	shalt  }
0x6c: {  	_ =	shalt  }
0x6d: {  	_ =	shalt  }
0x6e: {  	_ =	shalt  }
0x6f: {  	_ =	shalt  }
0x70: {  	_ =	shalt  }
0x71: {  	_ =	shalt  }
0x72: {  	_ =	shalt  }
0x73: {  	_ =	shalt  }
0x74: {  	_ =	shalt  }
0x75: {  	_ =	shalt  }
0x76: {  	_ =	shalt  }
0x77: {  	_ =	shalt  }
0x78: {  	_ =	shalt  }
0x79: {  	_ =	shalt  }
0x7a: {  	_ =	shalt  }
0x7b: {  	_ =	shalt  }
0x7c: {  	_ =	shalt  }
0x7d: {  	_ =	shalt  }
0x7e: {  	_ =	shalt  }
0x7f: {  	_ =	shalt  }
0x80: {  	_ =	shalt  }
0x81: {  	_ =	shalt  }
0x82: {  	_ =	shalt  }
0x83: {  	_ =	shalt  }
0x84: {  	_ =	shalt  }
0x85: {  	_ =	shalt  }
0x86: {  	_ =	shalt  }
0x87: {  	_ =	shalt  }
.Lfunc_end0:
.L_simem_size_0:
called_computation.1_lowered:
.L_overlay_start_0:
0x88: {  	s2 =	sld [smem:$0x3FD9]  }
0x89: {  	s3 =	sld [smem:$0x3FFE];
	_ =	sdelay $0x1  }
0x8a: {  	s1 =	srdreg.scid  }
0x8b: {  	s0 =	sand.u32 $0x1, s1  }
0x8c: {  	s17 =	sshll.u32 s0, $0xA;
	s2 =	sadd.s32 s3, s2  }
0x8d: {  	s2 =	sadd.s32 s2, s17  }
0x8e: {  	[smem:$0x3FC0] =	sst s2  }
0x8f: {  	_ = 	snop  }
0x90: {  	s2 =	sld [smem:$0x3FD0];
	(tm) =	ssettm $0x1  }
0x91: {  	s18 =	sld [smem:$0x3FFB];
	_ =	sdelay $0x3  }
0x92: {  	_ =	strace s18  }
0x93: {  	s3 =	sld [smem:$0x3FFC];
	_ =	sdelay $0x3  }
0x94: {  	_ =	strace s3  }
0x95: {  	s3 =	sld [smem:$0x3FFD];
	_ =	sdelay $0x3  }
0x96: {  	_ =	strace s3  }
0x97: {  	_ =	strace $0x8FFFFFFF  }
0x98: {  	s19 =	sld [smem:$0x3FDB];
	_ =	sdelay $0x1  }
0x99: {  	s4 =	simm.s32 $_scs_section_size  }
0x9a: {  	s5 =	simm.s32 $_size__tile_overlayer_lowered;
	s6 =	simm.s32 $_tile_overlayer_lowered  }
0x9b: {  	s22 =	simm.s32 $0x1BFF;
	s21 =	sshll.u32 s6, $0x1;
	s3 =	sadd.s32 s4, s19  }
0x9c: {  	s7 =	simm.s32 $0x0;
	s20 =	sshll.u32 s5, $0x1;
	s5 =	sadd.s32 s21, s3  }
0x9d: {  	[timem:s7], [sflag:s22] =	dma.local [hbm:s5], s20  }
0x9e: {  	_ =	swait.ge [sflag:s22], s20  }
0x9f: {  	s4 =	ssub.s32 $0x0, s20;
	[sflag:s22] =	ssyncset.done $0x0  }
0xa0: {  	[sflag:s22] =	ssyncadd.s32 s4;
	_ =	sdelay $0x1  }
0xa1: {  	s23 =	simm.s32 $0x1B8B  }
0xa2: {  	_ =	swait.ge [sflag:s23], $0x1  }
0xa3: {  	[sflag:s23] =	ssyncset.done $0x0  }
0xa4: {  	s25 =	simm.s32 $0x1B8E;
	s24 =	sld [smem:$0x3FFE];
	[sflag:s23] =	ssyncadd.s32 $0xFFFFFFFF  }
0xa5: {  	s26 =	simm.s32 $execute0_lowered;
	[smem:$0x3FD2] =	sst s25  }
0xa6: {  	s5 =	sshll.u32 s26, $0x1;
	_ =	strace $0x80000049;
	[dreg:$0x1] =	wrdreg $0xFFFFFFFF  }
0xa7: {  	s28 =	simm.s32 $_size_execute0_lowered;
	s3 =	sadd.s32 s3, s5;
	[dreg:$0x0] =	wrdreg $0x0  }
0xa8: {  	s5 =	sshll.u32 s28, $0x1;
	[dreg:$0x2] =	wrdreg s3  }
0xa9: {  	[dreg:$0x3] =	wrdreg s5  }
0xaa: {  	[dreg:$0x4] =	wrdreg $0xC0  }
0xab: {  	_ =	task [dreg:s7], $0x5FFFF  }
0xac: {  	[dreg:$0x1] =	wrdreg $0xFFFFFFFF  }
0xad: {  	[dreg:$0x0] =	wrdreg $0x60  }
0xae: {  	[dreg:$0x2] =	wrdreg s24  }
0xaf: {  	[dreg:$0x3] =	wrdreg s2  }
0xb0: {  	[dreg:$0x4] =	wrdreg $0x0  }
0xb1: {  	[dreg:$0x5] =	wrdreg $0x9  }
0xb2: {  	_ =	task.clear_ibuf [dreg:s7], $0x6FFFF;
	_ =	strace $0x90000049  }
0xb3: {  	s29 =	simm.s32 $0x9;
	_ =	strace $0x8000004B  }
0xb4: {  	_ =	swait.ge [sflag:s29], $0x1  }
0xb5: {  	[sflag:s29] =	ssyncadd.s32 $0xFFFFFFFF  }
0xb6: {  	_ =	strace $0x9000004B  }
0xb7: {  	_ =	sfence  }
0xb8: {  	s30 =	sld [smem:$0x0];
	_ =	sdelay $0x2  }
0xb9: {  	s31 =	sshll.u32 s1, $0xD;
	s1 =	sshrl.u32 s1, $0x2  }
0xba: {  	s3 =	sand.u32 $0x4000, s31;
	s1 =	sadd.s32 s1, s30  }
0xbb: {  	s0 =	sor.u32 s3, s0;
	s1 =	sshll.u32 s1, $0x11  }
0xbc: {  	s0 =	sor.u32 s1, s0  }
0xbd: {  	s0 =	sadd.s32 $0x8F2B, s0  }
0xbe: {  	[sflag:s0] =	ssyncadd.remote.s32 $0x1  }
0xbf: {  	_ =	sfence.sel $0xFFFF  }
0xc0: {  	[dreg:$0x0] =	wrdreg $0xFFFFFFFF;
	(pc) =	sbr.abs _section_cstart, $3  }
0xc1: {  	[dreg:$0x1] =	wrdreg $0xFFFFFFFF  }
0xc2: {  	_ =	task.clear_ibuf [dreg:s7], $0x2FFFF;
	_ =	strace $0x9FFFFFFF  }
0xc3: {  	(tm) =	ssettm $0x7FFFFFFF  }
tec
execute0_lowered:
.L_overlay_start_1:
0x0: {  	(tag) =	ssettag $0x1  }
0x1: {  	s0 =	rddreg [dreg:$0x0]  }
0x2: {  	s2 =	rddreg [dreg:$0x1]  }
0x3: {  	s1 =	rddreg [dreg:$0x2];
	s3 =	srdreg.scid  }
0x4: {  	s4 =	simm.s32 $0x0;
	s10 =	stileid.u32;
	s28 =	simm.s32 $0xFE60  }
0x5: {  	s30 =	simm.s32 $0x11260;
	s29 =	simm.s32 $0x8;
	s6 =	smul.u32 $0x9C40, s10  }
0x6: {  	s31 =	simm.s32 $0x6;
	s3 =	sand.u32 $0x1, s3;
	s7 =	smul.u32 $0x2710, s10  }
0x7: {  	[smem:$0x7FF] =	sst s4;
	s11 =	sshll.u32 s10, $0x1;
	s12 =	smul.u32 $0x27100, s10  }
0x8: {  	s4 =	sadd.s32 $0x29400, s0;
	s10 =	simm.s32 $0xA;
	s5 =	smul.u32 $0x9C400, s3  }
0x9: {  	_ =	strace $0x8000004A;
	s8 =	sor.u32 s3, s11;
	s13 =	ssub.s32 $0x2, s3  }
0xa: {  	p0 =	seq.s32 s3, $0x1;
	s11 =	simm.s32 $0x14E60;
	s3 =	simm.s32 $0x0  }
0xb: {  	s8 =	smul.u32 $0x2710, s8;
	s9 =	sadd.s32 s7, s0;
	s15 =	sshrl.u32 s13, $0x1  }
0xc: {  	s16 =	sshrl.u32 s12, $0x2;
	s26 =	sadd.s32 s6, s1;
	s12 =	simm.s32 $0x9  }
0xd: {  	s5 =	sadd.s32 s6, s5;
	s7 =	sadd.s32 s16, s1;
	s18 =	sadd.s32 $0x2208, s9  }
0xe: {  	s9 =	simm.s32 $0x13A60;
	[dreg:$0x5] =	wrdreg s18;
	s19 =	sadd.s32 $0x1400, s7  }
0xf: {  	s5 =	sshrl.u32 s5, $0x3;
	s20 =	sadd.s32 $0x2800, s7;
	[dreg:$0x6] =	wrdreg s19  }
0x10: {  	s14 =	sshrl.u32 s8, $0x3;
	s21 =	sadd.s32 $0x3C00, s7;
	[dreg:$0x7] =	wrdreg s20  }
0x11: {  	s8 =	ssub.s32 s13, s15;
	s22 =	sadd.s32 $0x5000, s7;
	[dreg:$0x8] =	wrdreg s21  }
0x12: {  	s23 =	sadd.s32 $0x6400, s7;
	s24 =	sadd.s32 $0x7800, s7;
	[dreg:$0x9] =	wrdreg s22  }
0x13: {  	s25 =	sadd.s32 $0x8C00, s7;
	s13 =	simm.s32 $0x7;
	[dreg:$0xa] =	wrdreg s23  }
0x14: {  	s15 =	simm.s32 $0x5;
	s0 =	sadd.s32 s5, s0;
	[dreg:$0xb] =	wrdreg s24  }
0x15: {  	s5 =	sadd.s32 s2, s14;
	[dreg:$0xc] =	wrdreg s25;
	s20 =	simm.s32 $0xEA60  }
0x16: {  	s21 =	simm.s32 $0xD;
	s22 =	simm.s32 $0x1;
	s23 =	simm.s32 $0x2  }
0x17: {  	s24 =	simm.s32 $0x50;
	s25 =	sshrl.u32 s26, $0x3;
	s26 =	simm.s32 $0x3  }
0x18: {  	s14 =	simm.s32 $0xB;
	s2 =	simm.s32 $0xC;
	[dreg:$0xd] =	wrdreg s5  }
0x19: {  	s17 =	sadd.s32 $0x9C40, s5;
	s16 =	sadd.s32 $0x3CE00, s0;
	s0 =	simm.s32 $0x12660  }
0x1a: {  	v0 =	vimm.f32 $0.0e+00;
	[dreg:$0x4] =	wrdreg s17;
	s17 =	smax.u32 s8, $0x1;
	s8 =	simm.s32 $0x4  }
.LBB2_1:
.Ltmp0:
0x1b: {  	(pc) =	sbr.rel @!p0 .LBB2_2-.Ltmp0, $4  }
0x1c: {  	s6 =	simm.s32 $0x0;
	s18 =	simm.s32 $0x9C40;
	s5 =	rddreg [dreg:$0xd]  }
0x1d: {  	[tilespmem:s18], [sflag:$0x1] =	stream.linear.gather [hbm4b:s5+s6], $0x2710, $0x38;
	[tilespmem:$0x16260] =	vst v63  }
0x1e: {  	s19 =	simm.s32 $0xC350;
	s5 =	rddreg [dreg:$0x4]  }
0x1f: {  	[tilespmem:s19], [sflag:$0x2] =	stream.linear.gather [hbm4b:s5+s6], $0x2710, $0x38;
	[tilespmem:$0x16260] =	vst v63  }
0x20: {  	s18 =	simm.s32 $0x100;
	s6 =	simm.s32 $0x0  }
.LBB2_4:
0x21: {  	p1 =	sne.s32 s18, $0x4F00;
	[tilespmem:s6+$0xEA90] =	vst v0;
	s19 =	smov.u32 s18;
	s18 =	sadd.s32 $0x100, s18  }
.Ltmp1:
0x22: {  	[tilespmem:s6+$0xEA80] =	vst v0;
	(pc) =	sbr.rel @p1 .LBB2_4-.Ltmp1, $3  }
0x23: {  	[tilespmem:s6+$0xEA60] =	vst v0  }
0x24: {  	[tilespmem:s6+$0xEA70] =	vst v0;
	_ =	sdelay $0x1  }
0x25: {  	s6 =	sshra.s32 s19, $0x2  }
0x26: {  	[tilespmem:s6+$0xEA90] =	vst v0  }
0x27: {  	[tilespmem:s6+$0xEA80] =	vst v0  }
0x28: {  	[tilespmem:s6+$0xEA60] =	vst v0  }
0x29: {  	[tilespmem:s6+$0xEA70] =	vst v0  }
0x2a: {  	[spmem:s7] =	stream.linear.scatter [tilespmem:s20], [sflag:$0xD], $0x1400, $0x38;
	[tilespmem:$0x16260] =	vst v63  }
0x2b: {  	_ =	swait.ge [sflag:s21], $0x1400  }
0x2c: {  	[sflag:s21] =	ssyncset.done $0x0  }
0x2d: {  	s19 =	rddreg [dreg:$0x6];
	[sflag:s21] =	ssyncadd.s32 $0xFFFFEC00  }
0x2e: {  	[spmem:s19] =	stream.linear.scatter [tilespmem:s20], [sflag:$0xD], $0x1400, $0x38;
	[tilespmem:$0x16260] =	vst v63  }
0x2f: {  	_ =	swait.ge [sflag:s21], $0x1400  }
0x30: {  	[sflag:s21] =	ssyncset.done $0x0  }
0x31: {  	s5 =	rddreg [dreg:$0x7];
	[sflag:s21] =	ssyncadd.s32 $0xFFFFEC00  }
0x32: {  	[spmem:s5] =	stream.linear.scatter [tilespmem:s20], [sflag:$0xD], $0x1400, $0x38;
	[tilespmem:$0x16260] =	vst v63  }
0x33: {  	_ =	swait.ge [sflag:s21], $0x1400  }
0x34: {  	[sflag:s21] =	ssyncset.done $0x0  }
0x35: {  	s18 =	rddreg [dreg:$0x8];
	[sflag:s21] =	ssyncadd.s32 $0xFFFFEC00  }
0x36: {  	[spmem:s18] =	stream.linear.scatter [tilespmem:s20], [sflag:$0xD], $0x1400, $0x38;
	[tilespmem:$0x16260] =	vst v63  }
0x37: {  	_ =	swait.ge [sflag:s21], $0x1400  }
0x38: {  	[sflag:s21] =	ssyncset.done $0x0  }
0x39: {  	s19 =	rddreg [dreg:$0x9];
	[sflag:s21] =	ssyncadd.s32 $0xFFFFEC00  }
0x3a: {  	[spmem:s19] =	stream.linear.scatter [tilespmem:s20], [sflag:$0xD], $0x1400, $0x38;
	[tilespmem:$0x16260] =	vst v63  }
0x3b: {  	_ =	swait.ge [sflag:s21], $0x1400  }
0x3c: {  	[sflag:s21] =	ssyncset.done $0x0  }
0x3d: {  	s5 =	rddreg [dreg:$0xa];
	[sflag:s21] =	ssyncadd.s32 $0xFFFFEC00  }
0x3e: {  	[spmem:s5] =	stream.linear.scatter [tilespmem:s20], [sflag:$0xD], $0x1400, $0x38;
	[tilespmem:$0x16260] =	vst v63  }
0x3f: {  	_ =	swait.ge [sflag:s21], $0x1400  }
0x40: {  	[sflag:s21] =	ssyncset.done $0x0  }
0x41: {  	s18 =	rddreg [dreg:$0xb];
	[sflag:s21] =	ssyncadd.s32 $0xFFFFEC00  }
0x42: {  	[spmem:s18] =	stream.linear.scatter [tilespmem:s20], [sflag:$0xD], $0x1400, $0x38;
	[tilespmem:$0x16260] =	vst v63  }
0x43: {  	_ =	swait.ge [sflag:s21], $0x1400  }
0x44: {  	[sflag:s21] =	ssyncset.done $0x0  }
.Ltmp2:
0x45: {  	s19 =	rddreg [dreg:$0xc];
	[sflag:s21] =	ssyncadd.s32 $0xFFFFEC00;
	(pc) =	sbr.rel .LBB2_6-.Ltmp2, $4  }
0x46: {  	[spmem:s19] =	stream.linear.scatter [tilespmem:s20], [sflag:$0xD], $0x1040, $0x38;
	[tilespmem:$0x16260] =	vst v63  }
0x47: {  	_ =	swait.ge [sflag:s21], $0x1040  }
0x48: {  	[sflag:s21] =	ssyncset.done $0x0  }
0x49: {  	[sflag:s21] =	ssyncadd.s32 $0xFFFFEFC0  }
.LBB2_2:
0x4a: {  	s6 =	stileid.u32  }
0x4b: {  	s18 =	sshrl.u32 s7, $0x3;
	s6 =	sshll.u32 s6, $0x6  }
0x4c: {  	s19 =	rddreg [dreg:$0x5];
	s5 =	simm.s32 $0x10;
	s6 =	sor.u32 $0x1C0D, s6  }
0x4d: {  	[spmem:s18@s29], [sflag:s6] =	dma.strided [hbm:s19@s5], $0x1388, s22, $0x8   }
0x4e: {  	_ =	swait.ge [sflag:s21], $0x1388  }
0x4f: {  	[sflag:s21] =	ssyncset.done $0x0  }
0x50: {  	[sflag:s21] =	ssyncadd.s32 $0xFFFFEC78  }
.LBB2_6:
0x51: {  	_ =	swait.ge [sflag:s22], $0x2710  }
0x52: {  	[sflag:s22] =	ssyncset.done $0x0  }
0x53: {  	[sflag:s22] =	ssyncadd.s32 $0xFFFFD8F0  }
0x54: {  	_ =	swait.ge [sflag:s23], $0x2710  }
0x55: {  	[sflag:s23] =	ssyncset.done $0x0  }
0x56: {  	s6 =	simm.s32 $0x9C40;
	[sflag:s23] =	ssyncadd.s32 $0xFFFFD8F0  }
0x57: {  	[tilespmem:s20], [sflag:$0x1] =	stream.indirect.gather [hbm4b:s4+s24], $0x40, s6, s24, $0xb8;
	[tilespmem:$0x16260] =	vst v63  }
0x58: {  	s5 =	simm.s32 $0x9C90  }
0x59: {  	[tilespmem:s28], [sflag:$0x2] =	stream.indirect.gather [hbm4b:s4+s24], $0x40, s5, s24, $0xb8;
	[tilespmem:$0x16260] =	vst v63  }
0x5a: {  	s18 =	simm.s32 $0x9CE0  }
0x5b: {  	[tilespmem:s30], [sflag:$0x3] =	stream.indirect.gather [hbm4b:s4+s24], $0x40, s18, s24, $0xb8;
	[tilespmem:$0x16260] =	vst v63  }
0x5c: {  	s19 =	simm.s32 $0x9D30  }
0x5d: {  	[tilespmem:s0], [sflag:$0x4] =	stream.indirect.gather [hbm4b:s4+s24], $0x40, s19, s24, $0xb8;
	[tilespmem:$0x16260] =	vst v63  }
0x5e: {  	s5 =	simm.s32 $0x9D80  }
0x5f: {  	[tilespmem:s9], [sflag:$0x5] =	stream.indirect.gather [hbm4b:s4+s24], $0x40, s5, s24, $0xb8;
	[tilespmem:$0x16260] =	vst v63  }
0x60: {  	[bflag:$0x0] =	sbarrier.arrive $0xFFFF  }
0x61: {  	_ =	swait.ge [sflag:s22], $0x1400  }
0x62: {  	[sflag:s22] =	ssyncset.done $0x0  }
0x63: {  	s18 =	simm.s32 $0xC350;
	[sflag:s22] =	ssyncadd.s32 $0xFFFFEC00  }
0x64: {  	[spmem:s1] =	stream.indirect.scatter.add.f32 [tilespmem:s20], [sflag:$0x7], $0x40, s18, s24, $0xb8;
	[tilespmem:$0x16260] =	vst v63  }
0x65: {  	s19 =	simm.s32 $0x9DD0  }
0x66: {  	[tilespmem:s11], [sflag:$0x6] =	stream.indirect.gather [hbm4b:s4+s24], $0x40, s19, s24, $0xb8;
	[tilespmem:$0x16260] =	vst v63  }
0x67: {  	_ =	swait.ge [sflag:s23], $0x1400  }
0x68: {  	[sflag:s23] =	ssyncset.done $0x0  }
0x69: {  	s5 =	simm.s32 $0xC3A0;
	[sflag:s23] =	ssyncadd.s32 $0xFFFFEC00  }
0x6a: {  	[spmem:s1] =	stream.indirect.scatter.add.f32 [tilespmem:s28], [sflag:$0x8], $0x40, s5, s24, $0xb8;
	[tilespmem:$0x16260] =	vst v63  }
0x6b: {  	_ =	swait.ge [sflag:s13], $0x1400  }
0x6c: {  	[sflag:s13] =	ssyncset.done $0x0  }
0x6d: {  	s18 =	simm.s32 $0x9E20;
	[sflag:s13] =	ssyncadd.s32 $0xFFFFEC00  }
0x6e: {  	[tilespmem:s20], [sflag:$0x1] =	stream.indirect.gather [hbm4b:s4+s24], $0x40, s18, s24, $0xb8;
	[tilespmem:$0x16260] =	vst v63  }
0x6f: {  	_ =	swait.ge [sflag:s26], $0x1400  }
0x70: {  	[sflag:s26] =	ssyncset.done $0x0  }
0x71: {  	s19 =	simm.s32 $0xC3F0;
	[sflag:s26] =	ssyncadd.s32 $0xFFFFEC00  }
0x72: {  	[spmem:s1] =	stream.indirect.scatter.add.f32 [tilespmem:s30], [sflag:$0x9], $0x40, s19, s24, $0xb8;
	[tilespmem:$0x16260] =	vst v63  }
0x73: {  	_ =	swait.ge [sflag:s29], $0x1400  }
0x74: {  	[sflag:s29] =	ssyncset.done $0x0  }
0x75: {  	s5 =	simm.s32 $0x9E70;
	[sflag:s29] =	ssyncadd.s32 $0xFFFFEC00  }
0x76: {  	[tilespmem:s28], [sflag:$0x2] =	stream.indirect.gather [hbm4b:s4+s24], $0x40, s5, s24, $0xb8;
	[tilespmem:$0x16260] =	vst v63  }
0x77: {  	_ =	swait.ge [sflag:s8], $0x1400  }
0x78: {  	[sflag:s8] =	ssyncset.done $0x0  }
0x79: {  	s18 =	simm.s32 $0xC440;
	[sflag:s8] =	ssyncadd.s32 $0xFFFFEC00  }
0x7a: {  	[spmem:s1] =	stream.indirect.scatter.add.f32 [tilespmem:s0], [sflag:$0xA], $0x40, s18, s24, $0xb8;
	[tilespmem:$0x16260] =	vst v63  }
0x7b: {  	_ =	swait.ge [sflag:s12], $0x1400  }
0x7c: {  	[sflag:s12] =	ssyncset.done $0x0  }
0x7d: {  	s19 =	simm.s32 $0x9EC0;
	[sflag:s12] =	ssyncadd.s32 $0xFFFFEC00  }
0x7e: {  	[tilespmem:s30], [sflag:$0x3] =	stream.indirect.gather [hbm4b:s4+s24], $0x40, s19, s24, $0xb8;
	[tilespmem:$0x16260] =	vst v63  }
0x7f: {  	_ =	swait.ge [sflag:s15], $0x1400  }
0x80: {  	[sflag:s15] =	ssyncset.done $0x0  }
0x81: {  	s5 =	simm.s32 $0xC490;
	[sflag:s15] =	ssyncadd.s32 $0xFFFFEC00  }
0x82: {  	[spmem:s1] =	stream.indirect.scatter.add.f32 [tilespmem:s9], [sflag:$0xB], $0x40, s5, s24, $0xb8;
	[tilespmem:$0x16260] =	vst v63  }
0x83: {  	_ =	swait.ge [sflag:s10], $0x1400  }
0x84: {  	[sflag:s10] =	ssyncset.done $0x0  }
0x85: {  	s18 =	simm.s32 $0x9F10;
	[sflag:s10] =	ssyncadd.s32 $0xFFFFEC00  }
0x86: {  	[tilespmem:s0], [sflag:$0x4] =	stream.indirect.gather [hbm4b:s4+s24], $0x40, s18, s24, $0xb8;
	[tilespmem:$0x16260] =	vst v63  }
0x87: {  	_ =	swait.ge [sflag:s31], $0x1400  }
0x88: {  	[sflag:s31] =	ssyncset.done $0x0  }
0x89: {  	s19 =	simm.s32 $0xC4E0;
	[sflag:s31] =	ssyncadd.s32 $0xFFFFEC00  }
0x8a: {  	[spmem:s1] =	stream.indirect.scatter.add.f32 [tilespmem:s11], [sflag:$0xC], $0x40, s19, s24, $0xb8;
	[tilespmem:$0x16260] =	vst v63  }
0x8b: {  	_ =	swait.ge [sflag:s14], $0x1400  }
0x8c: {  	[sflag:s14] =	ssyncset.done $0x0  }
0x8d: {  	s5 =	simm.s32 $0x9F60;
	[sflag:s14] =	ssyncadd.s32 $0xFFFFEC00  }
0x8e: {  	[tilespmem:s9], [sflag:$0x5] =	stream.indirect.gather [hbm4b:s4+s24], $0x40, s5, s24, $0xb8;
	[tilespmem:$0x16260] =	vst v63  }
0x8f: {  	_ =	swait.ge [sflag:s22], $0x1400  }
0x90: {  	[sflag:s22] =	ssyncset.done $0x0  }
0x91: {  	s18 =	simm.s32 $0xC530;
	[sflag:s22] =	ssyncadd.s32 $0xFFFFEC00  }
0x92: {  	[spmem:s1] =	stream.indirect.scatter.add.f32 [tilespmem:s20], [sflag:$0x7], $0x40, s18, s24, $0xb8;
	[tilespmem:$0x16260] =	vst v63  }
0x93: {  	_ =	swait.ge [sflag:s2], $0x1400  }
0x94: {  	[sflag:s2] =	ssyncset.done $0x0  }
0x95: {  	s19 =	simm.s32 $0x9FB0;
	[sflag:s2] =	ssyncadd.s32 $0xFFFFEC00  }
0x96: {  	[tilespmem:s11], [sflag:$0x6] =	stream.indirect.gather [hbm4b:s4+s24], $0x40, s19, s24, $0xb8;
	[tilespmem:$0x16260] =	vst v63  }
0x97: {  	_ =	swait.ge [sflag:s23], $0x1400  }
0x98: {  	[sflag:s23] =	ssyncset.done $0x0  }
0x99: {  	s5 =	simm.s32 $0xC580;
	[sflag:s23] =	ssyncadd.s32 $0xFFFFEC00  }
0x9a: {  	[spmem:s1] =	stream.indirect.scatter.add.f32 [tilespmem:s28], [sflag:$0x8], $0x40, s5, s24, $0xb8;
	[tilespmem:$0x16260] =	vst v63  }
0x9b: {  	_ =	swait.ge [sflag:s13], $0x1400  }
0x9c: {  	[sflag:s13] =	ssyncset.done $0x0  }
0x9d: {  	s18 =	simm.s32 $0xA000;
	[sflag:s13] =	ssyncadd.s32 $0xFFFFEC00  }
0x9e: {  	[tilespmem:s20], [sflag:$0x1] =	stream.indirect.gather [hbm4b:s4+s24], $0x40, s18, s24, $0xb8;
	[tilespmem:$0x16260] =	vst v63  }
0x9f: {  	_ =	swait.ge [sflag:s26], $0x1400  }
0xa0: {  	[sflag:s26] =	ssyncset.done $0x0  }
0xa1: {  	s19 =	simm.s32 $0xC5D0;
	[sflag:s26] =	ssyncadd.s32 $0xFFFFEC00  }
0xa2: {  	[spmem:s1] =	stream.indirect.scatter.add.f32 [tilespmem:s30], [sflag:$0x9], $0x40, s19, s24, $0xb8;
	[tilespmem:$0x16260] =	vst v63  }
0xa3: {  	_ =	swait.ge [sflag:s29], $0x1400  }
0xa4: {  	[sflag:s29] =	ssyncset.done $0x0  }
0xa5: {  	s5 =	simm.s32 $0xA050;
	[sflag:s29] =	ssyncadd.s32 $0xFFFFEC00  }
0xa6: {  	[tilespmem:s28], [sflag:$0x2] =	stream.indirect.gather [hbm4b:s4+s24], $0x40, s5, s24, $0xb8;
	[tilespmem:$0x16260] =	vst v63  }
0xa7: {  	_ =	swait.ge [sflag:s8], $0x1400  }
0xa8: {  	[sflag:s8] =	ssyncset.done $0x0  }
0xa9: {  	s18 =	simm.s32 $0xC620;
	[sflag:s8] =	ssyncadd.s32 $0xFFFFEC00  }
0xaa: {  	[spmem:s1] =	stream.indirect.scatter.add.f32 [tilespmem:s0], [sflag:$0xA], $0x40, s18, s24, $0xb8;
	[tilespmem:$0x16260] =	vst v63  }
0xab: {  	_ =	swait.ge [sflag:s12], $0x1400  }
0xac: {  	[sflag:s12] =	ssyncset.done $0x0  }
0xad: {  	s19 =	simm.s32 $0xA0A0;
	[sflag:s12] =	ssyncadd.s32 $0xFFFFEC00  }
0xae: {  	[tilespmem:s30], [sflag:$0x3] =	stream.indirect.gather [hbm4b:s4+s24], $0x40, s19, s24, $0xb8;
	[tilespmem:$0x16260] =	vst v63  }
0xaf: {  	_ =	swait.ge [sflag:s15], $0x1400  }
0xb0: {  	[sflag:s15] =	ssyncset.done $0x0  }
0xb1: {  	s5 =	simm.s32 $0xC670;
	[sflag:s15] =	ssyncadd.s32 $0xFFFFEC00  }
0xb2: {  	[spmem:s1] =	stream.indirect.scatter.add.f32 [tilespmem:s9], [sflag:$0xB], $0x40, s5, s24, $0xb8;
	[tilespmem:$0x16260] =	vst v63  }
0xb3: {  	_ =	swait.ge [sflag:s10], $0x1400  }
0xb4: {  	[sflag:s10] =	ssyncset.done $0x0  }
0xb5: {  	s18 =	simm.s32 $0xA0F0;
	[sflag:s10] =	ssyncadd.s32 $0xFFFFEC00  }
0xb6: {  	[tilespmem:s0], [sflag:$0x4] =	stream.indirect.gather [hbm4b:s4+s24], $0x40, s18, s24, $0xb8;
	[tilespmem:$0x16260] =	vst v63  }
0xb7: {  	_ =	swait.ge [sflag:s31], $0x1400  }
0xb8: {  	[sflag:s31] =	ssyncset.done $0x0  }
0xb9: {  	s19 =	simm.s32 $0xC6C0;
	[sflag:s31] =	ssyncadd.s32 $0xFFFFEC00  }
0xba: {  	[spmem:s1] =	stream.indirect.scatter.add.f32 [tilespmem:s11], [sflag:$0xC], $0x40, s19, s24, $0xb8;
	[tilespmem:$0x16260] =	vst v63  }
0xbb: {  	_ =	swait.ge [sflag:s14], $0x1400  }
0xbc: {  	[sflag:s14] =	ssyncset.done $0x0  }
0xbd: {  	s6 =	simm.s32 $0x780;
	s18 =	simm.s32 $0xA140;
	[sflag:s14] =	ssyncadd.s32 $0xFFFFEC00  }
.LBB2_7:
0xbe: {  	[tilespmem:s9], [sflag:$0x5] =	stream.indirect.gather [hbm4b:s4+s24], $0x40, s18, s24, $0xb8;
	[tilespmem:$0x16260] =	vst v63  }
0xbf: {  	s18 =	smov.u32 s6  }
0xc0: {  	p1 =	sne.s32 s6, $0x8700;
	s6 =	sadd.s32 $0x780, s6;
	_ =	swait.ge [sflag:s22], $0x1400  }
0xc1: {  	s18 =	sshra.s32 s18, $0x2;
	[sflag:s22] =	ssyncset.done $0x0  }
0xc2: {  	s19 =	sadd.s32 $0xC530, s18;
	[sflag:s22] =	ssyncadd.s32 $0xFFFFEC00  }
0xc3: {  	[spmem:s1] =	stream.indirect.scatter.add.f32 [tilespmem:s20], [sflag:$0x7], $0x40, s19, s24, $0xb8;
	[tilespmem:$0x16260] =	vst v63  }
0xc4: {  	_ =	swait.ge [sflag:s2], $0x1400  }
0xc5: {  	[sflag:s2] =	ssyncset.done $0x0  }
0xc6: {  	s19 =	sadd.s32 $0x9FB0, s18;
	[sflag:s2] =	ssyncadd.s32 $0xFFFFEC00  }
0xc7: {  	[tilespmem:s11], [sflag:$0x6] =	stream.indirect.gather [hbm4b:s4+s24], $0x40, s19, s24, $0xb8;
	[tilespmem:$0x16260] =	vst v63  }
0xc8: {  	_ =	swait.ge [sflag:s23], $0x1400  }
0xc9: {  	[sflag:s23] =	ssyncset.done $0x0  }
0xca: {  	s19 =	sadd.s32 $0xC580, s18;
	[sflag:s23] =	ssyncadd.s32 $0xFFFFEC00  }
0xcb: {  	[spmem:s1] =	stream.indirect.scatter.add.f32 [tilespmem:s28], [sflag:$0x8], $0x40, s19, s24, $0xb8;
	[tilespmem:$0x16260] =	vst v63  }
0xcc: {  	_ =	swait.ge [sflag:s13], $0x1400  }
0xcd: {  	[sflag:s13] =	ssyncset.done $0x0  }
0xce: {  	s19 =	sadd.s32 $0xA000, s18;
	[sflag:s13] =	ssyncadd.s32 $0xFFFFEC00  }
0xcf: {  	[tilespmem:s20], [sflag:$0x1] =	stream.indirect.gather [hbm4b:s4+s24], $0x40, s19, s24, $0xb8;
	[tilespmem:$0x16260] =	vst v63  }
0xd0: {  	_ =	swait.ge [sflag:s26], $0x1400  }
0xd1: {  	[sflag:s26] =	ssyncset.done $0x0  }
0xd2: {  	s19 =	sadd.s32 $0xC5D0, s18;
	[sflag:s26] =	ssyncadd.s32 $0xFFFFEC00  }
0xd3: {  	[spmem:s1] =	stream.indirect.scatter.add.f32 [tilespmem:s30], [sflag:$0x9], $0x40, s19, s24, $0xb8;
	[tilespmem:$0x16260] =	vst v63  }
0xd4: {  	_ =	swait.ge [sflag:s29], $0x1400  }
0xd5: {  	[sflag:s29] =	ssyncset.done $0x0  }
0xd6: {  	s19 =	sadd.s32 $0xA050, s18;
	[sflag:s29] =	ssyncadd.s32 $0xFFFFEC00  }
0xd7: {  	[tilespmem:s28], [sflag:$0x2] =	stream.indirect.gather [hbm4b:s4+s24], $0x40, s19, s24, $0xb8;
	[tilespmem:$0x16260] =	vst v63  }
0xd8: {  	_ =	swait.ge [sflag:s8], $0x1400  }
0xd9: {  	[sflag:s8] =	ssyncset.done $0x0  }
0xda: {  	s19 =	sadd.s32 $0xC620, s18;
	[sflag:s8] =	ssyncadd.s32 $0xFFFFEC00  }
0xdb: {  	[spmem:s1] =	stream.indirect.scatter.add.f32 [tilespmem:s0], [sflag:$0xA], $0x40, s19, s24, $0xb8;
	[tilespmem:$0x16260] =	vst v63  }
0xdc: {  	_ =	swait.ge [sflag:s12], $0x1400  }
0xdd: {  	[sflag:s12] =	ssyncset.done $0x0  }
0xde: {  	s19 =	sadd.s32 $0xA0A0, s18;
	[sflag:s12] =	ssyncadd.s32 $0xFFFFEC00  }
0xdf: {  	[tilespmem:s30], [sflag:$0x3] =	stream.indirect.gather [hbm4b:s4+s24], $0x40, s19, s24, $0xb8;
	[tilespmem:$0x16260] =	vst v63  }
0xe0: {  	_ =	swait.ge [sflag:s15], $0x1400  }
0xe1: {  	[sflag:s15] =	ssyncset.done $0x0  }
0xe2: {  	s19 =	sadd.s32 $0xC670, s18;
	[sflag:s15] =	ssyncadd.s32 $0xFFFFEC00  }
0xe3: {  	[spmem:s1] =	stream.indirect.scatter.add.f32 [tilespmem:s9], [sflag:$0xB], $0x40, s19, s24, $0xb8;
	[tilespmem:$0x16260] =	vst v63  }
0xe4: {  	_ =	swait.ge [sflag:s10], $0x1400  }
0xe5: {  	[sflag:s10] =	ssyncset.done $0x0  }
0xe6: {  	s19 =	sadd.s32 $0xA0F0, s18;
	[sflag:s10] =	ssyncadd.s32 $0xFFFFEC00  }
0xe7: {  	[tilespmem:s0], [sflag:$0x4] =	stream.indirect.gather [hbm4b:s4+s24], $0x40, s19, s24, $0xb8;
	[tilespmem:$0x16260] =	vst v63  }
0xe8: {  	_ =	swait.ge [sflag:s31], $0x1400  }
0xe9: {  	[sflag:s31] =	ssyncset.done $0x0  }
.Ltmp3:
0xea: {  	s19 =	sadd.s32 $0xC6C0, s18;
	[sflag:s31] =	ssyncadd.s32 $0xFFFFEC00;
	(pc) =	sbr.rel @p1 .LBB2_7-.Ltmp3, $4  }
0xeb: {  	[spmem:s1] =	stream.indirect.scatter.add.f32 [tilespmem:s11], [sflag:$0xC], $0x40, s19, s24, $0xb8;
	[tilespmem:$0x16260] =	vst v63  }
0xec: {  	_ =	swait.ge [sflag:s14], $0x1400  }
0xed: {  	[sflag:s14] =	ssyncset.done $0x0  }
0xee: {  	s18 =	sadd.s32 $0xA140, s18;
	[sflag:s14] =	ssyncadd.s32 $0xFFFFEC00  }
0xef: {  	[tilespmem:s9], [sflag:$0x5] =	stream.indirect.gather [hbm4b:s4+s24], $0x40, s18, s24, $0xb8;
	[tilespmem:$0x16260] =	vst v63  }
0xf0: {  	_ =	swait.ge [sflag:s22], $0x1400  }
0xf1: {  	[sflag:s22] =	ssyncset.done $0x0  }
0xf2: {  	s6 =	simm.s32 $0xE8D0;
	[sflag:s22] =	ssyncadd.s32 $0xFFFFEC00  }
0xf3: {  	[spmem:s1] =	stream.indirect.scatter.add.f32 [tilespmem:s20], [sflag:$0x7], $0x40, s6, s24, $0xb8;
	[tilespmem:$0x16260] =	vst v63  }
0xf4: {  	_ =	swait.ge [sflag:s23], $0x1400  }
0xf5: {  	[sflag:s23] =	ssyncset.done $0x0  }
0xf6: {  	s18 =	simm.s32 $0xE920;
	[sflag:s23] =	ssyncadd.s32 $0xFFFFEC00  }
0xf7: {  	[spmem:s1] =	stream.indirect.scatter.add.f32 [tilespmem:s28], [sflag:$0x8], $0x40, s18, s24, $0xb8;
	[tilespmem:$0x16260] =	vst v63  }
0xf8: {  	_ =	swait.ge [sflag:s26], $0x1400  }
0xf9: {  	[sflag:s26] =	ssyncset.done $0x0  }
0xfa: {  	s19 =	simm.s32 $0xE970;
	[sflag:s26] =	ssyncadd.s32 $0xFFFFEC00  }
0xfb: {  	[spmem:s1] =	stream.indirect.scatter.add.f32 [tilespmem:s30], [sflag:$0x9], $0x40, s19, s24, $0xb8;
	[tilespmem:$0x16260] =	vst v63  }
0xfc: {  	_ =	swait.ge [sflag:s8], $0x1400  }
0xfd: {  	[sflag:s8] =	ssyncset.done $0x0  }
0xfe: {  	s5 =	simm.s32 $0xE9C0;
	[sflag:s8] =	ssyncadd.s32 $0xFFFFEC00  }
0xff: {  	[spmem:s1] =	stream.indirect.scatter.add.f32 [tilespmem:s0], [sflag:$0xA], $0x40, s5, s24, $0xb8;
	[tilespmem:$0x16260] =	vst v63  }
0x100: {  	_ =	swait.ge [sflag:s15], $0x1400  }
0x101: {  	[sflag:s15] =	ssyncset.done $0x0  }
0x102: {  	s18 =	simm.s32 $0xEA10;
	[sflag:s15] =	ssyncadd.s32 $0xFFFFEC00  }
0x103: {  	[spmem:s1] =	stream.indirect.scatter.add.f32 [tilespmem:s9], [sflag:$0xB], $0x40, s18, s24, $0xb8;
	[tilespmem:$0x16260] =	vst v63  }
0x104: {  	_ =	swait.ge [sflag:s13], $0x1400  }
0x105: {  	[sflag:s13] =	ssyncset.done $0x0  }
0x106: {  	[sflag:s13] =	ssyncadd.s32 $0xFFFFEC00  }
0x107: {  	_ =	swait.ge [sflag:s29], $0x1400  }
0x108: {  	[sflag:s29] =	ssyncset.done $0x0  }
0x109: {  	[sflag:s29] =	ssyncadd.s32 $0xFFFFEC00  }
0x10a: {  	_ =	swait.ge [sflag:s12], $0x1400  }
0x10b: {  	[sflag:s12] =	ssyncset.done $0x0  }
0x10c: {  	[sflag:s12] =	ssyncadd.s32 $0xFFFFEC00  }
0x10d: {  	_ =	swait.ge [sflag:s10], $0x1400  }
0x10e: {  	[sflag:s10] =	ssyncset.done $0x0  }
0x10f: {  	[sflag:s10] =	ssyncadd.s32 $0xFFFFEC00  }
0x110: {  	_ =	swait.ge [sflag:s14], $0x1400  }
0x111: {  	[sflag:s14] =	ssyncset.done $0x0  }
0x112: {  	[sflag:s14] =	ssyncadd.s32 $0xFFFFEC00  }
0x113: {  	_ =	swait.ge [sflag:s2], $0x1400  }
0x114: {  	s3 =	sadd.s32 $0x1, s3;
	s19 =	stileid.u32;
	[sflag:s2] =	ssyncset.done $0x0  }
0x115: {  	p1 =	sne.s32 s3, s17;
	s6 =	sshll.u32 s19, $0x6;
	[sflag:s2] =	ssyncadd.s32 $0xFFFFEC00  }
.Ltmp4:
0x116: {  	s6 =	sor.u32 $0x1C0D, s6;
	[bflag:$0x0] =	sbarrier.arrive $0xFFFF;
	(pc) =	sbr.rel @p1 .LBB2_1-.Ltmp4, $4  }
0x117: {  	[hbm:s16], [sflag:s6] =	dma.local [spmem:s25], $0x1388  }
0x118: {  	_ =	swait.ge [sflag:s21], $0x1388  }
0x119: {  	[sflag:s21] =	ssyncset.done $0x0  }
0x11a: {  	[sflag:s21] =	ssyncadd.s32 $0xFFFFEC78  }
0x11b: {  	_ =	sfence.sel $0x180000  }
0x11c: {  	[bflag:$0x0] =	sbarrier.arrive $0xFFFF  }
0x11d: {  	_ =	strace $0x9000004A  }
0x11e: {  	s0 =	stileid.u32;
	[bflag:$0x2] =	sbarrier.arrive $0xFFFF  }
0x11f: {  	p0 =	sne.s32 s0, $0x0;
	s0 =	rddreg [dreg:$0x3]  }
0x120: {  	s0 =	sadd.s32 @!p0 $0x100000, s0  }
0x121: {  	[sflag:s0] =	ssyncadd.tile.s32 @!p0 $0x1;
	_ =	shalt  }
.Lfunc_end2:
_tile_overlayer_lowered:
.L_overlay_start_2:
0x122: {  	(tag) =	ssettag $0x2  }
0x123: {  	s0 =	rddreg [dreg:$0x0];
	s2 =	stileid.u32  }
0x124: {  	s1 =	rddreg [dreg:$0x1];
	p0 =	sne.s32 s2, $0x0  }
0x125: {  	s3 =	rddreg [dreg:$0x2];
	[bflag:$0x3] =	sbarrier.arrive $0xFFFF;
	s2 =	simm.s32 @!p0 $0x1C0D  }
0x126: {  	[timem:s3], [sflag:s2] =	dma.local @!p0 [hbm:s0], s1  }
0x127: {  	s0 =	simm.s32 @!p0 $0xD  }
0x128: {  	_ =	swait.ge @!p0 [sflag:s0], s1  }
0x129: {  	s1 =	ssub.s32 @!p0 $0x0, s1;
	[sflag:s0] =	ssyncset.done @!p0 $0x0  }
0x12a: {  	[sflag:s0] =	ssyncadd.s32 @!p0 s1  }
0x12b: {  	[bflag:$0x3] =	sbarrier.arrive $0xFFFF  }
0x12c: {  	_ =	shalt  }

// kernel: kernel.7.cloned.1.call-start
scs
__scs_entry_jumppad:
0x0: {  	(pc) =	sbr.rel $0x88, $3  }
0x1: {  	(tag) =	ssettag $0x0;
	lr =	simm.s32 $0x1  }
0x2: {  	[smem:$0x3F99] =	sst lr;
	_ =	strace $0xD0000000  }
0x3: {  	_ = 	snop  }
0x4: {  	_ = 	snop  }
0x5: {  	_ = 	snop  }
0x6: {  	_ = 	snop  }
0x7: {  	_ = 	snop  }
__scs_overlays_trampoline_lowered:
0x8: {  	[smem:$0x3FA8] =	sst s0  }
0x9: {  	[smem:$0x3FA9] =	sst s1  }
0xa: {  	[smem:$0x3FAA] =	sst s2  }
0xb: {  	[smem:$0x3FAB] =	sst s3  }
0xc: {  	[smem:$0x3FAC] =	sst s4  }
0xd: {  	[smem:$0x3FAD] =	sst s5  }
0xe: {  	[smem:$0x3FAE] =	sst s6  }
0xf: {  	[smem:$0x3FAF] =	sst s7  }
0x10: {  	[smem:$0x3FB0] =	sst s8  }
0x11: {  	[smem:$0x3FB1] =	sst s9;
	s0 =	simm.s32 @!p0 $0x0  }
0x12: {  	s1 =	sld [smem:$0x3F97];
	s0 =	simm.s32 @p0 $0x1  }
0x13: {  	[smem:$0x3FB2] =	sst s0;
	s0 =	simm.s32 @!p1 $0x0  }
0x14: {  	s2 =	sld [smem:$0x3F96];
	s0 =	simm.s32 @p1 $0x1  }
0x15: {  	[smem:$0x3FB3] =	sst s0;
	s0 =	simm.s32 @!p2 $0x0  }
0x16: {  	s3 =	sld [smem:$0x3FDB];
	s0 =	simm.s32 @p2 $0x1  }
0x17: {  	s4 =	simm.s32 $0x1BF5;
	[smem:$0x3FB5] =	sst s0  }
0x18: {  	s0 =	sld [smem:$0x3F98];
	_ =	swait.ge [sflag:s4], $0x0  }
0x19: {  	s7 =	sld [smem:$0x3F99]  }
0x1a: {  	s8 =	sadd.s32 $0xFFFFE003, lr  }
0x1b: {  	s9 =	sadd.s32 $0xFFFFFEF7, lr;
	s5 =	simm.s32 $0xFFFFFFFF;
	p2 =	slt.u32 s8, $0xFFFFF086  }
0x1c: {  	p1 =	slt.u32 s9, $0xF7A;
	s5 =	simm.s32 @!p2 $0x0  }
0x1d: {  	s5 =	simm.s32 @p1 $0x1;
	p0 =	seq.s32 s7, s2  }
0x1e: {  	s7 =	smul.u32 @!p0 $0xF7A, s2;
	p2 =	seq.s32 @!p0 s5, $0x0  }
0x1f: {  	s9 =	smul.u32 $0xF7A, s1;
	s8 =	simm.s32 @!p0 $0x1BF5;
	p2 =	por !p2, p0  }
0x20: {  	[sflag:s8] =	ssyncset.s32 @!p0 $0xFFFFF086;
	s6 =	sadd.s32 @!p0 s3, s7;
	s7 =	simm.s32 @!p0 $0x108  }
0x21: {  	s3 =	sadd.s32 s3, s9;
	s6 =	sadd.s32 @!p0 $0x88, s6;
	s7 =	simm.s32 @p2 $0x1082  }
0x22: {  	[simem:s7], [sflag:s8] =	dma.local @!p0 [hbm:s6], $0xF7A  }
0x23: {  	s9 =	sor.u32 $0xD0000000, s2;
	s6 =	simm.s32 $0x108;
	_ =	swait.ge @!p0 [sflag:s8], $0x0  }
0x24: {  	s3 =	sadd.s32 $0x88, s3;
	s6 =	simm.s32 @!p1 $0x1082;
	[sflag:s4] =	ssyncset.s32 $0xFFFFF086  }
0x25: {  	[simem:s6], [sflag:s4] =	dma.local [hbm:s3], $0xF7A  }
0x26: {  	[smem:$0x3F99] =	sst s1;
	(tag) =	ssettag s2;
	_ =	strace s9  }
0x27: {  	s1 =	sld [smem:$0x3FA9]  }
0x28: {  	s2 =	sld [smem:$0x3FAA]  }
0x29: {  	s4 =	sld [smem:$0x3FAC]  }
0x2a: {  	p0 =	seq.s32 s5, $0x0;
	s5 =	sld [smem:$0x3FAD]  }
0x2b: {  	s6 =	sld [smem:$0x3FAE]  }
0x2c: {  	s7 =	sld [smem:$0x3FAF]  }
0x2d: {  	s3 =	simm.s32 $0x108;
	s8 =	sld [smem:$0x3FB0]  }
0x2e: {  	s3 =	simm.s32 @!p0 $0x1082;
	s9 =	sld [smem:$0x3FB1]  }
0x2f: {  	lr =	sadd.s32 s0, s3;
	s0 =	sld [smem:$0x3FA8]  }
0x30: {  	s3 =	sld [smem:$0x3FAB]  }
0x31: {  	[smem:$0x3FB4] =	sst s10  }
0x32: {  	s10 =	sld [smem:$0x3FB2];
	_ =	sdelay $0x3  }
0x33: {  	p0 =	seq.s32 s10, $0x1;
	s10 =	sld [smem:$0x3FB4];
	_ =	sdelay $0x3  }
0x34: {  	[smem:$0x3FB4] =	sst s10  }
0x35: {  	s10 =	sld [smem:$0x3FB3];
	_ =	sdelay $0x3  }
0x36: {  	p1 =	seq.s32 s10, $0x1;
	s10 =	sld [smem:$0x3FB4];
	_ =	sdelay $0x3  }
0x37: {  	[smem:$0x3FB4] =	sst s10  }
0x38: {  	s10 =	sld [smem:$0x3FB5]  }
0x39: {  	_ = 	snop;
	(pc) =	sbr.ind lr, $3  }
0x3a: {  	_ = 	snop  }
0x3b: {  	_ = 	snop  }
0x3c: {  	p2 =	seq.s32 s10, $0x1;
	s10 =	sld [smem:$0x3FB4]  }
0x3d: {  	_ =	shalt  }
0x3e: {  	_ =	shalt  }
0x3f: {  	_ =	shalt  }
0x40: {  	_ =	shalt  }
0x41: {  	_ =	shalt  }
0x42: {  	_ =	shalt  }
0x43: {  	_ =	shalt  }
0x44: {  	_ =	shalt  }
0x45: {  	_ =	shalt  }
0x46: {  	_ =	shalt  }
0x47: {  	_ =	shalt  }
0x48: {  	_ =	shalt  }
0x49: {  	_ =	shalt  }
0x4a: {  	_ =	shalt  }
0x4b: {  	_ =	shalt  }
0x4c: {  	_ =	shalt  }
0x4d: {  	_ =	shalt  }
0x4e: {  	_ =	shalt  }
0x4f: {  	_ =	shalt  }
0x50: {  	_ =	shalt  }
0x51: {  	_ =	shalt  }
0x52: {  	_ =	shalt  }
0x53: {  	_ =	shalt  }
0x54: {  	_ =	shalt  }
0x55: {  	_ =	shalt  }
0x56: {  	_ =	shalt  }
0x57: {  	_ =	shalt  }
0x58: {  	_ =	shalt  }
0x59: {  	_ =	shalt  }
0x5a: {  	_ =	shalt  }
0x5b: {  	_ =	shalt  }
0x5c: {  	_ =	shalt  }
0x5d: {  	_ =	shalt  }
0x5e: {  	_ =	shalt  }
0x5f: {  	_ =	shalt  }
0x60: {  	_ =	shalt  }
0x61: {  	_ =	shalt  }
0x62: {  	_ =	shalt  }
0x63: {  	_ =	shalt  }
0x64: {  	_ =	shalt  }
0x65: {  	_ =	shalt  }
0x66: {  	_ =	shalt  }
0x67: {  	_ =	shalt  }
0x68: {  	_ =	shalt  }
0x69: {  	_ =	shalt  }
0x6a: {  	_ =	shalt  }
0x6b: {  	_ =	shalt  }
0x6c: {  	_ =	shalt  }
0x6d: {  	_ =	shalt  }
0x6e: {  	_ =	shalt  }
0x6f: {  	_ =	shalt  }
0x70: {  	_ =	shalt  }
0x71: {  	_ =	shalt  }
0x72: {  	_ =	shalt  }
0x73: {  	_ =	shalt  }
0x74: {  	_ =	shalt  }
0x75: {  	_ =	shalt  }
0x76: {  	_ =	shalt  }
0x77: {  	_ =	shalt  }
0x78: {  	_ =	shalt  }
0x79: {  	_ =	shalt  }
0x7a: {  	_ =	shalt  }
0x7b: {  	_ =	shalt  }
0x7c: {  	_ =	shalt  }
0x7d: {  	_ =	shalt  }
0x7e: {  	_ =	shalt  }
0x7f: {  	_ =	shalt  }
0x80: {  	_ =	shalt  }
0x81: {  	_ =	shalt  }
0x82: {  	_ =	shalt  }
0x83: {  	_ =	shalt  }
0x84: {  	_ =	shalt  }
0x85: {  	_ =	shalt  }
0x86: {  	_ =	shalt  }
0x87: {  	_ =	shalt  }
.Lfunc_end0:
.L_simem_size_0:
called_computation_lowered:
.L_overlay_start_0:
0x88: {  	s2 =	sld [smem:$0x3FD9]  }
0x89: {  	s3 =	sld [smem:$0x3FFE];
	_ =	sdelay $0x1  }
0x8a: {  	s1 =	srdreg.scid  }
0x8b: {  	s0 =	sand.u32 $0x1, s1  }
0x8c: {  	s17 =	sshll.u32 s0, $0xA;
	s2 =	sadd.s32 s3, s2  }
0x8d: {  	s2 =	sadd.s32 s2, s17  }
0x8e: {  	[smem:$0x3FC0] =	sst s2  }
0x8f: {  	_ = 	snop  }
0x90: {  	s2 =	sld [smem:$0x3FD0];
	(tm) =	ssettm $0x1  }
0x91: {  	s18 =	sld [smem:$0x3FFB];
	_ =	sdelay $0x3  }
0x92: {  	_ =	strace s18  }
0x93: {  	s3 =	sld [smem:$0x3FFC];
	_ =	sdelay $0x3  }
0x94: {  	_ =	strace s3  }
0x95: {  	s3 =	sld [smem:$0x3FFD];
	_ =	sdelay $0x3  }
0x96: {  	_ =	strace s3  }
0x97: {  	_ =	strace $0x8FFFFFFF  }
0x98: {  	s19 =	sld [smem:$0x3FDB];
	_ =	sdelay $0x1  }
0x99: {  	s4 =	simm.s32 $_scs_section_size  }
0x9a: {  	s5 =	simm.s32 $_size__tile_overlayer_lowered;
	s6 =	simm.s32 $_tile_overlayer_lowered  }
0x9b: {  	s22 =	simm.s32 $0x1BFF;
	s21 =	sshll.u32 s6, $0x1;
	s3 =	sadd.s32 s4, s19  }
0x9c: {  	s7 =	simm.s32 $0x0;
	s20 =	sshll.u32 s5, $0x1;
	s5 =	sadd.s32 s21, s3  }
0x9d: {  	[timem:s7], [sflag:s22] =	dma.local [hbm:s5], s20  }
0x9e: {  	_ =	swait.ge [sflag:s22], s20  }
0x9f: {  	s4 =	ssub.s32 $0x0, s20;
	[sflag:s22] =	ssyncset.done $0x0  }
0xa0: {  	[sflag:s22] =	ssyncadd.s32 s4;
	_ =	sdelay $0x1  }
0xa1: {  	s23 =	simm.s32 $0x1B8B  }
0xa2: {  	_ =	swait.ge [sflag:s23], $0x1  }
0xa3: {  	[sflag:s23] =	ssyncset.done $0x0  }
0xa4: {  	s25 =	simm.s32 $0x1B8E;
	s24 =	sld [smem:$0x3FFE];
	[sflag:s23] =	ssyncadd.s32 $0xFFFFFFFF  }
0xa5: {  	s26 =	simm.s32 $execute0_lowered;
	[smem:$0x3FD2] =	sst s25  }
0xa6: {  	s5 =	sshll.u32 s26, $0x1;
	_ =	strace $0x80000046;
	[dreg:$0x1] =	wrdreg $0xFFFFFFFF  }
0xa7: {  	s28 =	simm.s32 $_size_execute0_lowered;
	s3 =	sadd.s32 s3, s5;
	[dreg:$0x0] =	wrdreg $0x0  }
0xa8: {  	s5 =	sshll.u32 s28, $0x1;
	[dreg:$0x2] =	wrdreg s3  }
0xa9: {  	[dreg:$0x3] =	wrdreg s5  }
0xaa: {  	[dreg:$0x4] =	wrdreg $0xC0  }
0xab: {  	_ =	task [dreg:s7], $0x5FFFF  }
0xac: {  	[dreg:$0x1] =	wrdreg $0xFFFFFFFF  }
0xad: {  	[dreg:$0x0] =	wrdreg $0x60  }
0xae: {  	[dreg:$0x2] =	wrdreg s24  }
0xaf: {  	[dreg:$0x3] =	wrdreg s2  }
0xb0: {  	[dreg:$0x4] =	wrdreg $0x0  }
0xb1: {  	[dreg:$0x5] =	wrdreg $0x9  }
0xb2: {  	_ =	task.clear_ibuf [dreg:s7], $0x6FFFF;
	_ =	strace $0x90000046  }
0xb3: {  	s29 =	simm.s32 $0x9;
	_ =	strace $0x80000048  }
0xb4: {  	_ =	swait.ge [sflag:s29], $0x1  }
0xb5: {  	[sflag:s29] =	ssyncadd.s32 $0xFFFFFFFF  }
0xb6: {  	_ =	strace $0x90000048  }
0xb7: {  	_ =	sfence  }
0xb8: {  	s30 =	sld [smem:$0x0];
	_ =	sdelay $0x2  }
0xb9: {  	s31 =	sshll.u32 s1, $0xD;
	s1 =	sshrl.u32 s1, $0x2  }
0xba: {  	s3 =	sand.u32 $0x4000, s31;
	s1 =	sadd.s32 s1, s30  }
0xbb: {  	s0 =	sor.u32 s3, s0;
	s1 =	sshll.u32 s1, $0x11  }
0xbc: {  	s0 =	sor.u32 s1, s0  }
0xbd: {  	s0 =	sadd.s32 $0x8F2B, s0  }
0xbe: {  	[sflag:s0] =	ssyncadd.remote.s32 $0x1  }
0xbf: {  	_ =	sfence.sel $0xFFFF  }
0xc0: {  	[dreg:$0x0] =	wrdreg $0xFFFFFFFF;
	(pc) =	sbr.abs _section_cstart, $3  }
0xc1: {  	[dreg:$0x1] =	wrdreg $0xFFFFFFFF  }
0xc2: {  	_ =	task.clear_ibuf [dreg:s7], $0x2FFFF;
	_ =	strace $0x9FFFFFFF  }
0xc3: {  	(tm) =	ssettm $0x7FFFFFFF  }
tec
execute0_lowered:
.L_overlay_start_1:
0x0: {  	(tag) =	ssettag $0x1  }
0x1: {  	s0 =	rddreg [dreg:$0x0]  }
0x2: {  	s1 =	rddreg [dreg:$0x1]  }
0x3: {  	s2 =	rddreg [dreg:$0x2]  }
0x4: {  	s11 =	stileid.u32;
	s4 =	srdreg.scid;
	s3 =	simm.s32 $0x0  }
0x5: {  	s5 =	smul.u32 $0x13880, s11;
	s6 =	sand.u32 $0x1, s4;
	[smem:$0x7FF] =	sst s3  }
0x6: {  	s7 =	sshll.u32 s11, $0x1;
	s11 =	smul.u32 $0x4E200, s11;
	_ =	strace $0x80000047  }
0x7: {  	s7 =	sor.u32 s6, s7;
	s10 =	ssub.s32 $0x2, s6;
	s8 =	sshrl.u32 s5, $0x3  }
0x8: {  	s7 =	smul.u32 $0x2710, s7;
	s26 =	sshrl.u32 s10, $0x1;
	s8 =	sadd.s32 s8, s0  }
0x9: {  	s28 =	ssub.s32 s10, s26;
	s10 =	sshrl.u32 s11, $0x2;
	s12 =	sadd.s32 $0x29400, s8  }
0xa: {  	s7 =	sshrl.u32 s7, $0x3;
	s11 =	sadd.s32 s10, s2;
	[dreg:$0x7] =	wrdreg s12  }
0xb: {  	s7 =	sadd.s32 s1, s7;
	[dreg:$0x6] =	wrdreg s11  }
0xc: {  	s13 =	sadd.s32 $0x1400, s11;
	[dreg:$0x4] =	wrdreg s7  }
0xd: {  	s29 =	simm.s32 $0x15F90;
	s14 =	sadd.s32 $0x2800, s11;
	[dreg:$0x8] =	wrdreg s13  }
0xe: {  	s30 =	simm.s32 $0x186A0;
	s15 =	sadd.s32 $0x3C00, s11;
	[dreg:$0x9] =	wrdreg s14  }
0xf: {  	s31 =	simm.s32 $0xD;
	s16 =	sadd.s32 $0x5000, s11;
	[dreg:$0xa] =	wrdreg s15  }
0x10: {  	s4 =	smul.u32 $0x138800, s6;
	s17 =	sadd.s32 $0x6400, s11;
	[dreg:$0xb] =	wrdreg s16  }
0x11: {  	p0 =	seq.s32 s6, $0x1;
	s18 =	sadd.s32 $0x7800, s11;
	[dreg:$0xc] =	wrdreg s17  }
0x12: {  	s9 =	sadd.s32 s5, s4;
	s19 =	sadd.s32 $0x8C00, s11;
	[dreg:$0xd] =	wrdreg s18  }
0x13: {  	s4 =	sadd.s32 $0x2200, s0;
	s20 =	sadd.s32 $0xA000, s11;
	[dreg:$0xe] =	wrdreg s19  }
0x14: {  	s9 =	sshrl.u32 s9, $0x3;
	s21 =	sadd.s32 $0xB400, s11;
	[dreg:$0xf] =	wrdreg s20  }
0x15: {  	s10 =	simm.s32 $0x28;
	s22 =	sadd.s32 $0xC800, s11;
	[dreg:$0x10] =	wrdreg s21  }
0x16: {  	s8 =	simm.s32 $0x0;
	s23 =	sadd.s32 $0xDC00, s11;
	[dreg:$0x11] =	wrdreg s22  }
0x17: {  	s0 =	sadd.s32 s9, s0;
	s24 =	sadd.s32 $0xF000, s11;
	[dreg:$0x12] =	wrdreg s23  }
0x18: {  	s25 =	sadd.s32 $0x10400, s11;
	s26 =	sadd.s32 $0x11800, s11;
	[dreg:$0x13] =	wrdreg s24  }
0x19: {  	s9 =	simm.s32 $0x2;
	s12 =	simm.s32 $0x19AA0;
	[dreg:$0x14] =	wrdreg s25  }
0x1a: {  	s1 =	simm.s32 $0xC;
	s7 =	sadd.s32 $0x9C40, s7;
	[dreg:$0x15] =	wrdreg s26  }
0x1b: {  	s24 =	sadd.s32 $0x50600, s0;
	s25 =	smax.u32 s28, $0x1;
	s28 =	sadd.s32 $0x12C00, s11  }
0x1c: {  	s0 =	simm.s32 $0x1;
	s14 =	simm.s32 $0x1AEA0;
	s16 =	simm.s32 $0x1C2A0  }
.Ltmp0:
0x1d: {  	s18 =	simm.s32 $0x1D6A0;
	s20 =	simm.s32 $0x1EAA0;
	(pc) =	sbr.rel .LBB2_1-.Ltmp0, $4  }
0x1e: {  	s22 =	simm.s32 $0x7;
	s11 =	simm.s32 $0x3;
	s26 =	simm.s32 $0x8  }
0x1f: {  	s17 =	simm.s32 $0x4;
	s21 =	simm.s32 $0x9;
	s13 =	simm.s32 $0x5  }
0x20: {  	s19 =	simm.s32 $0xA;
	s15 =	simm.s32 $0x6;
	[dreg:$0x5] =	wrdreg s7  }
0x21: {  	v0 =	vimm.f32 $0.0e+00;
	s23 =	simm.s32 $0xB;
	s7 =	sadd.s32 s5, s2;
	[dreg:$0x16] =	wrdreg s28  }
.LBB2_9:
0x22: {  	_ =	swait.ge [sflag:s0], $0x1400  }
0x23: {  	[sflag:s0] =	ssyncset.done $0x0  }
0x24: {  	s5 =	simm.s32 $0x18600;
	[sflag:s0] =	ssyncadd.s32 $0xFFFFEC00  }
0x25: {  	[spmem:s2] =	stream.indirect.scatter.add.f32 [tilespmem:s30], [sflag:$0x7], $0x80, s5, s10, $0xb8;
	[tilespmem:$0x1FEA0] =	vst v63  }
0x26: {  	_ =	swait.ge [sflag:s9], $0x1400  }
0x27: {  	[sflag:s9] =	ssyncset.done $0x0  }
0x28: {  	s6 =	simm.s32 $0x18628;
	[sflag:s9] =	ssyncadd.s32 $0xFFFFEC00  }
0x29: {  	[spmem:s2] =	stream.indirect.scatter.add.f32 [tilespmem:s12], [sflag:$0x8], $0x80, s6, s10, $0xb8;
	[tilespmem:$0x1FEA0] =	vst v63  }
0x2a: {  	_ =	swait.ge [sflag:s11], $0x1400  }
0x2b: {  	[sflag:s11] =	ssyncset.done $0x0  }
0x2c: {  	s28 =	simm.s32 $0x18650;
	[sflag:s11] =	ssyncadd.s32 $0xFFFFEC00  }
0x2d: {  	[spmem:s2] =	stream.indirect.scatter.add.f32 [tilespmem:s14], [sflag:$0x9], $0x80, s28, s10, $0xb8;
	[tilespmem:$0x1FEA0] =	vst v63  }
0x2e: {  	_ =	swait.ge [sflag:s17], $0x1400  }
0x2f: {  	[sflag:s17] =	ssyncset.done $0x0  }
0x30: {  	s6 =	simm.s32 $0x18678;
	[sflag:s17] =	ssyncadd.s32 $0xFFFFEC00  }
0x31: {  	[spmem:s2] =	stream.indirect.scatter.add.f32 [tilespmem:s16], [sflag:$0xA], $0x80, s6, s10, $0xb8;
	[tilespmem:$0x1FEA0] =	vst v63  }
0x32: {  	_ =	swait.ge [sflag:s22], $0x1400  }
0x33: {  	[sflag:s22] =	ssyncset.done $0x0  }
0x34: {  	[sflag:s22] =	ssyncadd.s32 $0xFFFFEC00  }
0x35: {  	_ =	swait.ge [sflag:s26], $0x1400  }
0x36: {  	[sflag:s26] =	ssyncset.done $0x0  }
0x37: {  	[sflag:s26] =	ssyncadd.s32 $0xFFFFEC00  }
0x38: {  	_ =	swait.ge [sflag:s21], $0x1400  }
0x39: {  	[sflag:s21] =	ssyncset.done $0x0  }
0x3a: {  	[sflag:s21] =	ssyncadd.s32 $0xFFFFEC00  }
0x3b: {  	_ =	swait.ge [sflag:s19], $0x1400  }
0x3c: {  	[sflag:s19] =	ssyncset.done $0x0  }
0x3d: {  	[sflag:s19] =	ssyncadd.s32 $0xFFFFEC00  }
0x3e: {  	_ =	swait.ge [sflag:s23], $0x1400  }
0x3f: {  	[sflag:s23] =	ssyncset.done $0x0  }
0x40: {  	[sflag:s23] =	ssyncadd.s32 $0xFFFFEC00  }
0x41: {  	s28 =	stileid.u32;
	_ =	swait.ge [sflag:s1], $0x1400  }
0x42: {  	s8 =	sadd.s32 $0x1, s8;
	s5 =	sshll.u32 s28, $0x6;
	[sflag:s1] =	ssyncset.done $0x0  }
0x43: {  	p1 =	sne.s32 s8, s25;
	s5 =	sor.u32 $0x1C0D, s5;
	[sflag:s1] =	ssyncadd.s32 $0xFFFFEC00  }
.Ltmp1:
0x44: {  	s6 =	sshrl.u32 s7, $0x3;
	[bflag:$0x0] =	sbarrier.arrive $0xFFFF;
	(pc) =	sbr.rel @!p1 .LBB2_10-.Ltmp1, $4  }
0x45: {  	[hbm:s24], [sflag:s5] =	dma.local [spmem:s6], $0x2710  }
0x46: {  	_ =	swait.ge [sflag:s31], $0x2710  }
0x47: {  	[sflag:s31] =	ssyncset.done $0x0  }
0x48: {  	[sflag:s31] =	ssyncadd.s32 $0xFFFFD8F0  }
.LBB2_1:
.Ltmp2:
0x49: {  	(pc) =	sbr.rel @!p0 .LBB2_2-.Ltmp2, $4  }
0x4a: {  	s5 =	rddreg [dreg:$0x4];
	s6 =	simm.s32 $0x13880  }
0x4b: {  	[tilespmem:s6], [sflag:$0x1] =	stream.linear.gather [hbm4b:s5+s3], $0x2710, $0x38;
	[tilespmem:$0x1FEA0] =	vst v63  }
0x4c: {  	s28 =	rddreg [dreg:$0x5]  }
0x4d: {  	[tilespmem:s29], [sflag:$0x2] =	stream.linear.gather [hbm4b:s28+s3], $0x2710, $0x38;
	[tilespmem:$0x1FEA0] =	vst v63  }
0x4e: {  	s5 =	sshra.s32 s3, $0x2;
	s6 =	sadd.s32 $0x200, s3  }
.LBB2_4:
0x4f: {  	p1 =	sne.s32 s6, $0x4E00;
	[tilespmem:s5+$0x18710] =	vst v0  }
0x50: {  	[tilespmem:s5+$0x186A0] =	vst v0  }
0x51: {  	[tilespmem:s5+$0x186B0] =	vst v0  }
.Ltmp3:
0x52: {  	[tilespmem:s5+$0x186C0] =	vst v0;
	(pc) =	sbr.rel @p1 .LBB2_4-.Ltmp3, $4  }
0x53: {  	[tilespmem:s5+$0x186D0] =	vst v0  }
0x54: {  	[tilespmem:s5+$0x186E0] =	vst v0  }
0x55: {  	[tilespmem:s5+$0x186F0] =	vst v0  }
0x56: {  	[tilespmem:s5+$0x18700] =	vst v0;
	s5 =	sshra.s32 s6, $0x2;
	s6 =	sadd.s32 $0x200, s6  }
0x57: {  	[tilespmem:s5+$0x18710] =	vst v0  }
0x58: {  	[tilespmem:s5+$0x186A0] =	vst v0  }
0x59: {  	[tilespmem:s5+$0x186B0] =	vst v0  }
0x5a: {  	[tilespmem:s5+$0x186C0] =	vst v0  }
0x5b: {  	[tilespmem:s5+$0x186D0] =	vst v0  }
0x5c: {  	[tilespmem:s5+$0x186E0] =	vst v0  }
0x5d: {  	[tilespmem:s5+$0x186F0] =	vst v0  }
0x5e: {  	[tilespmem:s5+$0x18700] =	vst v0;
	s6 =	rddreg [dreg:$0x6]  }
0x5f: {  	[spmem:s6] =	stream.linear.scatter [tilespmem:s30], [sflag:$0xD], $0x1400, $0x38;
	[tilespmem:$0x1FEA0] =	vst v63  }
0x60: {  	_ =	swait.ge [sflag:s31], $0x1400  }
0x61: {  	[sflag:s31] =	ssyncset.done $0x0  }
0x62: {  	s28 =	rddreg [dreg:$0x8];
	[sflag:s31] =	ssyncadd.s32 $0xFFFFEC00  }
0x63: {  	[spmem:s28] =	stream.linear.scatter [tilespmem:s30], [sflag:$0xD], $0x1400, $0x38;
	[tilespmem:$0x1FEA0] =	vst v63  }
0x64: {  	_ =	swait.ge [sflag:s31], $0x1400  }
0x65: {  	[sflag:s31] =	ssyncset.done $0x0  }
0x66: {  	s6 =	rddreg [dreg:$0x9];
	[sflag:s31] =	ssyncadd.s32 $0xFFFFEC00  }
0x67: {  	[spmem:s6] =	stream.linear.scatter [tilespmem:s30], [sflag:$0xD], $0x1400, $0x38;
	[tilespmem:$0x1FEA0] =	vst v63  }
0x68: {  	_ =	swait.ge [sflag:s31], $0x1400  }
0x69: {  	[sflag:s31] =	ssyncset.done $0x0  }
0x6a: {  	s28 =	rddreg [dreg:$0xa];
	[sflag:s31] =	ssyncadd.s32 $0xFFFFEC00  }
0x6b: {  	[spmem:s28] =	stream.linear.scatter [tilespmem:s30], [sflag:$0xD], $0x1400, $0x38;
	[tilespmem:$0x1FEA0] =	vst v63  }
0x6c: {  	_ =	swait.ge [sflag:s31], $0x1400  }
0x6d: {  	[sflag:s31] =	ssyncset.done $0x0  }
0x6e: {  	s6 =	rddreg [dreg:$0xb];
	[sflag:s31] =	ssyncadd.s32 $0xFFFFEC00  }
0x6f: {  	[spmem:s6] =	stream.linear.scatter [tilespmem:s30], [sflag:$0xD], $0x1400, $0x38;
	[tilespmem:$0x1FEA0] =	vst v63  }
0x70: {  	_ =	swait.ge [sflag:s31], $0x1400  }
0x71: {  	[sflag:s31] =	ssyncset.done $0x0  }
0x72: {  	s28 =	rddreg [dreg:$0xc];
	[sflag:s31] =	ssyncadd.s32 $0xFFFFEC00  }
0x73: {  	[spmem:s28] =	stream.linear.scatter [tilespmem:s30], [sflag:$0xD], $0x1400, $0x38;
	[tilespmem:$0x1FEA0] =	vst v63  }
0x74: {  	_ =	swait.ge [sflag:s31], $0x1400  }
0x75: {  	[sflag:s31] =	ssyncset.done $0x0  }
0x76: {  	s6 =	rddreg [dreg:$0xd];
	[sflag:s31] =	ssyncadd.s32 $0xFFFFEC00  }
0x77: {  	[spmem:s6] =	stream.linear.scatter [tilespmem:s30], [sflag:$0xD], $0x1400, $0x38;
	[tilespmem:$0x1FEA0] =	vst v63  }
0x78: {  	_ =	swait.ge [sflag:s31], $0x1400  }
0x79: {  	[sflag:s31] =	ssyncset.done $0x0  }
0x7a: {  	s28 =	rddreg [dreg:$0xe];
	[sflag:s31] =	ssyncadd.s32 $0xFFFFEC00  }
0x7b: {  	[spmem:s28] =	stream.linear.scatter [tilespmem:s30], [sflag:$0xD], $0x1400, $0x38;
	[tilespmem:$0x1FEA0] =	vst v63  }
0x7c: {  	_ =	swait.ge [sflag:s31], $0x1400  }
0x7d: {  	[sflag:s31] =	ssyncset.done $0x0  }
0x7e: {  	s6 =	rddreg [dreg:$0xf];
	[sflag:s31] =	ssyncadd.s32 $0xFFFFEC00  }
0x7f: {  	[spmem:s6] =	stream.linear.scatter [tilespmem:s30], [sflag:$0xD], $0x1400, $0x38;
	[tilespmem:$0x1FEA0] =	vst v63  }
0x80: {  	_ =	swait.ge [sflag:s31], $0x1400  }
0x81: {  	[sflag:s31] =	ssyncset.done $0x0  }
0x82: {  	s28 =	rddreg [dreg:$0x10];
	[sflag:s31] =	ssyncadd.s32 $0xFFFFEC00  }
0x83: {  	[spmem:s28] =	stream.linear.scatter [tilespmem:s30], [sflag:$0xD], $0x1400, $0x38;
	[tilespmem:$0x1FEA0] =	vst v63  }
0x84: {  	_ =	swait.ge [sflag:s31], $0x1400  }
0x85: {  	[sflag:s31] =	ssyncset.done $0x0  }
0x86: {  	s6 =	rddreg [dreg:$0x11];
	[sflag:s31] =	ssyncadd.s32 $0xFFFFEC00  }
0x87: {  	[spmem:s6] =	stream.linear.scatter [tilespmem:s30], [sflag:$0xD], $0x1400, $0x38;
	[tilespmem:$0x1FEA0] =	vst v63  }
0x88: {  	_ =	swait.ge [sflag:s31], $0x1400  }
0x89: {  	[sflag:s31] =	ssyncset.done $0x0  }
0x8a: {  	s28 =	rddreg [dreg:$0x12];
	[sflag:s31] =	ssyncadd.s32 $0xFFFFEC00  }
0x8b: {  	[spmem:s28] =	stream.linear.scatter [tilespmem:s30], [sflag:$0xD], $0x1400, $0x38;
	[tilespmem:$0x1FEA0] =	vst v63  }
0x8c: {  	_ =	swait.ge [sflag:s31], $0x1400  }
0x8d: {  	[sflag:s31] =	ssyncset.done $0x0  }
0x8e: {  	s6 =	rddreg [dreg:$0x13];
	[sflag:s31] =	ssyncadd.s32 $0xFFFFEC00  }
0x8f: {  	[spmem:s6] =	stream.linear.scatter [tilespmem:s30], [sflag:$0xD], $0x1400, $0x38;
	[tilespmem:$0x1FEA0] =	vst v63  }
0x90: {  	_ =	swait.ge [sflag:s31], $0x1400  }
0x91: {  	[sflag:s31] =	ssyncset.done $0x0  }
0x92: {  	s28 =	rddreg [dreg:$0x14];
	[sflag:s31] =	ssyncadd.s32 $0xFFFFEC00  }
0x93: {  	[spmem:s28] =	stream.linear.scatter [tilespmem:s30], [sflag:$0xD], $0x1400, $0x38;
	[tilespmem:$0x1FEA0] =	vst v63  }
0x94: {  	_ =	swait.ge [sflag:s31], $0x1400  }
0x95: {  	[sflag:s31] =	ssyncset.done $0x0  }
0x96: {  	s6 =	rddreg [dreg:$0x15];
	[sflag:s31] =	ssyncadd.s32 $0xFFFFEC00  }
0x97: {  	[spmem:s6] =	stream.linear.scatter [tilespmem:s30], [sflag:$0xD], $0x1400, $0x38;
	[tilespmem:$0x1FEA0] =	vst v63  }
0x98: {  	_ =	swait.ge [sflag:s31], $0x1400  }
0x99: {  	[sflag:s31] =	ssyncset.done $0x0  }
.Ltmp4:
0x9a: {  	s28 =	rddreg [dreg:$0x16];
	[sflag:s31] =	ssyncadd.s32 $0xFFFFEC00;
	(pc) =	sbr.rel .LBB2_6-.Ltmp4, $4  }
0x9b: {  	[spmem:s28] =	stream.linear.scatter [tilespmem:s30], [sflag:$0xD], $0xC80, $0x38;
	[tilespmem:$0x1FEA0] =	vst v63  }
0x9c: {  	_ =	swait.ge [sflag:s31], $0xC80  }
0x9d: {  	[sflag:s31] =	ssyncset.done $0x0  }
0x9e: {  	[sflag:s31] =	ssyncadd.s32 $0xFFFFF380  }
.LBB2_2:
0x9f: {  	s5 =	stileid.u32  }
0xa0: {  	s5 =	sshll.u32 s5, $0x6  }
0xa1: {  	s6 =	sshrl.u32 s7, $0x3;
	s28 =	rddreg [dreg:$0x7];
	s5 =	sor.u32 $0x1C0D, s5  }
0xa2: {  	[spmem:s6], [sflag:s5] =	dma.local [hbm:s28], $0x2710  }
0xa3: {  	_ =	swait.ge [sflag:s31], $0x2710  }
0xa4: {  	[sflag:s31] =	ssyncset.done $0x0  }
0xa5: {  	[sflag:s31] =	ssyncadd.s32 $0xFFFFD8F0  }
.LBB2_6:
0xa6: {  	_ =	swait.ge [sflag:s0], $0x2710  }
0xa7: {  	[sflag:s0] =	ssyncset.done $0x0  }
0xa8: {  	[sflag:s0] =	ssyncadd.s32 $0xFFFFD8F0  }
0xa9: {  	_ =	swait.ge [sflag:s9], $0x2710  }
0xaa: {  	[sflag:s9] =	ssyncset.done $0x0  }
0xab: {  	s5 =	simm.s32 $0x13880;
	[sflag:s9] =	ssyncadd.s32 $0xFFFFD8F0  }
0xac: {  	[tilespmem:s30], [sflag:$0x1] =	stream.indirect.gather [hbm4b:s4+s10], $0x80, s5, s10, $0xb8;
	[tilespmem:$0x1FEA0] =	vst v63  }
0xad: {  	s28 =	simm.s32 $0x138A8  }
0xae: {  	[tilespmem:s12], [sflag:$0x2] =	stream.indirect.gather [hbm4b:s4+s10], $0x80, s28, s10, $0xb8;
	[tilespmem:$0x1FEA0] =	vst v63  }
0xaf: {  	s6 =	simm.s32 $0x138D0  }
0xb0: {  	[tilespmem:s14], [sflag:$0x3] =	stream.indirect.gather [hbm4b:s4+s10], $0x80, s6, s10, $0xb8;
	[tilespmem:$0x1FEA0] =	vst v63  }
0xb1: {  	s28 =	simm.s32 $0x138F8  }
0xb2: {  	[tilespmem:s16], [sflag:$0x4] =	stream.indirect.gather [hbm4b:s4+s10], $0x80, s28, s10, $0xb8;
	[tilespmem:$0x1FEA0] =	vst v63  }
0xb3: {  	s6 =	simm.s32 $0x13920  }
0xb4: {  	[tilespmem:s18], [sflag:$0x5] =	stream.indirect.gather [hbm4b:s4+s10], $0x80, s6, s10, $0xb8;
	[tilespmem:$0x1FEA0] =	vst v63  }
0xb5: {  	[bflag:$0x0] =	sbarrier.arrive $0xFFFF  }
0xb6: {  	_ =	swait.ge [sflag:s0], $0x1400  }
0xb7: {  	[sflag:s0] =	ssyncset.done $0x0  }
0xb8: {  	[sflag:s0] =	ssyncadd.s32 $0xFFFFEC00  }
0xb9: {  	[spmem:s2] =	stream.indirect.scatter.add.f32 [tilespmem:s30], [sflag:$0x7], $0x80, s29, s10, $0xb8;
	[tilespmem:$0x1FEA0] =	vst v63  }
0xba: {  	s28 =	simm.s32 $0x13948  }
0xbb: {  	[tilespmem:s20], [sflag:$0x6] =	stream.indirect.gather [hbm4b:s4+s10], $0x80, s28, s10, $0xb8;
	[tilespmem:$0x1FEA0] =	vst v63  }
0xbc: {  	_ =	swait.ge [sflag:s9], $0x1400  }
0xbd: {  	[sflag:s9] =	ssyncset.done $0x0  }
0xbe: {  	s6 =	simm.s32 $0x15FB8;
	[sflag:s9] =	ssyncadd.s32 $0xFFFFEC00  }
0xbf: {  	[spmem:s2] =	stream.indirect.scatter.add.f32 [tilespmem:s12], [sflag:$0x8], $0x80, s6, s10, $0xb8;
	[tilespmem:$0x1FEA0] =	vst v63  }
0xc0: {  	_ =	swait.ge [sflag:s22], $0x1400  }
0xc1: {  	[sflag:s22] =	ssyncset.done $0x0  }
0xc2: {  	s28 =	simm.s32 $0x13970;
	[sflag:s22] =	ssyncadd.s32 $0xFFFFEC00  }
0xc3: {  	[tilespmem:s30], [sflag:$0x1] =	stream.indirect.gather [hbm4b:s4+s10], $0x80, s28, s10, $0xb8;
	[tilespmem:$0x1FEA0] =	vst v63  }
0xc4: {  	_ =	swait.ge [sflag:s11], $0x1400  }
0xc5: {  	[sflag:s11] =	ssyncset.done $0x0  }
0xc6: {  	s6 =	simm.s32 $0x15FE0;
	[sflag:s11] =	ssyncadd.s32 $0xFFFFEC00  }
0xc7: {  	[spmem:s2] =	stream.indirect.scatter.add.f32 [tilespmem:s14], [sflag:$0x9], $0x80, s6, s10, $0xb8;
	[tilespmem:$0x1FEA0] =	vst v63  }
0xc8: {  	_ =	swait.ge [sflag:s26], $0x1400  }
0xc9: {  	[sflag:s26] =	ssyncset.done $0x0  }
0xca: {  	s28 =	simm.s32 $0x13998;
	[sflag:s26] =	ssyncadd.s32 $0xFFFFEC00  }
0xcb: {  	[tilespmem:s12], [sflag:$0x2] =	stream.indirect.gather [hbm4b:s4+s10], $0x80, s28, s10, $0xb8;
	[tilespmem:$0x1FEA0] =	vst v63  }
0xcc: {  	_ =	swait.ge [sflag:s17], $0x1400  }
0xcd: {  	[sflag:s17] =	ssyncset.done $0x0  }
0xce: {  	s6 =	simm.s32 $0x16008;
	[sflag:s17] =	ssyncadd.s32 $0xFFFFEC00  }
0xcf: {  	[spmem:s2] =	stream.indirect.scatter.add.f32 [tilespmem:s16], [sflag:$0xA], $0x80, s6, s10, $0xb8;
	[tilespmem:$0x1FEA0] =	vst v63  }
0xd0: {  	_ =	swait.ge [sflag:s21], $0x1400  }
0xd1: {  	[sflag:s21] =	ssyncset.done $0x0  }
0xd2: {  	s28 =	simm.s32 $0x139C0;
	[sflag:s21] =	ssyncadd.s32 $0xFFFFEC00  }
0xd3: {  	[tilespmem:s14], [sflag:$0x3] =	stream.indirect.gather [hbm4b:s4+s10], $0x80, s28, s10, $0xb8;
	[tilespmem:$0x1FEA0] =	vst v63  }
0xd4: {  	_ =	swait.ge [sflag:s13], $0x1400  }
0xd5: {  	[sflag:s13] =	ssyncset.done $0x0  }
0xd6: {  	s6 =	simm.s32 $0x16030;
	[sflag:s13] =	ssyncadd.s32 $0xFFFFEC00  }
0xd7: {  	[spmem:s2] =	stream.indirect.scatter.add.f32 [tilespmem:s18], [sflag:$0xB], $0x80, s6, s10, $0xb8;
	[tilespmem:$0x1FEA0] =	vst v63  }
0xd8: {  	_ =	swait.ge [sflag:s19], $0x1400  }
0xd9: {  	[sflag:s19] =	ssyncset.done $0x0  }
0xda: {  	s28 =	simm.s32 $0x139E8;
	[sflag:s19] =	ssyncadd.s32 $0xFFFFEC00  }
0xdb: {  	[tilespmem:s16], [sflag:$0x4] =	stream.indirect.gather [hbm4b:s4+s10], $0x80, s28, s10, $0xb8;
	[tilespmem:$0x1FEA0] =	vst v63  }
0xdc: {  	_ =	swait.ge [sflag:s15], $0x1400  }
0xdd: {  	[sflag:s15] =	ssyncset.done $0x0  }
0xde: {  	s6 =	simm.s32 $0x16058;
	[sflag:s15] =	ssyncadd.s32 $0xFFFFEC00  }
0xdf: {  	[spmem:s2] =	stream.indirect.scatter.add.f32 [tilespmem:s20], [sflag:$0xC], $0x80, s6, s10, $0xb8;
	[tilespmem:$0x1FEA0] =	vst v63  }
0xe0: {  	_ =	swait.ge [sflag:s23], $0x1400  }
0xe1: {  	[sflag:s23] =	ssyncset.done $0x0  }
0xe2: {  	s28 =	simm.s32 $0x13A10;
	s6 =	simm.s32 $0x0;
	[sflag:s23] =	ssyncadd.s32 $0xFFFFEC00  }
0xe3: {  	[tilespmem:s18], [sflag:$0x5] =	stream.indirect.gather [hbm4b:s4+s10], $0x80, s28, s10, $0xb8;
	[tilespmem:$0x1FEA0] =	vst v63  }
.LBB2_7:
0xe4: {  	_ =	swait.ge [sflag:s0], $0x1400  }
0xe5: {  	s5 =	sshra.s32 s6, $0x2;
	[sflag:s0] =	ssyncset.done $0x0  }
0xe6: {  	s28 =	sadd.s32 $0x16080, s5;
	[sflag:s0] =	ssyncadd.s32 $0xFFFFEC00  }
0xe7: {  	[spmem:s2] =	stream.indirect.scatter.add.f32 [tilespmem:s30], [sflag:$0x7], $0x80, s28, s10, $0xb8;
	[tilespmem:$0x1FEA0] =	vst v63  }
0xe8: {  	_ =	swait.ge [sflag:s1], $0x1400  }
0xe9: {  	[sflag:s1] =	ssyncset.done $0x0  }
0xea: {  	s28 =	sadd.s32 $0x13A38, s5;
	[sflag:s1] =	ssyncadd.s32 $0xFFFFEC00  }
0xeb: {  	[tilespmem:s20], [sflag:$0x6] =	stream.indirect.gather [hbm4b:s4+s10], $0x80, s28, s10, $0xb8;
	[tilespmem:$0x1FEA0] =	vst v63  }
0xec: {  	_ =	swait.ge [sflag:s9], $0x1400  }
0xed: {  	[sflag:s9] =	ssyncset.done $0x0  }
0xee: {  	s28 =	sadd.s32 $0x160A8, s5;
	[sflag:s9] =	ssyncadd.s32 $0xFFFFEC00  }
0xef: {  	[spmem:s2] =	stream.indirect.scatter.add.f32 [tilespmem:s12], [sflag:$0x8], $0x80, s28, s10, $0xb8;
	[tilespmem:$0x1FEA0] =	vst v63  }
0xf0: {  	_ =	swait.ge [sflag:s22], $0x1400  }
0xf1: {  	[sflag:s22] =	ssyncset.done $0x0  }
0xf2: {  	s28 =	sadd.s32 $0x13A60, s5;
	[sflag:s22] =	ssyncadd.s32 $0xFFFFEC00  }
0xf3: {  	[tilespmem:s30], [sflag:$0x1] =	stream.indirect.gather [hbm4b:s4+s10], $0x80, s28, s10, $0xb8;
	[tilespmem:$0x1FEA0] =	vst v63  }
0xf4: {  	_ =	swait.ge [sflag:s11], $0x1400  }
0xf5: {  	[sflag:s11] =	ssyncset.done $0x0  }
0xf6: {  	s28 =	sadd.s32 $0x160D0, s5;
	[sflag:s11] =	ssyncadd.s32 $0xFFFFEC00  }
0xf7: {  	[spmem:s2] =	stream.indirect.scatter.add.f32 [tilespmem:s14], [sflag:$0x9], $0x80, s28, s10, $0xb8;
	[tilespmem:$0x1FEA0] =	vst v63  }
0xf8: {  	_ =	swait.ge [sflag:s26], $0x1400  }
0xf9: {  	[sflag:s26] =	ssyncset.done $0x0  }
0xfa: {  	s28 =	sadd.s32 $0x13A88, s5;
	[sflag:s26] =	ssyncadd.s32 $0xFFFFEC00  }
0xfb: {  	[tilespmem:s12], [sflag:$0x2] =	stream.indirect.gather [hbm4b:s4+s10], $0x80, s28, s10, $0xb8;
	[tilespmem:$0x1FEA0] =	vst v63  }
0xfc: {  	_ =	swait.ge [sflag:s17], $0x1400  }
0xfd: {  	[sflag:s17] =	ssyncset.done $0x0  }
0xfe: {  	s28 =	sadd.s32 $0x160F8, s5;
	[sflag:s17] =	ssyncadd.s32 $0xFFFFEC00  }
0xff: {  	[spmem:s2] =	stream.indirect.scatter.add.f32 [tilespmem:s16], [sflag:$0xA], $0x80, s28, s10, $0xb8;
	[tilespmem:$0x1FEA0] =	vst v63  }
0x100: {  	_ =	swait.ge [sflag:s21], $0x1400  }
0x101: {  	[sflag:s21] =	ssyncset.done $0x0  }
0x102: {  	s28 =	sadd.s32 $0x13AB0, s5;
	[sflag:s21] =	ssyncadd.s32 $0xFFFFEC00  }
0x103: {  	[tilespmem:s14], [sflag:$0x3] =	stream.indirect.gather [hbm4b:s4+s10], $0x80, s28, s10, $0xb8;
	[tilespmem:$0x1FEA0] =	vst v63  }
0x104: {  	_ =	swait.ge [sflag:s13], $0x1400  }
0x105: {  	[sflag:s13] =	ssyncset.done $0x0  }
0x106: {  	s28 =	sadd.s32 $0x16120, s5;
	[sflag:s13] =	ssyncadd.s32 $0xFFFFEC00  }
0x107: {  	[spmem:s2] =	stream.indirect.scatter.add.f32 [tilespmem:s18], [sflag:$0xB], $0x80, s28, s10, $0xb8;
	[tilespmem:$0x1FEA0] =	vst v63  }
0x108: {  	_ =	swait.ge [sflag:s19], $0x1400  }
0x109: {  	[sflag:s19] =	ssyncset.done $0x0  }
0x10a: {  	p1 =	seq.s32 s6, $0x9240;
	s28 =	sadd.s32 $0x13AD8, s5;
	[sflag:s19] =	ssyncadd.s32 $0xFFFFEC00  }
0x10b: {  	[tilespmem:s16], [sflag:$0x4] =	stream.indirect.gather [hbm4b:s4+s10], $0x80, s28, s10, $0xb8;
	[tilespmem:$0x1FEA0] =	vst v63  }
.Ltmp5:
0x10c: {  	_ = 	snop;
	(pc) =	sbr.rel @p1 .LBB2_9-.Ltmp5, $4  }
0x10d: {  	_ =	swait.ge [sflag:s15], $0x1400  }
0x10e: {  	[sflag:s15] =	ssyncset.done $0x0  }
0x10f: {  	s28 =	sadd.s32 $0x16148, s5;
	[sflag:s15] =	ssyncadd.s32 $0xFFFFEC00  }
0x110: {  	[spmem:s2] =	stream.indirect.scatter.add.f32 [tilespmem:s20], [sflag:$0xC], $0x80, s28, s10, $0xb8;
	[tilespmem:$0x1FEA0] =	vst v63  }
.Ltmp6:
0x111: {  	(pc) =	sbr.rel .LBB2_7-.Ltmp6, $4  }
0x112: {  	_ =	swait.ge [sflag:s23], $0x1400  }
0x113: {  	[sflag:s23] =	ssyncset.done $0x0  }
0x114: {  	s5 =	sadd.s32 $0x13B00, s5;
	s6 =	sadd.s32 $0x3C0, s6;
	[sflag:s23] =	ssyncadd.s32 $0xFFFFEC00  }
0x115: {  	[tilespmem:s18], [sflag:$0x5] =	stream.indirect.gather [hbm4b:s4+s10], $0x80, s5, s10, $0xb8;
	[tilespmem:$0x1FEA0] =	vst v63  }
.LBB2_10:
0x116: {  	_ =	sfence.sel $0x180000  }
0x117: {  	[bflag:$0x0] =	sbarrier.arrive $0xFFFF  }
0x118: {  	_ =	strace $0x90000047  }
0x119: {  	s0 =	stileid.u32;
	[bflag:$0x2] =	sbarrier.arrive $0xFFFF  }
0x11a: {  	p0 =	sne.s32 s0, $0x0;
	s0 =	rddreg [dreg:$0x3]  }
0x11b: {  	s0 =	sadd.s32 @!p0 $0x100000, s0  }
0x11c: {  	[sflag:s0] =	ssyncadd.tile.s32 @!p0 $0x1;
	_ =	shalt  }
.Lfunc_end2:
_tile_overlayer_lowered:
.L_overlay_start_2:
0x11d: {  	(tag) =	ssettag $0x2  }
0x11e: {  	s0 =	rddreg [dreg:$0x0];
	s2 =	stileid.u32  }
0x11f: {  	s1 =	rddreg [dreg:$0x1];
	p0 =	sne.s32 s2, $0x0  }
0x120: {  	s3 =	rddreg [dreg:$0x2];
	[bflag:$0x3] =	sbarrier.arrive $0xFFFF;
	s2 =	simm.s32 @!p0 $0x1C0D  }
0x121: {  	[timem:s3], [sflag:s2] =	dma.local @!p0 [hbm:s0], s1  }
0x122: {  	s0 =	simm.s32 @!p0 $0xD  }
0x123: {  	_ =	swait.ge @!p0 [sflag:s0], s1  }
0x124: {  	s1 =	ssub.s32 @!p0 $0x0, s1;
	[sflag:s0] =	ssyncset.done @!p0 $0x0  }
0x125: {  	[sflag:s0] =	ssyncadd.s32 @!p0 s1  }
0x126: {  	[bflag:$0x3] =	sbarrier.arrive $0xFFFF  }
0x127: {  	_ =	shalt  }

</sc_bundles>
